<compile_context>
chip_gen: v7x
topology: tpu7x:2x2x1
jax: 0.10.2.dev20260603
libtpu: 0.0.44.dev20260713+nightly
codegen_flags: <defaults>
</compile_context>

<pallas_src>
import functools

import jax
import jax.numpy as jnp
from jax import lax
from jax.experimental import pallas as pl
from jax.experimental.pallas import tpu as pltpu
from jax.experimental.pallas import tpu_sc as plsc

_GRID = 16.0
_NUM_NEG = 16
_SOS_NEG = 8
_MARGIN = 1.0
_BIG = 1e30


def _floor16(x):
    t = x.astype(jnp.int32).astype(jnp.float32)
    return jnp.where(t > x, t - 1.0, t)


def _sc_sample_kernel(table_hbm, xs_hbm, ys_hbm, xyrep_hbm, out_hbm,
                      xv, yv, xyrv, idxv, rows, outv, sem):
    wid = lax.axis_index("s") * 2 + lax.axis_index("c")
    start = wid * 32
    c1 = pltpu.async_copy(xs_hbm.at[pl.ds(start, 32)], xv, sem)
    c2 = pltpu.async_copy(ys_hbm.at[pl.ds(start, 32)], yv, sem)
    c3 = pltpu.async_copy(xyrep_hbm.at[pl.ds(start, 32)], xyrv, sem)
    c1.wait()
    c2.wait()
    c3.wait()
    lanes = lax.iota(jnp.int32, 16)
    for g in range(2):
        x = xv[pl.ds(g * 16, 16)]
        y = yv[pl.ds(g * 16, 16)]
        gid = lanes + (start + g * 16)
        bofs = lax.shift_left(lax.shift_right_logical(gid, 8), 10)
        bx = x * (1.0 / _GRID) - 0.5
        by = y * (1.0 / _GRID) - 0.5
        x0 = _floor16(bx)
        y0 = _floor16(by)
        x0c = jnp.clip(x0, 0.0, 31.0)
        x1c = jnp.clip(x0 + 1.0, 0.0, 31.0)
        y0c = jnp.clip(y0, 0.0, 31.0)
        y1c = jnp.clip(y0 + 1.0, 0.0, 31.0)
        cids = (y0c * 32.0 + x0c, y0c * 32.0 + x1c,
                y1c * 32.0 + x0c, y1c * 32.0 + x1c)
        for t, cid in enumerate(cids):
            idxv[pl.ds(t * 32 + g * 16, 16)] = bofs + cid.astype(jnp.int32)
    pltpu.async_copy(table_hbm.at[idxv], rows, sem).wait()

    def body(p, carry):
        bx = xyrv[p, pl.ds(0, 16)] * (1.0 / _GRID) - 0.5
        by = xyrv[p, pl.ds(16, 16)] * (1.0 / _GRID) - 0.5
        x0 = _floor16(bx)
        y0 = _floor16(by)
        fx = bx - x0
        fy = by - y0
        w00 = (1.0 - fy) * (1.0 - fx)
        w01 = (1.0 - fy) * fx
        w10 = fy * (1.0 - fx)
        w11 = fy * fx
        for j in range(16):
            s = pl.ds(j * 16, 16)
            acc = (w00 * rows[p, s] + w01 * rows[p + 32, s]
                   + w10 * rows[p + 64, s] + w11 * rows[p + 96, s])
            outv[p, s] = acc
        return carry

    lax.fori_loop(0, 32, body, 0)
    pltpu.sync_copy(outv, out_hbm.at[pl.ds(start, 32)])


def _sc_sample(table, xs, ys):
    bn, c = xs.shape[0], table.shape[1]
    xyrep = jnp.concatenate(
        [jnp.broadcast_to(xs[:, None], (bn, 16)),
         jnp.broadcast_to(ys[:, None], (bn, 16))], axis=1)
    mesh = plsc.VectorSubcoreMesh(core_axis_name="c", subcore_axis_name="s")
    f = functools.partial(
        pl.kernel, mesh=mesh,
        out_type=jax.ShapeDtypeStruct((bn, c), jnp.float32),
        scratch_types=[
            pltpu.VMEM((32,), jnp.float32),
            pltpu.VMEM((32,), jnp.float32),
            pltpu.VMEM((32, 32), jnp.float32),
            pltpu.VMEM((128,), jnp.int32),
            pltpu.VMEM((128, c), jnp.float32),
            pltpu.VMEM((32, c), jnp.float32),
            pltpu.SemaphoreType.DMA,
        ],
    )(_sc_sample_kernel)
    return f(table, xs, ys, xyrep)


def _nearest4(x, y):
    n = x.shape[0]
    jx = jnp.clip(jnp.floor(x * (1.0 / _GRID)), 0.0, 31.0)
    jy = jnp.clip(jnp.floor(y * (1.0 / _GRID)), 0.0, 31.0)
    c0 = jnp.clip(jx - 2.0, 0.0, 27.0)
    r0 = jnp.clip(jy - 2.0, 0.0, 27.0)
    lane = jax.lax.broadcasted_iota(jnp.int32, (n, 25), 1).astype(jnp.float32)
    dcol = lane - 5.0 * jnp.floor(lane * 0.2)
    drow = jnp.floor(lane * 0.2)
    cols = c0 + dcol
    rows = r0 + drow
    cx = cols * _GRID + 8.0
    cy = rows * _GRID + 8.0
    dx = x - cx
    dy = y - cy
    d2 = dx * dx + dy * dy
    idx = rows * 32.0 + cols
    ids = []
    for _ in range(4):
        m = jnp.min(d2, axis=1, keepdims=True)
        sel = jnp.min(jnp.where(d2 == m, idx, jnp.float32(4096.0)),
                      axis=1, keepdims=True)
        ids.append(sel)
        d2 = jnp.where(idx == sel, jnp.float32(_BIG), d2)
    return ids


def _onehot4(ids, lane_hw):
    acc = None
    for s in ids:
        plane = (lane_hw == s).astype(jnp.float32)
        acc = plane if acc is None else acc + plane
    return acc


def _loss_kernel(homo_ref, kp1_ref, wkp1_ref, kd_ref, d_ref, wdu_ref, out_ref):
    i = pl.program_id(0)
    n = kd_ref.shape[1]
    hw = d_ref.shape[2]

    kd = kd_ref[0]
    D = d_ref[0]

    kx = kp1_ref[0, :, 0:1]
    ky = kp1_ref[0, :, 1:2]
    wx = wkp1_ref[0, :, 0:1]
    wy = wkp1_ref[0, :, 1:2]

    lane_hw = jax.lax.broadcasted_iota(jnp.int32, (n, hw), 1).astype(jnp.float32)

    kids = _nearest4(kx, ky)
    wids = _nearest4(wx, wy)
    K = _onehot4(kids, lane_hw)
    W = _onehot4(wids, lane_hw)

    h00 = homo_ref[i, 0]
    h01 = homo_ref[i, 1]
    h02 = homo_ref[i, 2]
    h10 = homo_ref[i, 3]
    h11 = homo_ref[i, 4]
    h12 = homo_ref[i, 5]
    h20 = homo_ref[i, 6]
    h21 = homo_ref[i, 7]
    h22 = homo_ref[i, 8]
    N = None
    for p in range(4):
        cidf = kids[p]
        row = jnp.floor(cidf * (1.0 / 32.0))
        col = cidf - 32.0 * row
        cx = col * _GRID + 8.0
        cy = row * _GRID + 8.0
        wz = h20 * cx + h21 * cy + h22
        px = (h00 * cx + h01 * cy + h02) / (wz + 1e-8)
        py = (h10 * cx + h11 * cy + h12) / (wz + 1e-8)
        cnt = _onehot4(_nearest4(px, py), lane_hw)
        N = cnt if N is None else N + cnt

    wd = wdu_ref[0]
    wd = wd * jax.lax.rsqrt(jnp.sum(wd * wd, axis=1, keepdims=True) + 1e-12)

    pos = 2.0 - 2.0 * jnp.sum(kd * wd, axis=1, keepdims=True)

    S = jax.lax.dot_general(kd, D, (((1,), (0,)), ((), ())),
                            preferred_element_type=jnp.float32)
    X = 2.0 - 2.0 * S + 5.0 * N
    fos_sum = jnp.float32(0.0)
    hwf = jnp.float32(hw)
    for _ in range(_NUM_NEG):
        m = jnp.min(X, axis=1, keepdims=True)
        sel = jnp.min(jnp.where(X == m, lane_hw, hwf), axis=1, keepdims=True)
        X = jnp.where(lane_hw == sel, jnp.float32(_BIG), X)
        t = jnp.maximum(pos - m + _MARGIN, 0.0)
        fos_sum = fos_sum + jnp.sum(t * t)

    nt = (((1,), (1,)), ((), ()))
    Km = jax.lax.dot_general(K, K, nt, preferred_element_type=jnp.float32)
    Wm = jax.lax.dot_general(N, W, nt, preferred_element_type=jnp.float32)
    kraw = 2.0 - 2.0 * jax.lax.dot_general(kd, kd, nt,
                                           preferred_element_type=jnp.float32)
    wraw = 2.0 - 2.0 * jax.lax.dot_general(wd, wd, nt,
                                           preferred_element_type=jnp.float32)
    Xa = kraw + 5.0 * Km
    Xb = wraw + 5.0 * Wm
    lane_n = jax.lax.broadcasted_iota(jnp.int32, (n, n), 1).astype(jnp.float32)
    nf = jnp.float32(n)
    sacc = jnp.zeros((n, 1), jnp.float32)
    for _ in range(_SOS_NEG):
        ma = jnp.min(Xa, axis=1, keepdims=True)
        sa = jnp.min(jnp.where(Xa == ma, lane_n, nf), axis=1, keepdims=True)
        ea = lane_n == sa
        va = jnp.sum(jnp.where(ea, kraw, 0.0), axis=1, keepdims=True)
        Xa = jnp.where(ea, jnp.float32(_BIG), Xa)
        mb = jnp.min(Xb, axis=1, keepdims=True)
        sb = jnp.min(jnp.where(Xb == mb, lane_n, nf), axis=1, keepdims=True)
        eb = lane_n == sb
        vb = jnp.sum(jnp.where(eb, wraw, 0.0), axis=1, keepdims=True)
        Xb = jnp.where(eb, jnp.float32(_BIG), Xb)
        d = va - vb
        sacc = sacc + d * d
    sos_sum = jnp.sum(jnp.sqrt(sacc + 1e-12))

    lane_o = jax.lax.broadcasted_iota(jnp.int32, (1, 128), 1)
    out_ref[0] = jnp.where(lane_o == 0, fos_sum,
                           jnp.where(lane_o == 1, sos_sum, 0.0))


@jax.jit
def kernel(kp1, w_kp1, kp1_desc, desc2, homo12):
    b, n, c = kp1_desc.shape
    h, w = desc2.shape[2], desc2.shape[3]
    hw = h * w
    D = desc2.reshape(b, c, hw)
    homo_flat = homo12.reshape(b, 9)

    table = jnp.transpose(D, (0, 2, 1)).reshape(b * hw, c)
    xs = w_kp1[..., 0].reshape(b * n)
    ys = w_kp1[..., 1].reshape(b * n)
    wdu = _sc_sample(table, xs, ys).reshape(b, n, c)

    grid_spec = pltpu.PrefetchScalarGridSpec(
        num_scalar_prefetch=1,
        grid=(b,),
        in_specs=[
            pl.BlockSpec((1, n, 2), lambda i, s: (i, 0, 0)),
            pl.BlockSpec((1, n, 2), lambda i, s: (i, 0, 0)),
            pl.BlockSpec((1, n, c), lambda i, s: (i, 0, 0)),
            pl.BlockSpec((1, c, hw), lambda i, s: (i, 0, 0)),
            pl.BlockSpec((1, n, c), lambda i, s: (i, 0, 0)),
        ],
        out_specs=pl.BlockSpec((1, 1, 128), lambda i, s: (i, 0, 0)),
    )
    part = pl.pallas_call(
        _loss_kernel,
        grid_spec=grid_spec,
        out_shape=jax.ShapeDtypeStruct((b, 1, 128), jnp.float32),
    )(homo_flat, kp1, w_kp1, kp1_desc, D, wdu)
    fos = jnp.sum(part[:, 0, 0]) / (b * n * _NUM_NEG)
    sos = jnp.sum(part[:, 0, 1]) / (b * n)
    return fos + sos

# --- scband reference (transcript-rebuilt; emitter-appended) ---
"""Pipeline reference for scband-hard-quad-triplet-sosrloss-57982058496723 (READ-ONLY COPY).

The authoritative reference and input builder live on the scoring server;
editing this copy changes nothing except your own understanding.
"""

import jax, jax.numpy as jnp
import numpy as np

GRID_SIZE = 16
MARGIN = 1.0
NUM_NEG = 16
SOS_NEG = 8
LOSS_LAMBDA = 1.0


def create_desc_coordinates_grid(desc, grid_size):
    b, c, h, w = desc.shape
    xs = jnp.arange(w, dtype=jnp.float32) * grid_size + grid_size / 2.0
    ys = jnp.arange(h, dtype=jnp.float32) * grid_size + grid_size / 2.0
    gy, gx = jnp.meshgrid(ys, xs, indexing='ij')
    g = jnp.stack([gx, gy], -1)
    return jnp.broadcast_to(g[None], (b, h, w, 2))


def warp_points(points, homo):
    ones = jnp.ones(points.shape[:-1] + (1,), points.dtype)
    ph = jnp.concatenate([points, ones], -1)
    wp = jnp.einsum('bij,bnj->bni', homo, ph)
    return wp[..., :2] / (wp[..., 2:3] + 1e-8)


def calculate_distance_matrix(a, b_):
    d = a[:, :, None, :] - b_[:, None, :, :]
    return jnp.sqrt(jnp.sum(d * d, -1) + 1e-16)


def calculate_inv_similarity_vector(d1, d2):
    return 2.0 - 2.0 * jnp.sum(d1 * d2, -1)


def calculate_inv_similarity_matrix(d1, d2):
    return 2.0 - 2.0 * jnp.einsum('bnc,bmc->bnm', d1, d2)


def topk_smallest(x, k):
    vals, idx = jax.lax.top_k(-x, k)
    return -vals, idx


def gather_rows(t, ids):
    b, m = ids.shape
    return jnp.take_along_axis(t, jnp.broadcast_to(ids[:, :, None], (b, m, t.shape[2])), axis=1)


def sample_descriptors(desc, kp, grid_size):
    b, c, h, w = desc.shape
    x = kp[..., 0] / grid_size - 0.5
    y = kp[..., 1] / grid_size - 0.5
    x0 = jnp.floor(x); y0 = jnp.floor(y)
    wx1 = x - x0; wy1 = y - y0
    x0i = jnp.clip(x0, 0, w - 1).astype(jnp.int32)
    x1i = jnp.clip(x0 + 1, 0, w - 1).astype(jnp.int32)
    y0i = jnp.clip(y0, 0, h - 1).astype(jnp.int32)
    y1i = jnp.clip(y0 + 1, 0, h - 1).astype(jnp.int32)
    df = desc.reshape(b, c, h * w)
    def g(yi, xi):
        idx = yi * w + xi
        return jnp.take_along_axis(df, jnp.broadcast_to(idx[:, None, :], (b, c, idx.shape[1])), axis=2)
    v00 = g(y0i, x0i); v01 = g(y0i, x1i); v10 = g(y1i, x0i); v11 = g(y1i, x1i)
    wxe = wx1[:, None, :]; wye = wy1[:, None, :]
    out = v00 * (1 - wye) * (1 - wxe) + v01 * (1 - wye) * wxe + v10 * wye * (1 - wxe) + v11 * wye * wxe
    out = jnp.transpose(out, (0, 2, 1))
    nrm = jnp.sqrt(jnp.sum(out * out, -1, keepdims=True) + 1e-12)
    return out / nrm


def setup_inputs(seed: int = 0) -> dict:
    key = jax.random.key(seed)
    k1, k2, k3, k4, k5 = jax.random.split(key, 5)
    b, n, c, h, w = 4, 256, 256, 32, 32
    img = h * GRID_SIZE
    kp1 = jax.random.uniform(k1, (b, n, 2), dtype=jnp.float32) * (img - 1)
    w_kp1 = jax.random.uniform(k2, (b, n, 2), dtype=jnp.float32) * (img - 1)
    kp1_desc = jax.random.normal(k3, (b, n, c), dtype=jnp.float32)
    kp1_desc = kp1_desc / jnp.sqrt(jnp.sum(kp1_desc ** 2, -1, keepdims=True) + 1e-12)
    desc2 = jax.random.normal(k4, (b, c, h, w), dtype=jnp.float32)
    homo12 = jnp.broadcast_to(jnp.eye(3, dtype=jnp.float32), (b, 3, 3)) + 0.001 * jax.random.normal(k5, (b, 3, 3), dtype=jnp.float32)
    return {'kp1': kp1, 'w_kp1': w_kp1, 'kp1_desc': kp1_desc, 'desc2': desc2, 'homo12': homo12}


def reference(kp1, w_kp1, kp1_desc, desc2, homo12):
    b, n, c = kp1_desc.shape
    num_neg = NUM_NEG; sos_neg = SOS_NEG
    w_kp1_desc = sample_descriptors(desc2, w_kp1, GRID_SIZE)
    positive_sim = calculate_inv_similarity_vector(kp1_desc, w_kp1_desc)
    positive_sim = jnp.repeat(positive_sim[:, :, None], num_neg, axis=2).reshape(b, n * num_neg)
    coo_grid = create_desc_coordinates_grid(desc2, GRID_SIZE).reshape(b, -1, 2)
    hw = coo_grid.shape[1]
    kp1_coo_dist = calculate_distance_matrix(kp1, coo_grid)
    _, kp1_cell_ids = topk_smallest(kp1_coo_dist, 4)
    kp1_cells = gather_rows(coo_grid, kp1_cell_ids.reshape(b, -1))
    kp1_w_cells = warp_points(kp1_cells, homo12)
    kp1_wc_coo_dist = calculate_distance_matrix(kp1_w_cells, coo_grid)
    _, kp1_w_cell_cell_ids = topk_smallest(kp1_wc_coo_dist, 4)
    m = 4 * n
    bi = jnp.arange(b)[:, None, None]
    ri = jnp.arange(m)[None, :, None]
    neigh_mask = jnp.zeros((b, m, hw), desc2.dtype).at[bi, ri, kp1_w_cell_cell_ids].set(1.0)
    neigh_mask = neigh_mask.reshape(b, n, 4, hw).sum(2)
    desc2_flat = jnp.transpose(desc2, (0, 2, 3, 1)).reshape(b, -1, c)
    desc_sim = calculate_inv_similarity_matrix(kp1_desc, desc2_flat) + neigh_mask * 5.0
    neg_sim, _ = topk_smallest(desc_sim, num_neg)
    neg_sim = neg_sim.reshape(b, -1)
    fos = jnp.mean(jnp.maximum(positive_sim - neg_sim + MARGIN, 0.0) ** 2) * LOSS_LAMBDA
    kp1_cells_dist = calculate_distance_matrix(kp1_cells, kp1_cells)
    kp1_mask = (kp1_cells_dist <= 1e-08).reshape(b, n, 4, n, 4).sum(-1).sum(2).astype(desc2.dtype)
    kp1_w_cell_cells = gather_rows(coo_grid, kp1_w_cell_cell_ids.reshape(b, -1))
    w_kp1_coo_dist = calculate_distance_matrix(w_kp1, coo_grid)
    _, w_kp1_cell_ids = topk_smallest(w_kp1_coo_dist, 4)
    w_kp1_cells = gather_rows(coo_grid, w_kp1_cell_ids.reshape(b, -1))
    kp1_wc_w_kp1_dist = calculate_distance_matrix(kp1_w_cell_cells, w_kp1_cells)
    w_kp1_mask = (kp1_wc_w_kp1_dist <= 1e-08).reshape(b, n, 4, 4, n, 4).sum(-1).sum(3).sum(2).astype(desc2.dtype)
    kp1_sim = calculate_inv_similarity_matrix(kp1_desc, kp1_desc) + kp1_mask * 5.0
    w_kp1_sim = calculate_inv_similarity_matrix(w_kp1_desc, w_kp1_desc) + w_kp1_mask * 5.0
    _, kp1_neg_ids = topk_smallest(kp1_sim, sos_neg)
    _, w_kp1_neg_ids = topk_smallest(w_kp1_sim, sos_neg)
    kp1_neg_desc = gather_rows(kp1_desc, kp1_neg_ids.reshape(b, -1))
    w_kp1_neg_desc = gather_rows(w_kp1_desc, w_kp1_neg_ids.reshape(b, -1))
    kp1_desc_r = jnp.repeat(kp1_desc[:, :, None, :], sos_neg, axis=2).reshape(b, n * sos_neg, c)
    w_kp1_desc_r = jnp.repeat(w_kp1_desc[:, :, None, :], sos_neg, axis=2).reshape(b, n * sos_neg, c)
    sos = calculate_inv_similarity_vector(kp1_desc_r, kp1_neg_desc) - calculate_inv_similarity_vector(w_kp1_desc_r, w_kp1_neg_desc)
    sos = jnp.mean(jnp.sqrt(jnp.sum((sos ** 2).reshape(b, n, sos_neg), -1) + 1e-12))
    return (fos + sos) * LOSS_LAMBDA

if __name__ == "__main__":
    import jax
    _d = setup_inputs()
    print(jax.jit(kernel)(*tuple(_d.values())))

</pallas_src>

<mosaic_0001>
#map = affine_map<(d0, d1) -> (0, 0)>
#map1 = affine_map<(d0, d1) -> (0)>
module attributes {stable_mosaic.version = 14 : i64} {
  func.func @_sc_sample_kernel(%arg0: i32, %arg1: i32, %arg2: memref<4096x256xf32, #tpu.memory_space<hbm>>, %arg3: memref<1024xf32, #tpu.memory_space<hbm>>, %arg4: memref<1024xf32, #tpu.memory_space<hbm>>, %arg5: memref<1024x32xf32, #tpu.memory_space<hbm>>, %arg6: memref<1024x256xf32, #tpu.memory_space<hbm>>, %arg7: memref<32xf32, #tpu.memory_space<vmem>>, %arg8: memref<32xf32, #tpu.memory_space<vmem>>, %arg9: memref<32x32xf32, #tpu.memory_space<vmem>>, %arg10: memref<128xi32, #tpu.memory_space<vmem>>, %arg11: memref<128x256xf32, #tpu.memory_space<vmem>>, %arg12: memref<32x256xf32, #tpu.memory_space<vmem>>, %arg13: memref<!tpu.dma_semaphore, #tpu.memory_space<semaphore_mem>>) attributes {dimension_semantics = [#tpu.dimension_semantics<core_parallel>, #tpu.dimension_semantics<subcore_parallel>], iteration_bounds = array<i64: 2, 16>, scalar_prefetch = 0 : i64, scratch_operands = 7 : i64, tpu.core_type = #tpu.core_type<sc_vector_subcore>, window_params = [{transform_indices = #map}, {transform_indices = #map1}, {transform_indices = #map1}, {transform_indices = #map}, {transform_indices = #map}]} {
    %mul3A = arith.constant 2 : i32
    %mul3A_0 = arith.muli %arg1, %mul3A : i32
    %add3A = arith.addi %mul3A_0, %arg0 : i32
    %mul3A_1 = arith.constant 32 : i32
    %mul3A_2 = arith.muli %add3A, %mul3A_1 : i32
    %dma_start3A = tpu.memref_slice %arg3[%mul3A_2] : memref<1024xf32, #tpu.memory_space<hbm>> -> memref<32xf32, #tpu.memory_space<hbm>>
    %dma_start3A_3 = tpu.memref_slice %arg3[%mul3A_2] : memref<1024xf32, #tpu.memory_space<hbm>> -> memref<32xf32, #tpu.memory_space<hbm>>
    tpu.enqueue_dma source(%dma_start3A_3 : memref<32xf32, #tpu.memory_space<hbm>>) target(%arg7 : memref<32xf32, #tpu.memory_space<vmem>>) target_semaphore(%arg13 : memref<!tpu.dma_semaphore, #tpu.memory_space<semaphore_mem>>)
    %dma_start3A_4 = tpu.memref_slice %arg4[%mul3A_2] : memref<1024xf32, #tpu.memory_space<hbm>> -> memref<32xf32, #tpu.memory_space<hbm>>
    %dma_start3A_5 = tpu.memref_slice %arg4[%mul3A_2] : memref<1024xf32, #tpu.memory_space<hbm>> -> memref<32xf32, #tpu.memory_space<hbm>>
    tpu.enqueue_dma source(%dma_start3A_5 : memref<32xf32, #tpu.memory_space<hbm>>) target(%arg8 : memref<32xf32, #tpu.memory_space<vmem>>) target_semaphore(%arg13 : memref<!tpu.dma_semaphore, #tpu.memory_space<semaphore_mem>>)
    %dma_start3A_6 = arith.constant 0 : i32
    %dma_start3A_7 = tpu.memref_slice %arg5[%mul3A_2, %dma_start3A_6] : memref<1024x32xf32, #tpu.memory_space<hbm>> -> memref<32x32xf32, #tpu.memory_space<hbm>>
    %dma_start3A_8 = arith.constant 0 : i32
    %dma_start3A_9 = tpu.memref_slice %arg5[%mul3A_2, %dma_start3A_8] : memref<1024x32xf32, #tpu.memory_space<hbm>> -> memref<32x32xf32, #tpu.memory_space<hbm>>
    tpu.enqueue_dma source(%dma_start3A_9 : memref<32x32xf32, #tpu.memory_space<hbm>>) target(%arg9 : memref<32x32xf32, #tpu.memory_space<vmem>>) target_semaphore(%arg13 : memref<!tpu.dma_semaphore, #tpu.memory_space<semaphore_mem>>)
    %dma_wait3A = tpu.memref_slice %arg3[%mul3A_2] : memref<1024xf32, #tpu.memory_space<hbm>> -> memref<32xf32, #tpu.memory_space<hbm>>
    %dma_wait3A_10 = tpu.memref_slice %arg3[%mul3A_2] : memref<1024xf32, #tpu.memory_space<hbm>> -> memref<32xf32, #tpu.memory_space<hbm>>
    tpu.wait_dma2 semaphore(%arg13 : memref<!tpu.dma_semaphore, #tpu.memory_space<semaphore_mem>>) src(%dma_wait3A_10 : memref<32xf32, #tpu.memory_space<hbm>>) dst(%arg7 : memref<32xf32, #tpu.memory_space<vmem>>)
    %dma_wait3A_11 = tpu.memref_slice %arg4[%mul3A_2] : memref<1024xf32, #tpu.memory_space<hbm>> -> memref<32xf32, #tpu.memory_space<hbm>>
    %dma_wait3A_12 = tpu.memref_slice %arg4[%mul3A_2] : memref<1024xf32, #tpu.memory_space<hbm>> -> memref<32xf32, #tpu.memory_space<hbm>>
    tpu.wait_dma2 semaphore(%arg13 : memref<!tpu.dma_semaphore, #tpu.memory_space<semaphore_mem>>) src(%dma_wait3A_12 : memref<32xf32, #tpu.memory_space<hbm>>) dst(%arg8 : memref<32xf32, #tpu.memory_space<vmem>>)
    %dma_wait3A_13 = arith.constant 0 : i32
    %dma_wait3A_14 = tpu.memref_slice %arg5[%mul3A_2, %dma_wait3A_13] : memref<1024x32xf32, #tpu.memory_space<hbm>> -> memref<32x32xf32, #tpu.memory_space<hbm>>
    %dma_wait3A_15 = arith.constant 0 : i32
    %dma_wait3A_16 = tpu.memref_slice %arg5[%mul3A_2, %dma_wait3A_15] : memref<1024x32xf32, #tpu.memory_space<hbm>> -> memref<32x32xf32, #tpu.memory_space<hbm>>
    tpu.wait_dma2 semaphore(%arg13 : memref<!tpu.dma_semaphore, #tpu.memory_space<semaphore_mem>>) src(%dma_wait3A_16 : memref<32x32xf32, #tpu.memory_space<hbm>>) dst(%arg9 : memref<32x32xf32, #tpu.memory_space<vmem>>)
    %iota3A = tpu.iota {dimensions = array<i32: 0>} : vector<16xi32>
    %get3A = arith.constant 0 : index
    %get3A_17 = tpu.vector_load %arg7[%get3A] {strides = array<i32>} : memref<32xf32, #tpu.memory_space<vmem>>, vector<16xf32>,
    %get3A_18 = vector.shape_cast %get3A_17 : vector<16xf32> to vector<16xf32>
    %get3A_19 = arith.constant 0 : index
    %get3A_20 = tpu.vector_load %arg8[%get3A_19] {strides = array<i32>} : memref<32xf32, #tpu.memory_space<vmem>>, vector<16xf32>,
    %get3A_21 = vector.shape_cast %get3A_20 : vector<16xf32> to vector<16xf32>
    %add3A_22 = arith.constant 0 : i32
    %add3A_23 = arith.addi %mul3A_2, %add3A_22 : i32
    %add3A_24 = vector.broadcast %add3A_23 : i32 to vector<16xi32>
    %add3A_25 = arith.addi %iota3A, %add3A_24 : vector<16xi32>
    %shift_right_logical3A = arith.constant 8 : i32
    %shift_right_logical3A_26 = vector.broadcast %shift_right_logical3A : i32 to vector<16xi32>
    %shift_right_logical3A_27 = arith.shrui %add3A_25, %shift_right_logical3A_26 : vector<16xi32>
    %shift_left3A = arith.constant 10 : i32
    %shift_left3A_28 = vector.broadcast %shift_left3A : i32 to vector<16xi32>
    %shift_left3A_29 = arith.shli %shift_right_logical3A_27, %shift_left3A_28 : vector<16xi32>
    %mul3A_30 = arith.constant 6.250000e-02 : f32
    %mul3A_31 = vector.broadcast %mul3A_30 : f32 to vector<16xf32>
    %mul3A_32 = arith.mulf %get3A_18, %mul3A_31 : vector<16xf32>
    %sub3A = arith.constant 5.000000e-01 : f32
    %sub3A_33 = vector.broadcast %sub3A : f32 to vector<16xf32>
    %sub3A_34 = arith.subf %mul3A_32, %sub3A_33 : vector<16xf32>
    %mul3A_35 = arith.constant 6.250000e-02 : f32
    %mul3A_36 = vector.broadcast %mul3A_35 : f32 to vector<16xf32>
    %mul3A_37 = arith.mulf %get3A_21, %mul3A_36 : vector<16xf32>
    %sub3A_38 = arith.constant 5.000000e-01 : f32
    %sub3A_39 = vector.broadcast %sub3A_38 : f32 to vector<16xf32>
    %sub3A_40 = arith.subf %mul3A_37, %sub3A_39 : vector<16xf32>
    %convert_element_type3A = arith.fptosi %sub3A_34 : vector<16xf32> to vector<16xi32>
    %convert_element_type3A_41 = arith.sitofp %convert_element_type3A : vector<16xi32> to vector<16xf32>
    %gt3A = arith.cmpf ogt, %convert_element_type3A_41, %sub3A_34 : vector<16xf32>
    %sub3A_42 = arith.constant 1.000000e+00 : f32
    %sub3A_43 = vector.broadcast %sub3A_42 : f32 to vector<16xf32>
    %sub3A_44 = arith.subf %convert_element_type3A_41, %sub3A_43 : vector<16xf32>
    %select_n3A = arith.select %gt3A, %sub3A_44, %convert_element_type3A_41 : vector<16xi1>, vector<16xf32>
    %convert_element_type3A_45 = arith.fptosi %sub3A_40 : vector<16xf32> to vector<16xi32>
    %convert_element_type3A_46 = arith.sitofp %convert_element_type3A_45 : vector<16xi32> to vector<16xf32>
    %gt3A_47 = arith.cmpf ogt, %convert_element_type3A_46, %sub3A_40 : vector<16xf32>
    %sub3A_48 = arith.constant 1.000000e+00 : f32
    %sub3A_49 = vector.broadcast %sub3A_48 : f32 to vector<16xf32>
    %sub3A_50 = arith.subf %convert_element_type3A_46, %sub3A_49 : vector<16xf32>
    %select_n3A_51 = arith.select %gt3A_47, %sub3A_50, %convert_element_type3A_46 : vector<16xi1>, vector<16xf32>
    %jit3A = arith.constant 0.000000e+00 : f32
    %jit3A_52 = arith.constant 3.100000e+01 : f32
    %max3A = vector.broadcast %jit3A : f32 to vector<16xf32>
    %max3A_53 = arith.maximumf %max3A, %select_n3A : vector<16xf32>
    %min3A = vector.broadcast %jit3A_52 : f32 to vector<16xf32>
    %min3A_54 = arith.minimumf %min3A, %max3A_53 : vector<16xf32>
    %add3A_55 = arith.constant 1.000000e+00 : f32
    %add3A_56 = vector.broadcast %add3A_55 : f32 to vector<16xf32>
    %add3A_57 = arith.addf %select_n3A, %add3A_56 : vector<16xf32>
    %jit3A_58 = arith.constant 0.000000e+00 : f32
    %jit3A_59 = arith.constant 3.100000e+01 : f32
    %max3A_60 = vector.broadcast %jit3A_58 : f32 to vector<16xf32>
    %max3A_61 = arith.maximumf %max3A_60, %add3A_57 : vector<16xf32>
    %min3A_62 = vector.broadcast %jit3A_59 : f32 to vector<16xf32>
    %min3A_63 = arith.minimumf %min3A_62, %max3A_61 : vector<16xf32>
    %jit3A_64 = arith.constant 0.000000e+00 : f32
    %jit3A_65 = arith.constant 3.100000e+01 : f32
    %max3A_66 = vector.broadcast %jit3A_64 : f32 to vector<16xf32>
    %max3A_67 = arith.maximumf %max3A_66, %select_n3A_51 : vector<16xf32>
    %min3A_68 = vector.broadcast %jit3A_65 : f32 to vector<16xf32>
    %min3A_69 = arith.minimumf %min3A_68, %max3A_67 : vector<16xf32>
    %add3A_70 = arith.constant 1.000000e+00 : f32
    %add3A_71 = vector.broadcast %add3A_70 : f32 to vector<16xf32>
    %add3A_72 = arith.addf %select_n3A_51, %add3A_71 : vector<16xf32>
    %jit3A_73 = arith.constant 0.000000e+00 : f32
    %jit3A_74 = arith.constant 3.100000e+01 : f32
    %max3A_75 = vector.broadcast %jit3A_73 : f32 to vector<16xf32>
    %max3A_76 = arith.maximumf %max3A_75, %add3A_72 : vector<16xf32>
    %min3A_77 = vector.broadcast %jit3A_74 : f32 to vector<16xf32>
    %min3A_78 = arith.minimumf %min3A_77, %max3A_76 : vector<16xf32>
    %mul3A_79 = arith.constant 3.200000e+01 : f32
    %mul3A_80 = vector.broadcast %mul3A_79 : f32 to vector<16xf32>
    %mul3A_81 = arith.mulf %min3A_69, %mul3A_80 : vector<16xf32>
    %add3A_82 = arith.addf %mul3A_81, %min3A_54 : vector<16xf32>
    %mul3A_83 = arith.constant 3.200000e+01 : f32
    %mul3A_84 = vector.broadcast %mul3A_83 : f32 to vector<16xf32>
    %mul3A_85 = arith.mulf %min3A_69, %mul3A_84 : vector<16xf32>
    %add3A_86 = arith.addf %mul3A_85, %min3A_63 : vector<16xf32>
    %mul3A_87 = arith.constant 3.200000e+01 : f32
    %mul3A_88 = vector.broadcast %mul3A_87 : f32 to vector<16xf32>
    %mul3A_89 = arith.mulf %min3A_78, %mul3A_88 : vector<16xf32>
    %add3A_90 = arith.addf %mul3A_89, %min3A_54 : vector<16xf32>
    %mul3A_91 = arith.constant 3.200000e+01 : f32
    %mul3A_92 = vector.broadcast %mul3A_91 : f32 to vector<16xf32>
    %mul3A_93 = arith.mulf %min3A_78, %mul3A_92 : vector<16xf32>
    %add3A_94 = arith.addf %mul3A_93, %min3A_63 : vector<16xf32>
    %convert_element_type3A_95 = arith.fptosi %add3A_82 : vector<16xf32> to vector<16xi32>
    %add3A_96 = arith.addi %shift_left3A_29, %convert_element_type3A_95 : vector<16xi32>
    %swap3A = arith.constant 0 : index
    %swap3A_97 = tpu.vector_load %arg10[%swap3A] {strides = array<i32>} : memref<128xi32, #tpu.memory_space<vmem>>, vector<16xi32>,
    %swap3A_98 = vector.shape_cast %swap3A_97 : vector<16xi32> to vector<16xi32>
    %swap3A_99 = vector.shape_cast %add3A_96 : vector<16xi32> to vector<16xi32>
    tpu.vector_store %arg10[%swap3A], %swap3A_99 {strides = array<i32>} : memref<128xi32, #tpu.memory_space<vmem>>, vector<16xi32>,
    %convert_element_type3A_100 = arith.fptosi %add3A_86 : vector<16xf32> to vector<16xi32>
    %add3A_101 = arith.addi %shift_left3A_29, %convert_element_type3A_100 : vector<16xi32>
    %swap3A_102 = arith.constant 32 : index
    %swap3A_103 = tpu.vector_load %arg10[%swap3A_102] {strides = array<i32>} : memref<128xi32, #tpu.memory_space<vmem>>, vector<16xi32>,
    %swap3A_104 = vector.shape_cast %swap3A_103 : vector<16xi32> to vector<16xi32>
    %swap3A_105 = vector.shape_cast %add3A_101 : vector<16xi32> to vector<16xi32>
    tpu.vector_store %arg10[%swap3A_102], %swap3A_105 {strides = array<i32>} : memref<128xi32, #tpu.memory_space<vmem>>, vector<16xi32>,
    %convert_element_type3A_106 = arith.fptosi %add3A_90 : vector<16xf32> to vector<16xi32>
    %add3A_107 = arith.addi %shift_left3A_29, %convert_element_type3A_106 : vector<16xi32>
    %swap3A_108 = arith.constant 64 : index
    %swap3A_109 = tpu.vector_load %arg10[%swap3A_108] {strides = array<i32>} : memref<128xi32, #tpu.memory_space<vmem>>, vector<16xi32>,
    %swap3A_110 = vector.shape_cast %swap3A_109 : vector<16xi32> to vector<16xi32>
    %swap3A_111 = vector.shape_cast %add3A_107 : vector<16xi32> to vector<16xi32>
    tpu.vector_store %arg10[%swap3A_108], %swap3A_111 {strides = array<i32>} : memref<128xi32, #tpu.memory_space<vmem>>, vector<16xi32>,
    %convert_element_type3A_112 = arith.fptosi %add3A_94 : vector<16xf32> to vector<16xi32>
    %add3A_113 = arith.addi %shift_left3A_29, %convert_element_type3A_112 : vector<16xi32>
    %swap3A_114 = arith.constant 96 : index
    %swap3A_115 = tpu.vector_load %arg10[%swap3A_114] {strides = array<i32>} : memref<128xi32, #tpu.memory_space<vmem>>, vector<16xi32>,
    %swap3A_116 = vector.shape_cast %swap3A_115 : vector<16xi32> to vector<16xi32>
    %swap3A_117 = vector.shape_cast %add3A_113 : vector<16xi32> to vector<16xi32>
    tpu.vector_store %arg10[%swap3A_114], %swap3A_117 {strides = array<i32>} : memref<128xi32, #tpu.memory_space<vmem>>, vector<16xi32>,
    %get3A_118 = arith.constant 16 : index
    %get3A_119 = tpu.vector_load %arg7[%get3A_118] {strides = array<i32>} : memref<32xf32, #tpu.memory_space<vmem>>, vector<16xf32>,
    %get3A_120 = vector.shape_cast %get3A_119 : vector<16xf32> to vector<16xf32>
    %get3A_121 = arith.constant 16 : index
    %get3A_122 = tpu.vector_load %arg8[%get3A_121] {strides = array<i32>} : memref<32xf32, #tpu.memory_space<vmem>>, vector<16xf32>,
    %get3A_123 = vector.shape_cast %get3A_122 : vector<16xf32> to vector<16xf32>
    %add3A_124 = arith.constant 16 : i32
    %add3A_125 = arith.addi %mul3A_2, %add3A_124 : i32
    %add3A_126 = vector.broadcast %add3A_125 : i32 to vector<16xi32>
    %add3A_127 = arith.addi %iota3A, %add3A_126 : vector<16xi32>
    %shift_right_logical3A_128 = arith.constant 8 : i32
    %shift_right_logical3A_129 = vector.broadcast %shift_right_logical3A_128 : i32 to vector<16xi32>
    %shift_right_logical3A_130 = arith.shrui %add3A_127, %shift_right_logical3A_129 : vector<16xi32>
    %shift_left3A_131 = arith.constant 10 : i32
    %shift_left3A_132 = vector.broadcast %shift_left3A_131 : i32 to vector<16xi32>
    %shift_left3A_133 = arith.shli %shift_right_logical3A_130, %shift_left3A_132 : vector<16xi32>
    %mul3A_134 = arith.constant 6.250000e-02 : f32
    %mul3A_135 = vector.broadcast %mul3A_134 : f32 to vector<16xf32>
    %mul3A_136 = arith.mulf %get3A_120, %mul3A_135 : vector<16xf32>
    %sub3A_137 = arith.constant 5.000000e-01 : f32
    %sub3A_138 = vector.broadcast %sub3A_137 : f32 to vector<16xf32>
    %sub3A_139 = arith.subf %mul3A_136, %sub3A_138 : vector<16xf32>
    %mul3A_140 = arith.constant 6.250000e-02 : f32
    %mul3A_141 = vector.broadcast %mul3A_140 : f32 to vector<16xf32>
    %mul3A_142 = arith.mulf %get3A_123, %mul3A_141 : vector<16xf32>
    %sub3A_143 = arith.constant 5.000000e-01 : f32
    %sub3A_144 = vector.broadcast %sub3A_143 : f32 to vector<16xf32>
    %sub3A_145 = arith.subf %mul3A_142, %sub3A_144 : vector<16xf32>
    %convert_element_type3A_146 = arith.fptosi %sub3A_139 : vector<16xf32> to vector<16xi32>
    %convert_element_type3A_147 = arith.sitofp %convert_element_type3A_146 : vector<16xi32> to vector<16xf32>
    %gt3A_148 = arith.cmpf ogt, %convert_element_type3A_147, %sub3A_139 : vector<16xf32>
    %sub3A_149 = arith.constant 1.000000e+00 : f32
    %sub3A_150 = vector.broadcast %sub3A_149 : f32 to vector<16xf32>
    %sub3A_151 = arith.subf %convert_element_type3A_147, %sub3A_150 : vector<16xf32>
    %select_n3A_152 = arith.select %gt3A_148, %sub3A_151, %convert_element_type3A_147 : vector<16xi1>, vector<16xf32>
    %convert_element_type3A_153 = arith.fptosi %sub3A_145 : vector<16xf32> to vector<16xi32>
    %convert_element_type3A_154 = arith.sitofp %convert_element_type3A_153 : vector<16xi32> to vector<16xf32>
    %gt3A_155 = arith.cmpf ogt, %convert_element_type3A_154, %sub3A_145 : vector<16xf32>
    %sub3A_156 = arith.constant 1.000000e+00 : f32
    %sub3A_157 = vector.broadcast %sub3A_156 : f32 to vector<16xf32>
    %sub3A_158 = arith.subf %convert_element_type3A_154, %sub3A_157 : vector<16xf32>
    %select_n3A_159 = arith.select %gt3A_155, %sub3A_158, %convert_element_type3A_154 : vector<16xi1>, vector<16xf32>
    %jit3A_160 = arith.constant 0.000000e+00 : f32
    %jit3A_161 = arith.constant 3.100000e+01 : f32
    %max3A_162 = vector.broadcast %jit3A_160 : f32 to vector<16xf32>
    %max3A_163 = arith.maximumf %max3A_162, %select_n3A_152 : vector<16xf32>
    %min3A_164 = vector.broadcast %jit3A_161 : f32 to vector<16xf32>
    %min3A_165 = arith.minimumf %min3A_164, %max3A_163 : vector<16xf32>
    %add3A_166 = arith.constant 1.000000e+00 : f32
    %add3A_167 = vector.broadcast %add3A_166 : f32 to vector<16xf32>
    %add3A_168 = arith.addf %select_n3A_152, %add3A_167 : vector<16xf32>
    %jit3A_169 = arith.constant 0.000000e+00 : f32
    %jit3A_170 = arith.constant 3.100000e+01 : f32
    %max3A_171 = vector.broadcast %jit3A_169 : f32 to vector<16xf32>
    %max3A_172 = arith.maximumf %max3A_171, %add3A_168 : vector<16xf32>
    %min3A_173 = vector.broadcast %jit3A_170 : f32 to vector<16xf32>
    %min3A_174 = arith.minimumf %min3A_173, %max3A_172 : vector<16xf32>
    %jit3A_175 = arith.constant 0.000000e+00 : f32
    %jit3A_176 = arith.constant 3.100000e+01 : f32
    %max3A_177 = vector.broadcast %jit3A_175 : f32 to vector<16xf32>
    %max3A_178 = arith.maximumf %max3A_177, %select_n3A_159 : vector<16xf32>
    %min3A_179 = vector.broadcast %jit3A_176 : f32 to vector<16xf32>
    %min3A_180 = arith.minimumf %min3A_179, %max3A_178 : vector<16xf32>
    %add3A_181 = arith.constant 1.000000e+00 : f32
    %add3A_182 = vector.broadcast %add3A_181 : f32 to vector<16xf32>
    %add3A_183 = arith.addf %select_n3A_159, %add3A_182 : vector<16xf32>
    %jit3A_184 = arith.constant 0.000000e+00 : f32
    %jit3A_185 = arith.constant 3.100000e+01 : f32
    %max3A_186 = vector.broadcast %jit3A_184 : f32 to vector<16xf32>
    %max3A_187 = arith.maximumf %max3A_186, %add3A_183 : vector<16xf32>
    %min3A_188 = vector.broadcast %jit3A_185 : f32 to vector<16xf32>
    %min3A_189 = arith.minimumf %min3A_188, %max3A_187 : vector<16xf32>
    %mul3A_190 = arith.constant 3.200000e+01 : f32
    %mul3A_191 = vector.broadcast %mul3A_190 : f32 to vector<16xf32>
    %mul3A_192 = arith.mulf %min3A_180, %mul3A_191 : vector<16xf32>
    %add3A_193 = arith.addf %mul3A_192, %min3A_165 : vector<16xf32>
    %mul3A_194 = arith.constant 3.200000e+01 : f32
    %mul3A_195 = vector.broadcast %mul3A_194 : f32 to vector<16xf32>
    %mul3A_196 = arith.mulf %min3A_180, %mul3A_195 : vector<16xf32>
    %add3A_197 = arith.addf %mul3A_196, %min3A_174 : vector<16xf32>
    %mul3A_198 = arith.constant 3.200000e+01 : f32
    %mul3A_199 = vector.broadcast %mul3A_198 : f32 to vector<16xf32>
    %mul3A_200 = arith.mulf %min3A_189, %mul3A_199 : vector<16xf32>
    %add3A_201 = arith.addf %mul3A_200, %min3A_165 : vector<16xf32>
    %mul3A_202 = arith.constant 3.200000e+01 : f32
    %mul3A_203 = vector.broadcast %mul3A_202 : f32 to vector<16xf32>
    %mul3A_204 = arith.mulf %min3A_189, %mul3A_203 : vector<16xf32>
    %add3A_205 = arith.addf %mul3A_204, %min3A_174 : vector<16xf32>
    %convert_element_type3A_206 = arith.fptosi %add3A_193 : vector<16xf32> to vector<16xi32>
    %add3A_207 = arith.addi %shift_left3A_133, %convert_element_type3A_206 : vector<16xi32>
    %swap3A_208 = arith.constant 16 : index
    %swap3A_209 = tpu.vector_load %arg10[%swap3A_208] {strides = array<i32>} : memref<128xi32, #tpu.memory_space<vmem>>, vector<16xi32>,
    %swap3A_210 = vector.shape_cast %swap3A_209 : vector<16xi32> to vector<16xi32>
    %swap3A_211 = vector.shape_cast %add3A_207 : vector<16xi32> to vector<16xi32>
    tpu.vector_store %arg10[%swap3A_208], %swap3A_211 {strides = array<i32>} : memref<128xi32, #tpu.memory_space<vmem>>, vector<16xi32>,
    %convert_element_type3A_212 = arith.fptosi %add3A_197 : vector<16xf32> to vector<16xi32>
    %add3A_213 = arith.addi %shift_left3A_133, %convert_element_type3A_212 : vector<16xi32>
    %swap3A_214 = arith.constant 48 : index
    %swap3A_215 = tpu.vector_load %arg10[%swap3A_214] {strides = array<i32>} : memref<128xi32, #tpu.memory_space<vmem>>, vector<16xi32>,
    %swap3A_216 = vector.shape_cast %swap3A_215 : vector<16xi32> to vector<16xi32>
    %swap3A_217 = vector.shape_cast %add3A_213 : vector<16xi32> to vector<16xi32>
    tpu.vector_store %arg10[%swap3A_214], %swap3A_217 {strides = array<i32>} : memref<128xi32, #tpu.memory_space<vmem>>, vector<16xi32>,
    %convert_element_type3A_218 = arith.fptosi %add3A_201 : vector<16xf32> to vector<16xi32>
    %add3A_219 = arith.addi %shift_left3A_133, %convert_element_type3A_218 : vector<16xi32>
    %swap3A_220 = arith.constant 80 : index
    %swap3A_221 = tpu.vector_load %arg10[%swap3A_220] {strides = array<i32>} : memref<128xi32, #tpu.memory_space<vmem>>, vector<16xi32>,
    %swap3A_222 = vector.shape_cast %swap3A_221 : vector<16xi32> to vector<16xi32>
    %swap3A_223 = vector.shape_cast %add3A_219 : vector<16xi32> to vector<16xi32>
    tpu.vector_store %arg10[%swap3A_220], %swap3A_223 {strides = array<i32>} : memref<128xi32, #tpu.memory_space<vmem>>, vector<16xi32>,
    %convert_element_type3A_224 = arith.fptosi %add3A_205 : vector<16xf32> to vector<16xi32>
    %add3A_225 = arith.addi %shift_left3A_133, %convert_element_type3A_224 : vector<16xi32>
    %swap3A_226 = arith.constant 112 : index
    %swap3A_227 = tpu.vector_load %arg10[%swap3A_226] {strides = array<i32>} : memref<128xi32, #tpu.memory_space<vmem>>, vector<16xi32>,
    %swap3A_228 = vector.shape_cast %swap3A_227 : vector<16xi32> to vector<16xi32>
    %swap3A_229 = vector.shape_cast %add3A_225 : vector<16xi32> to vector<16xi32>
    tpu.vector_store %arg10[%swap3A_226], %swap3A_229 {strides = array<i32>} : memref<128xi32, #tpu.memory_space<vmem>>, vector<16xi32>,
    %dma_start3A_230 = arith.constant 0 : i32
    %dma_start3A_231 = arith.constant 0 : i32
    %dma_start3A_232 = tpu.memref_slice %arg2[%dma_start3A_230, %dma_start3A_231] : memref<4096x256xf32, #tpu.memory_space<hbm>> -> memref<4096x256xf32, #tpu.memory_space<hbm>>
    tpu.enqueue_indirect_dma source(%dma_start3A_232 : memref<4096x256xf32, #tpu.memory_space<hbm>>) target(%arg11 : memref<128x256xf32, #tpu.memory_space<vmem>>) offsets(%arg10 : memref<128xi32, #tpu.memory_space<vmem>>) semaphore(%arg13 : memref<!tpu.dma_semaphore, #tpu.memory_space<semaphore_mem>>)
    %dma_wait3A_233 = arith.constant 0 : i32
    %dma_wait3A_234 = arith.constant 0 : i32
    %dma_wait3A_235 = tpu.memref_slice %arg2[%dma_wait3A_233, %dma_wait3A_234] : memref<4096x256xf32, #tpu.memory_space<hbm>> -> memref<4096x256xf32, #tpu.memory_space<hbm>>
    tpu.wait_indirect_dma semaphore(%arg13 : memref<!tpu.dma_semaphore, #tpu.memory_space<semaphore_mem>>) src(%dma_wait3A_235 : memref<4096x256xf32, #tpu.memory_space<hbm>>) dst(%arg11 : memref<128x256xf32, #tpu.memory_space<vmem>>)
    %scan3A = arith.constant 0 : i32
    %scan3A_236 = arith.constant 0 : i32
    %scan3A_237 = arith.constant 32 : i32
    %scan3A_238 = arith.addi %scan3A_236, %scan3A_237 : i32
    %scan3A_239 = arith.constant 1 : i32
    scf.for %scan3A_241 = %scan3A_236 to %scan3A_238 step %scan3A_239  : i32 {
      %get3A_242 = arith.index_cast %scan3A_241 : i32 to index
      %get3A_243 = arith.constant 0 : index
      %get3A_244 = tpu.vector_load %arg9[%get3A_242, %get3A_243] {strides = array<i32>} : memref<32x32xf32, #tpu.memory_space<vmem>>, vector<1x16xf32>,
      %get3A_245 = vector.shape_cast %get3A_244 : vector<1x16xf32> to vector<16xf32>
      %mul3A_246 = arith.constant 6.250000e-02 : f32
      %mul3A_247 = vector.broadcast %mul3A_246 : f32 to vector<16xf32>
      %mul3A_248 = arith.mulf %get3A_245, %mul3A_247 : vector<16xf32>
      %sub3A_249 = arith.constant 5.000000e-01 : f32
      %sub3A_250 = vector.broadcast %sub3A_249 : f32 to vector<16xf32>
      %sub3A_251 = arith.subf %mul3A_248, %sub3A_250 : vector<16xf32>
      %get3A_252 = arith.index_cast %scan3A_241 : i32 to index
      %get3A_253 = arith.constant 16 : index
      %get3A_254 = tpu.vector_load %arg9[%get3A_252, %get3A_253] {strides = array<i32>} : memref<32x32xf32, #tpu.memory_space<vmem>>, vector<1x16xf32>,
      %get3A_255 = vector.shape_cast %get3A_254 : vector<1x16xf32> to vector<16xf32>
      %mul3A_256 = arith.constant 6.250000e-02 : f32
      %mul3A_257 = vector.broadcast %mul3A_256 : f32 to vector<16xf32>
      %mul3A_258 = arith.mulf %get3A_255, %mul3A_257 : vector<16xf32>
      %sub3A_259 = arith.constant 5.000000e-01 : f32
      %sub3A_260 = vector.broadcast %sub3A_259 : f32 to vector<16xf32>
      %sub3A_261 = arith.subf %mul3A_258, %sub3A_260 : vector<16xf32>
      %convert_element_type3A_262 = arith.fptosi %sub3A_251 : vector<16xf32> to vector<16xi32>
      %convert_element_type3A_263 = arith.sitofp %convert_element_type3A_262 : vector<16xi32> to vector<16xf32>
      %gt3A_264 = arith.cmpf ogt, %convert_element_type3A_263, %sub3A_251 : vector<16xf32>
      %sub3A_265 = arith.constant 1.000000e+00 : f32
      %sub3A_266 = vector.broadcast %sub3A_265 : f32 to vector<16xf32>
      %sub3A_267 = arith.subf %convert_element_type3A_263, %sub3A_266 : vector<16xf32>
      %select_n3A_268 = arith.select %gt3A_264, %sub3A_267, %convert_element_type3A_263 : vector<16xi1>, vector<16xf32>
      %convert_element_type3A_269 = arith.fptosi %sub3A_261 : vector<16xf32> to vector<16xi32>
      %convert_element_type3A_270 = arith.sitofp %convert_element_type3A_269 : vector<16xi32> to vector<16xf32>
      %gt3A_271 = arith.cmpf ogt, %convert_element_type3A_270, %sub3A_261 : vector<16xf32>
      %sub3A_272 = arith.constant 1.000000e+00 : f32
      %sub3A_273 = vector.broadcast %sub3A_272 : f32 to vector<16xf32>
      %sub3A_274 = arith.subf %convert_element_type3A_270, %sub3A_273 : vector<16xf32>
      %select_n3A_275 = arith.select %gt3A_271, %sub3A_274, %convert_element_type3A_270 : vector<16xi1>, vector<16xf32>
      %sub3A_276 = arith.subf %sub3A_251, %select_n3A_268 : vector<16xf32>
      %sub3A_277 = arith.subf %sub3A_261, %select_n3A_275 : vector<16xf32>
      %sub3A_278 = arith.constant 1.000000e+00 : f32
      %sub3A_279 = vector.broadcast %sub3A_278 : f32 to vector<16xf32>
      %sub3A_280 = arith.subf %sub3A_279, %sub3A_277 : vector<16xf32>
      %sub3A_281 = arith.constant 1.000000e+00 : f32
      %sub3A_282 = vector.broadcast %sub3A_281 : f32 to vector<16xf32>
      %sub3A_283 = arith.subf %sub3A_282, %sub3A_276 : vector<16xf32>
      %mul3A_284 = arith.mulf %sub3A_280, %sub3A_283 : vector<16xf32>
      %sub3A_285 = arith.constant 1.000000e+00 : f32
      %sub3A_286 = vector.broadcast %sub3A_285 : f32 to vector<16xf32>
      %sub3A_287 = arith.subf %sub3A_286, %sub3A_277 : vector<16xf32>
      %mul3A_288 = arith.mulf %sub3A_287, %sub3A_276 : vector<16xf32>
      %sub3A_289 = arith.constant 1.000000e+00 : f32
      %sub3A_290 = vector.broadcast %sub3A_289 : f32 to vector<16xf32>
      %sub3A_291 = arith.subf %sub3A_290, %sub3A_276 : vector<16xf32>
      %mul3A_292 = arith.mulf %sub3A_277, %sub3A_291 : vector<16xf32>
      %mul3A_293 = arith.mulf %sub3A_277, %sub3A_276 : vector<16xf32>
      %get3A_294 = arith.index_cast %scan3A_241 : i32 to index
      %get3A_295 = arith.constant 0 : index
      %get3A_296 = tpu.vector_load %arg11[%get3A_294, %get3A_295] {strides = array<i32>} : memref<128x256xf32, #tpu.memory_space<vmem>>, vector<1x16xf32>,
      %get3A_297 = vector.shape_cast %get3A_296 : vector<1x16xf32> to vector<16xf32>
      %mul3A_298 = arith.mulf %mul3A_284, %get3A_297 : vector<16xf32>
      %add3A_299 = arith.constant 32 : i32
      %add3A_300 = arith.addi %scan3A_241, %add3A_299 : i32
      %get3A_301 = arith.index_cast %add3A_300 : i32 to index
      %get3A_302 = arith.constant 0 : index
      %get3A_303 = tpu.vector_load %arg11[%get3A_301, %get3A_302] {strides = array<i32>} : memref<128x256xf32, #tpu.memory_space<vmem>>, vector<1x16xf32>,
      %get3A_304 = vector.shape_cast %get3A_303 : vector<1x16xf32> to vector<16xf32>
      %mul3A_305 = arith.mulf %mul3A_288, %get3A_304 : vector<16xf32>
      %add3A_306 = arith.addf %mul3A_298, %mul3A_305 : vector<16xf32>
      %add3A_307 = arith.constant 64 : i32
      %add3A_308 = arith.addi %scan3A_241, %add3A_307 : i32
      %get3A_309 = arith.index_cast %add3A_308 : i32 to index
      %get3A_310 = arith.constant 0 : index
      %get3A_311 = tpu.vector_load %arg11[%get3A_309, %get3A_310] {strides = array<i32>} : memref<128x256xf32, #tpu.memory_space<vmem>>, vector<1x16xf32>,
      %get3A_312 = vector.shape_cast %get3A_311 : vector<1x16xf32> to vector<16xf32>
      %mul3A_313 = arith.mulf %mul3A_292, %get3A_312 : vector<16xf32>
      %add3A_314 = arith.addf %add3A_306, %mul3A_313 : vector<16xf32>
      %add3A_315 = arith.constant 96 : i32
      %add3A_316 = arith.addi %scan3A_241, %add3A_315 : i32
      %get3A_317 = arith.index_cast %add3A_316 : i32 to index
      %get3A_318 = arith.constant 0 : index
      %get3A_319 = tpu.vector_load %arg11[%get3A_317, %get3A_318] {strides = array<i32>} : memref<128x256xf32, #tpu.memory_space<vmem>>, vector<1x16xf32>,
      %get3A_320 = vector.shape_cast %get3A_319 : vector<1x16xf32> to vector<16xf32>
      %mul3A_321 = arith.mulf %mul3A_293, %get3A_320 : vector<16xf32>
      %add3A_322 = arith.addf %add3A_314, %mul3A_321 : vector<16xf32>
      %swap3A_323 = arith.index_cast %scan3A_241 : i32 to index
      %swap3A_324 = arith.constant 0 : index
      %swap3A_325 = tpu.vector_load %arg12[%swap3A_323, %swap3A_324] {strides = array<i32>} : memref<32x256xf32, #tpu.memory_space<vmem>>, vector<1x16xf32>,
      %swap3A_326 = vector.shape_cast %swap3A_325 : vector<1x16xf32> to vector<16xf32>
      %swap3A_327 = vector.shape_cast %add3A_322 : vector<16xf32> to vector<1x16xf32>
      tpu.vector_store %arg12[%swap3A_323, %swap3A_324], %swap3A_327 {strides = array<i32>} : memref<32x256xf32, #tpu.memory_space<vmem>>, vector<1x16xf32>,
      %get3A_328 = arith.index_cast %scan3A_241 : i32 to index
      %get3A_329 = arith.constant 16 : index
      %get3A_330 = tpu.vector_load %arg11[%get3A_328, %get3A_329] {strides = array<i32>} : memref<128x256xf32, #tpu.memory_space<vmem>>, vector<1x16xf32>,
      %get3A_331 = vector.shape_cast %get3A_330 : vector<1x16xf32> to vector<16xf32>
      %mul3A_332 = arith.mulf %mul3A_284, %get3A_331 : vector<16xf32>
      %add3A_333 = arith.constant 32 : i32
      %add3A_334 = arith.addi %scan3A_241, %add3A_333 : i32
      %get3A_335 = arith.index_cast %add3A_334 : i32 to index
      %get3A_336 = arith.constant 16 : index
      %get3A_337 = tpu.vector_load %arg11[%get3A_335, %get3A_336] {strides = array<i32>} : memref<128x256xf32, #tpu.memory_space<vmem>>, vector<1x16xf32>,
      %get3A_338 = vector.shape_cast %get3A_337 : vector<1x16xf32> to vector<16xf32>
      %mul3A_339 = arith.mulf %mul3A_288, %get3A_338 : vector<16xf32>
      %add3A_340 = arith.addf %mul3A_332, %mul3A_339 : vector<16xf32>
      %add3A_341 = arith.constant 64 : i32
      %add3A_342 = arith.addi %scan3A_241, %add3A_341 : i32
      %get3A_343 = arith.index_cast %add3A_342 : i32 to index
      %get3A_344 = arith.constant 16 : index
      %get3A_345 = tpu.vector_load %arg11[%get3A_343, %get3A_344] {strides = array<i32>} : memref<128x256xf32, #tpu.memory_space<vmem>>, vector<1x16xf32>,
      %get3A_346 = vector.shape_cast %get3A_345 : vector<1x16xf32> to vector<16xf32>
      %mul3A_347 = arith.mulf %mul3A_292, %get3A_346 : vector<16xf32>
      %add3A_348 = arith.addf %add3A_340, %mul3A_347 : vector<16xf32>
      %add3A_349 = arith.constant 96 : i32
      %add3A_350 = arith.addi %scan3A_241, %add3A_349 : i32
      %get3A_351 = arith.index_cast %add3A_350 : i32 to index
      %get3A_352 = arith.constant 16 : index
      %get3A_353 = tpu.vector_load %arg11[%get3A_351, %get3A_352] {strides = array<i32>} : memref<128x256xf32, #tpu.memory_space<vmem>>, vector<1x16xf32>,
      %get3A_354 = vector.shape_cast %get3A_353 : vector<1x16xf32> to vector<16xf32>
      %mul3A_355 = arith.mulf %mul3A_293, %get3A_354 : vector<16xf32>
      %add3A_356 = arith.addf %add3A_348, %mul3A_355 : vector<16xf32>
      %swap3A_357 = arith.index_cast %scan3A_241 : i32 to index
      %swap3A_358 = arith.constant 16 : index
      %swap3A_359 = tpu.vector_load %arg12[%swap3A_357, %swap3A_358] {strides = array<i32>} : memref<32x256xf32, #tpu.memory_space<vmem>>, vector<1x16xf32>,
      %swap3A_360 = vector.shape_cast %swap3A_359 : vector<1x16xf32> to vector<16xf32>
      %swap3A_361 = vector.shape_cast %add3A_356 : vector<16xf32> to vector<1x16xf32>
      tpu.vector_store %arg12[%swap3A_357, %swap3A_358], %swap3A_361 {strides = array<i32>} : memref<32x256xf32, #tpu.memory_space<vmem>>, vector<1x16xf32>,
      %get3A_362 = arith.index_cast %scan3A_241 : i32 to index
      %get3A_363 = arith.constant 32 : index
      %get3A_364 = tpu.vector_load %arg11[%get3A_362, %get3A_363] {strides = array<i32>} : memref<128x256xf32, #tpu.memory_space<vmem>>, vector<1x16xf32>,
      %get3A_365 = vector.shape_cast %get3A_364 : vector<1x16xf32> to vector<16xf32>
      %mul3A_366 = arith.mulf %mul3A_284, %get3A_365 : vector<16xf32>
      %add3A_367 = arith.constant 32 : i32
      %add3A_368 = arith.addi %scan3A_241, %add3A_367 : i32
      %get3A_369 = arith.index_cast %add3A_368 : i32 to index
      %get3A_370 = arith.constant 32 : index
      %get3A_371 = tpu.vector_load %arg11[%get3A_369, %get3A_370] {strides = array<i32>} : memref<128x256xf32, #tpu.memory_space<vmem>>, vector<1x16xf32>,
      %get3A_372 = vector.shape_cast %get3A_371 : vector<1x16xf32> to vector<16xf32>
      %mul3A_373 = arith.mulf %mul3A_288, %get3A_372 : vector<16xf32>
      %add3A_374 = arith.addf %mul3A_366, %mul3A_373 : vector<16xf32>
      %add3A_375 = arith.constant 64 : i32
      %add3A_376 = arith.addi %scan3A_241, %add3A_375 : i32
      %get3A_377 = arith.index_cast %add3A_376 : i32 to index
      %get3A_378 = arith.constant 32 : index
      %get3A_379 = tpu.vector_load %arg11[%get3A_377, %get3A_378] {strides = array<i32>} : memref<128x256xf32, #tpu.memory_space<vmem>>, vector<1x16xf32>,
      %get3A_380 = vector.shape_cast %get3A_379 : vector<1x16xf32> to vector<16xf32>
      %mul3A_381 = arith.mulf %mul3A_292, %get3A_380 : vector<16xf32>
      %add3A_382 = arith.addf %add3A_374, %mul3A_381 : vector<16xf32>
      %add3A_383 = arith.constant 96 : i32
      %add3A_384 = arith.addi %scan3A_241, %add3A_383 : i32
      %get3A_385 = arith.index_cast %add3A_384 : i32 to index
      %get3A_386 = arith.constant 32 : index
      %get3A_387 = tpu.vector_load %arg11[%get3A_385, %get3A_386] {strides = array<i32>} : memref<128x256xf32, #tpu.memory_space<vmem>>, vector<1x16xf32>,
      %get3A_388 = vector.shape_cast %get3A_387 : vector<1x16xf32> to vector<16xf32>
      %mul3A_389 = arith.mulf %mul3A_293, %get3A_388 : vector<16xf32>
      %add3A_390 = arith.addf %add3A_382, %mul3A_389 : vector<16xf32>
      %swap3A_391 = arith.index_cast %scan3A_241 : i32 to index
      %swap3A_392 = arith.constant 32 : index
      %swap3A_393 = tpu.vector_load %arg12[%swap3A_391, %swap3A_392] {strides = array<i32>} : memref<32x256xf32, #tpu.memory_space<vmem>>, vector<1x16xf32>,
      %swap3A_394 = vector.shape_cast %swap3A_393 : vector<1x16xf32> to vector<16xf32>
      %swap3A_395 = vector.shape_cast %add3A_390 : vector<16xf32> to vector<1x16xf32>
      tpu.vector_store %arg12[%swap3A_391, %swap3A_392], %swap3A_395 {strides = array<i32>} : memref<32x256xf32, #tpu.memory_space<vmem>>, vector<1x16xf32>,
      %get3A_396 = arith.index_cast %scan3A_241 : i32 to index
      %get3A_397 = arith.constant 48 : index
      %get3A_398 = tpu.vector_load %arg11[%get3A_396, %get3A_397] {strides = array<i32>} : memref<128x256xf32, #tpu.memory_space<vmem>>, vector<1x16xf32>,
      %get3A_399 = vector.shape_cast %get3A_398 : vector<1x16xf32> to vector<16xf32>
      %mul3A_400 = arith.mulf %mul3A_284, %get3A_399 : vector<16xf32>
      %add3A_401 = arith.constant 32 : i32
      %add3A_402 = arith.addi %scan3A_241, %add3A_401 : i32
      %get3A_403 = arith.index_cast %add3A_402 : i32 to index
      %get3A_404 = arith.constant 48 : index
      %get3A_405 = tpu.vector_load %arg11[%get3A_403, %get3A_404] {strides = array<i32>} : memref<128x256xf32, #tpu.memory_space<vmem>>, vector<1x16xf32>,
      %get3A_406 = vector.shape_cast %get3A_405 : vector<1x16xf32> to vector<16xf32>
      %mul3A_407 = arith.mulf %mul3A_288, %get3A_406 : vector<16xf32>
      %add3A_408 = arith.addf %mul3A_400, %mul3A_407 : vector<16xf32>
      %add3A_409 = arith.constant 64 : i32
      %add3A_410 = arith.addi %scan3A_241, %add3A_409 : i32
      %get3A_411 = arith.index_cast %add3A_410 : i32 to index
      %get3A_412 = arith.constant 48 : index
      %get3A_413 = tpu.vector_load %arg11[%get3A_411, %get3A_412] {strides = array<i32>} : memref<128x256xf32, #tpu.memory_space<vmem>>, vector<1x16xf32>,
      %get3A_414 = vector.shape_cast %get3A_413 : vector<1x16xf32> to vector<16xf32>
      %mul3A_415 = arith.mulf %mul3A_292, %get3A_414 : vector<16xf32>
      %add3A_416 = arith.addf %add3A_408, %mul3A_415 : vector<16xf32>
      %add3A_417 = arith.constant 96 : i32
      %add3A_418 = arith.addi %scan3A_241, %add3A_417 : i32
      %get3A_419 = arith.index_cast %add3A_418 : i32 to index
      %get3A_420 = arith.constant 48 : index
      %get3A_421 = tpu.vector_load %arg11[%get3A_419, %get3A_420] {strides = array<i32>} : memref<128x256xf32, #tpu.memory_space<vmem>>, vector<1x16xf32>,
      %get3A_422 = vector.shape_cast %get3A_421 : vector<1x16xf32> to vector<16xf32>
      %mul3A_423 = arith.mulf %mul3A_293, %get3A_422 : vector<16xf32>
      %add3A_424 = arith.addf %add3A_416, %mul3A_423 : vector<16xf32>
      %swap3A_425 = arith.index_cast %scan3A_241 : i32 to index
      %swap3A_426 = arith.constant 48 : index
      %swap3A_427 = tpu.vector_load %arg12[%swap3A_425, %swap3A_426] {strides = array<i32>} : memref<32x256xf32, #tpu.memory_space<vmem>>, vector<1x16xf32>,
      %swap3A_428 = vector.shape_cast %swap3A_427 : vector<1x16xf32> to vector<16xf32>
      %swap3A_429 = vector.shape_cast %add3A_424 : vector<16xf32> to vector<1x16xf32>
      tpu.vector_store %arg12[%swap3A_425, %swap3A_426], %swap3A_429 {strides = array<i32>} : memref<32x256xf32, #tpu.memory_space<vmem>>, vector<1x16xf32>,
      %get3A_430 = arith.index_cast %scan3A_241 : i32 to index
      %get3A_431 = arith.constant 64 : index
      %get3A_432 = tpu.vector_load %arg11[%get3A_430, %get3A_431] {strides = array<i32>} : memref<128x256xf32, #tpu.memory_space<vmem>>, vector<1x16xf32>,
      %get3A_433 = vector.shape_cast %get3A_432 : vector<1x16xf32> to vector<16xf32>
      %mul3A_434 = arith.mulf %mul3A_284, %get3A_433 : vector<16xf32>
      %add3A_435 = arith.constant 32 : i32
      %add3A_436 = arith.addi %scan3A_241, %add3A_435 : i32
      %get3A_437 = arith.index_cast %add3A_436 : i32 to index
      %get3A_438 = arith.constant 64 : index
      %get3A_439 = tpu.vector_load %arg11[%get3A_437, %get3A_438] {strides = array<i32>} : memref<128x256xf32, #tpu.memory_space<vmem>>, vector<1x16xf32>,
      %get3A_440 = vector.shape_cast %get3A_439 : vector<1x16xf32> to vector<16xf32>
      %mul3A_441 = arith.mulf %mul3A_288, %get3A_440 : vector<16xf32>
      %add3A_442 = arith.addf %mul3A_434, %mul3A_441 : vector<16xf32>
      %add3A_443 = arith.constant 64 : i32
      %add3A_444 = arith.addi %scan3A_241, %add3A_443 : i32
      %get3A_445 = arith.index_cast %add3A_444 : i32 to index
      %get3A_446 = arith.constant 64 : index
      %get3A_447 = tpu.vector_load %arg11[%get3A_445, %get3A_446] {strides = array<i32>} : memref<128x256xf32, #tpu.memory_space<vmem>>, vector<1x16xf32>,
      %get3A_448 = vector.shape_cast %get3A_447 : vector<1x16xf32> to vector<16xf32>
      %mul3A_449 = arith.mulf %mul3A_292, %get3A_448 : vector<16xf32>
      %add3A_450 = arith.addf %add3A_442, %mul3A_449 : vector<16xf32>
      %add3A_451 = arith.constant 96 : i32
      %add3A_452 = arith.addi %scan3A_241, %add3A_451 : i32
      %get3A_453 = arith.index_cast %add3A_452 : i32 to index
      %get3A_454 = arith.constant 64 : index
      %get3A_455 = tpu.vector_load %arg11[%get3A_453, %get3A_454] {strides = array<i32>} : memref<128x256xf32, #tpu.memory_space<vmem>>, vector<1x16xf32>,
      %get3A_456 = vector.shape_cast %get3A_455 : vector<1x16xf32> to vector<16xf32>
      %mul3A_457 = arith.mulf %mul3A_293, %get3A_456 : vector<16xf32>
      %add3A_458 = arith.addf %add3A_450, %mul3A_457 : vector<16xf32>
      %swap3A_459 = arith.index_cast %scan3A_241 : i32 to index
      %swap3A_460 = arith.constant 64 : index
      %swap3A_461 = tpu.vector_load %arg12[%swap3A_459, %swap3A_460] {strides = array<i32>} : memref<32x256xf32, #tpu.memory_space<vmem>>, vector<1x16xf32>,
      %swap3A_462 = vector.shape_cast %swap3A_461 : vector<1x16xf32> to vector<16xf32>
      %swap3A_463 = vector.shape_cast %add3A_458 : vector<16xf32> to vector<1x16xf32>
      tpu.vector_store %arg12[%swap3A_459, %swap3A_460], %swap3A_463 {strides = array<i32>} : memref<32x256xf32, #tpu.memory_space<vmem>>, vector<1x16xf32>,
      %get3A_464 = arith.index_cast %scan3A_241 : i32 to index
      %get3A_465 = arith.constant 80 : index
      %get3A_466 = tpu.vector_load %arg11[%get3A_464, %get3A_465] {strides = array<i32>} : memref<128x256xf32, #tpu.memory_space<vmem>>, vector<1x16xf32>,
      %get3A_467 = vector.shape_cast %get3A_466 : vector<1x16xf32> to vector<16xf32>
      %mul3A_468 = arith.mulf %mul3A_284, %get3A_467 : vector<16xf32>
      %add3A_469 = arith.constant 32 : i32
      %add3A_470 = arith.addi %scan3A_241, %add3A_469 : i32
      %get3A_471 = arith.index_cast %add3A_470 : i32 to index
      %get3A_472 = arith.constant 80 : index
      %get3A_473 = tpu.vector_load %arg11[%get3A_471, %get3A_472] {strides = array<i32>} : memref<128x256xf32, #tpu.memory_space<vmem>>, vector<1x16xf32>,
      %get3A_474 = vector.shape_cast %get3A_473 : vector<1x16xf32> to vector<16xf32>
      %mul3A_475 = arith.mulf %mul3A_288, %get3A_474 : vector<16xf32>
      %add3A_476 = arith.addf %mul3A_468, %mul3A_475 : vector<16xf32>
      %add3A_477 = arith.constant 64 : i32
      %add3A_478 = arith.addi %scan3A_241, %add3A_477 : i32
      %get3A_479 = arith.index_cast %add3A_478 : i32 to index
      %get3A_480 = arith.constant 80 : index
      %get3A_481 = tpu.vector_load %arg11[%get3A_479, %get3A_480] {strides = array<i32>} : memref<128x256xf32, #tpu.memory_space<vmem>>, vector<1x16xf32>,
      %get3A_482 = vector.shape_cast %get3A_481 : vector<1x16xf32> to vector<16xf32>
      %mul3A_483 = arith.mulf %mul3A_292, %get3A_482 : vector<16xf32>
      %add3A_484 = arith.addf %add3A_476, %mul3A_483 : vector<16xf32>
      %add3A_485 = arith.constant 96 : i32
      %add3A_486 = arith.addi %scan3A_241, %add3A_485 : i32
      %get3A_487 = arith.index_cast %add3A_486 : i32 to index
      %get3A_488 = arith.constant 80 : index
      %get3A_489 = tpu.vector_load %arg11[%get3A_487, %get3A_488] {strides = array<i32>} : memref<128x256xf32, #tpu.memory_space<vmem>>, vector<1x16xf32>,
      %get3A_490 = vector.shape_cast %get3A_489 : vector<1x16xf32> to vector<16xf32>
      %mul3A_491 = arith.mulf %mul3A_293, %get3A_490 : vector<16xf32>
      %add3A_492 = arith.addf %add3A_484, %mul3A_491 : vector<16xf32>
      %swap3A_493 = arith.index_cast %scan3A_241 : i32 to index
      %swap3A_494 = arith.constant 80 : index
      %swap3A_495 = tpu.vector_load %arg12[%swap3A_493, %swap3A_494] {strides = array<i32>} : memref<32x256xf32, #tpu.memory_space<vmem>>, vector<1x16xf32>,
      %swap3A_496 = vector.shape_cast %swap3A_495 : vector<1x16xf32> to vector<16xf32>
      %swap3A_497 = vector.shape_cast %add3A_492 : vector<16xf32> to vector<1x16xf32>
      tpu.vector_store %arg12[%swap3A_493, %swap3A_494], %swap3A_497 {strides = array<i32>} : memref<32x256xf32, #tpu.memory_space<vmem>>, vector<1x16xf32>,
      %get3A_498 = arith.index_cast %scan3A_241 : i32 to index
      %get3A_499 = arith.constant 96 : index
      %get3A_500 = tpu.vector_load %arg11[%get3A_498, %get3A_499] {strides = array<i32>} : memref<128x256xf32, #tpu.memory_space<vmem>>, vector<1x16xf32>,
      %get3A_501 = vector.shape_cast %get3A_500 : vector<1x16xf32> to vector<16xf32>
      %mul3A_502 = arith.mulf %mul3A_284, %get3A_501 : vector<16xf32>
      %add3A_503 = arith.constant 32 : i32
      %add3A_504 = arith.addi %scan3A_241, %add3A_503 : i32
      %get3A_505 = arith.index_cast %add3A_504 : i32 to index
      %get3A_506 = arith.constant 96 : index
      %get3A_507 = tpu.vector_load %arg11[%get3A_505, %get3A_506] {strides = array<i32>} : memref<128x256xf32, #tpu.memory_space<vmem>>, vector<1x16xf32>,
      %get3A_508 = vector.shape_cast %get3A_507 : vector<1x16xf32> to vector<16xf32>
      %mul3A_509 = arith.mulf %mul3A_288, %get3A_508 : vector<16xf32>
      %add3A_510 = arith.addf %mul3A_502, %mul3A_509 : vector<16xf32>
      %add3A_511 = arith.constant 64 : i32
      %add3A_512 = arith.addi %scan3A_241, %add3A_511 : i32
      %get3A_513 = arith.index_cast %add3A_512 : i32 to index
      %get3A_514 = arith.constant 96 : index
      %get3A_515 = tpu.vector_load %arg11[%get3A_513, %get3A_514] {strides = array<i32>} : memref<128x256xf32, #tpu.memory_space<vmem>>, vector<1x16xf32>,
      %get3A_516 = vector.shape_cast %get3A_515 : vector<1x16xf32> to vector<16xf32>
      %mul3A_517 = arith.mulf %mul3A_292, %get3A_516 : vector<16xf32>
      %add3A_518 = arith.addf %add3A_510, %mul3A_517 : vector<16xf32>
      %add3A_519 = arith.constant 96 : i32
      %add3A_520 = arith.addi %scan3A_241, %add3A_519 : i32
      %get3A_521 = arith.index_cast %add3A_520 : i32 to index
      %get3A_522 = arith.constant 96 : index
      %get3A_523 = tpu.vector_load %arg11[%get3A_521, %get3A_522] {strides = array<i32>} : memref<128x256xf32, #tpu.memory_space<vmem>>, vector<1x16xf32>,
      %get3A_524 = vector.shape_cast %get3A_523 : vector<1x16xf32> to vector<16xf32>
      %mul3A_525 = arith.mulf %mul3A_293, %get3A_524 : vector<16xf32>
      %add3A_526 = arith.addf %add3A_518, %mul3A_525 : vector<16xf32>
      %swap3A_527 = arith.index_cast %scan3A_241 : i32 to index
      %swap3A_528 = arith.constant 96 : index
      %swap3A_529 = tpu.vector_load %arg12[%swap3A_527, %swap3A_528] {strides = array<i32>} : memref<32x256xf32, #tpu.memory_space<vmem>>, vector<1x16xf32>,
      %swap3A_530 = vector.shape_cast %swap3A_529 : vector<1x16xf32> to vector<16xf32>
      %swap3A_531 = vector.shape_cast %add3A_526 : vector<16xf32> to vector<1x16xf32>
      tpu.vector_store %arg12[%swap3A_527, %swap3A_528], %swap3A_531 {strides = array<i32>} : memref<32x256xf32, #tpu.memory_space<vmem>>, vector<1x16xf32>,
      %get3A_532 = arith.index_cast %scan3A_241 : i32 to index
      %get3A_533 = arith.constant 112 : index
      %get3A_534 = tpu.vector_load %arg11[%get3A_532, %get3A_533] {strides = array<i32>} : memref<128x256xf32, #tpu.memory_space<vmem>>, vector<1x16xf32>,
      %get3A_535 = vector.shape_cast %get3A_534 : vector<1x16xf32> to vector<16xf32>
      %mul3A_536 = arith.mulf %mul3A_284, %get3A_535 : vector<16xf32>
      %add3A_537 = arith.constant 32 : i32
      %add3A_538 = arith.addi %scan3A_241, %add3A_537 : i32
      %get3A_539 = arith.index_cast %add3A_538 : i32 to index
      %get3A_540 = arith.constant 112 : index
      %get3A_541 = tpu.vector_load %arg11[%get3A_539, %get3A_540] {strides = array<i32>} : memref<128x256xf32, #tpu.memory_space<vmem>>, vector<1x16xf32>,
      %get3A_542 = vector.shape_cast %get3A_541 : vector<1x16xf32> to vector<16xf32>
      %mul3A_543 = arith.mulf %mul3A_288, %get3A_542 : vector<16xf32>
      %add3A_544 = arith.addf %mul3A_536, %mul3A_543 : vector<16xf32>
      %add3A_545 = arith.constant 64 : i32
      %add3A_546 = arith.addi %scan3A_241, %add3A_545 : i32
      %get3A_547 = arith.index_cast %add3A_546 : i32 to index
      %get3A_548 = arith.constant 112 : index
      %get3A_549 = tpu.vector_load %arg11[%get3A_547, %get3A_548] {strides = array<i32>} : memref<128x256xf32, #tpu.memory_space<vmem>>, vector<1x16xf32>,
      %get3A_550 = vector.shape_cast %get3A_549 : vector<1x16xf32> to vector<16xf32>
      %mul3A_551 = arith.mulf %mul3A_292, %get3A_550 : vector<16xf32>
      %add3A_552 = arith.addf %add3A_544, %mul3A_551 : vector<16xf32>
      %add3A_553 = arith.constant 96 : i32
      %add3A_554 = arith.addi %scan3A_241, %add3A_553 : i32
      %get3A_555 = arith.index_cast %add3A_554 : i32 to index
      %get3A_556 = arith.constant 112 : index
      %get3A_557 = tpu.vector_load %arg11[%get3A_555, %get3A_556] {strides = array<i32>} : memref<128x256xf32, #tpu.memory_space<vmem>>, vector<1x16xf32>,
      %get3A_558 = vector.shape_cast %get3A_557 : vector<1x16xf32> to vector<16xf32>
      %mul3A_559 = arith.mulf %mul3A_293, %get3A_558 : vector<16xf32>
      %add3A_560 = arith.addf %add3A_552, %mul3A_559 : vector<16xf32>
      %swap3A_561 = arith.index_cast %scan3A_241 : i32 to index
      %swap3A_562 = arith.constant 112 : index
      %swap3A_563 = tpu.vector_load %arg12[%swap3A_561, %swap3A_562] {strides = array<i32>} : memref<32x256xf32, #tpu.memory_space<vmem>>, vector<1x16xf32>,
      %swap3A_564 = vector.shape_cast %swap3A_563 : vector<1x16xf32> to vector<16xf32>
      %swap3A_565 = vector.shape_cast %add3A_560 : vector<16xf32> to vector<1x16xf32>
      tpu.vector_store %arg12[%swap3A_561, %swap3A_562], %swap3A_565 {strides = array<i32>} : memref<32x256xf32, #tpu.memory_space<vmem>>, vector<1x16xf32>,
      %get3A_566 = arith.index_cast %scan3A_241 : i32 to index
      %get3A_567 = arith.constant 128 : index
      %get3A_568 = tpu.vector_load %arg11[%get3A_566, %get3A_567] {strides = array<i32>} : memref<128x256xf32, #tpu.memory_space<vmem>>, vector<1x16xf32>,
      %get3A_569 = vector.shape_cast %get3A_568 : vector<1x16xf32> to vector<16xf32>
      %mul3A_570 = arith.mulf %mul3A_284, %get3A_569 : vector<16xf32>
      %add3A_571 = arith.constant 32 : i32
      %add3A_572 = arith.addi %scan3A_241, %add3A_571 : i32
      %get3A_573 = arith.index_cast %add3A_572 : i32 to index
      %get3A_574 = arith.constant 128 : index
      %get3A_575 = tpu.vector_load %arg11[%get3A_573, %get3A_574] {strides = array<i32>} : memref<128x256xf32, #tpu.memory_space<vmem>>, vector<1x16xf32>,
      %get3A_576 = vector.shape_cast %get3A_575 : vector<1x16xf32> to vector<16xf32>
      %mul3A_577 = arith.mulf %mul3A_288, %get3A_576 : vector<16xf32>
      %add3A_578 = arith.addf %mul3A_570, %mul3A_577 : vector<16xf32>
      %add3A_579 = arith.constant 64 : i32
      %add3A_580 = arith.addi %scan3A_241, %add3A_579 : i32
      %get3A_581 = arith.index_cast %add3A_580 : i32 to index
      %get3A_582 = arith.constant 128 : index
      %get3A_583 = tpu.vector_load %arg11[%get3A_581, %get3A_582] {strides = array<i32>} : memref<128x256xf32, #tpu.memory_space<vmem>>, vector<1x16xf32>,
      %get3A_584 = vector.shape_cast %get3A_583 : vector<1x16xf32> to vector<16xf32>
      %mul3A_585 = arith.mulf %mul3A_292, %get3A_584 : vector<16xf32>
      %add3A_586 = arith.addf %add3A_578, %mul3A_585 : vector<16xf32>
      %add3A_587 = arith.constant 96 : i32
      %add3A_588 = arith.addi %scan3A_241, %add3A_587 : i32
      %get3A_589 = arith.index_cast %add3A_588 : i32 to index
      %get3A_590 = arith.constant 128 : index
      %get3A_591 = tpu.vector_load %arg11[%get3A_589, %get3A_590] {strides = array<i32>} : memref<128x256xf32, #tpu.memory_space<vmem>>, vector<1x16xf32>,
      %get3A_592 = vector.shape_cast %get3A_591 : vector<1x16xf32> to vector<16xf32>
      %mul3A_593 = arith.mulf %mul3A_293, %get3A_592 : vector<16xf32>
      %add3A_594 = arith.addf %add3A_586, %mul3A_593 : vector<16xf32>
      %swap3A_595 = arith.index_cast %scan3A_241 : i32 to index
      %swap3A_596 = arith.constant 128 : index
      %swap3A_597 = tpu.vector_load %arg12[%swap3A_595, %swap3A_596] {strides = array<i32>} : memref<32x256xf32, #tpu.memory_space<vmem>>, vector<1x16xf32>,
      %swap3A_598 = vector.shape_cast %swap3A_597 : vector<1x16xf32> to vector<16xf32>
      %swap3A_599 = vector.shape_cast %add3A_594 : vector<16xf32> to vector<1x16xf32>
      tpu.vector_store %arg12[%swap3A_595, %swap3A_596], %swap3A_599 {strides = array<i32>} : memref<32x256xf32, #tpu.memory_space<vmem>>, vector<1x16xf32>,
      %get3A_600 = arith.index_cast %scan3A_241 : i32 to index
      %get3A_601 = arith.constant 144 : index
      %get3A_602 = tpu.vector_load %arg11[%get3A_600, %get3A_601] {strides = array<i32>} : memref<128x256xf32, #tpu.memory_space<vmem>>, vector<1x16xf32>,
      %get3A_603 = vector.shape_cast %get3A_602 : vector<1x16xf32> to vector<16xf32>
      %mul3A_604 = arith.mulf %mul3A_284, %get3A_603 : vector<16xf32>
      %add3A_605 = arith.constant 32 : i32
      %add3A_606 = arith.addi %scan3A_241, %add3A_605 : i32
      %get3A_607 = arith.index_cast %add3A_606 : i32 to index
      %get3A_608 = arith.constant 144 : index
      %get3A_609 = tpu.vector_load %arg11[%get3A_607, %get3A_608] {strides = array<i32>} : memref<128x256xf32, #tpu.memory_space<vmem>>, vector<1x16xf32>,
      %get3A_610 = vector.shape_cast %get3A_609 : vector<1x16xf32> to vector<16xf32>
      %mul3A_611 = arith.mulf %mul3A_288, %get3A_610 : vector<16xf32>
      %add3A_612 = arith.addf %mul3A_604, %mul3A_611 : vector<16xf32>
      %add3A_613 = arith.constant 64 : i32
      %add3A_614 = arith.addi %scan3A_241, %add3A_613 : i32
      %get3A_615 = arith.index_cast %add3A_614 : i32 to index
      %get3A_616 = arith.constant 144 : index
      %get3A_617 = tpu.vector_load %arg11[%get3A_615, %get3A_616] {strides = array<i32>} : memref<128x256xf32, #tpu.memory_space<vmem>>, vector<1x16xf32>,
      %get3A_618 = vector.shape_cast %get3A_617 : vector<1x16xf32> to vector<16xf32>
      %mul3A_619 = arith.mulf %mul3A_292, %get3A_618 : vector<16xf32>
      %add3A_620 = arith.addf %add3A_612, %mul3A_619 : vector<16xf32>
      %add3A_621 = arith.constant 96 : i32
      %add3A_622 = arith.addi %scan3A_241, %add3A_621 : i32
      %get3A_623 = arith.index_cast %add3A_622 : i32 to index
      %get3A_624 = arith.constant 144 : index
      %get3A_625 = tpu.vector_load %arg11[%get3A_623, %get3A_624] {strides = array<i32>} : memref<128x256xf32, #tpu.memory_space<vmem>>, vector<1x16xf32>,
      %get3A_626 = vector.shape_cast %get3A_625 : vector<1x16xf32> to vector<16xf32>
      %mul3A_627 = arith.mulf %mul3A_293, %get3A_626 : vector<16xf32>
      %add3A_628 = arith.addf %add3A_620, %mul3A_627 : vector<16xf32>
      %swap3A_629 = arith.index_cast %scan3A_241 : i32 to index
      %swap3A_630 = arith.constant 144 : index
      %swap3A_631 = tpu.vector_load %arg12[%swap3A_629, %swap3A_630] {strides = array<i32>} : memref<32x256xf32, #tpu.memory_space<vmem>>, vector<1x16xf32>,
      %swap3A_632 = vector.shape_cast %swap3A_631 : vector<1x16xf32> to vector<16xf32>
      %swap3A_633 = vector.shape_cast %add3A_628 : vector<16xf32> to vector<1x16xf32>
      tpu.vector_store %arg12[%swap3A_629, %swap3A_630], %swap3A_633 {strides = array<i32>} : memref<32x256xf32, #tpu.memory_space<vmem>>, vector<1x16xf32>,
      %get3A_634 = arith.index_cast %scan3A_241 : i32 to index
      %get3A_635 = arith.constant 160 : index
      %get3A_636 = tpu.vector_load %arg11[%get3A_634, %get3A_635] {strides = array<i32>} : memref<128x256xf32, #tpu.memory_space<vmem>>, vector<1x16xf32>,
      %get3A_637 = vector.shape_cast %get3A_636 : vector<1x16xf32> to vector<16xf32>
      %mul3A_638 = arith.mulf %mul3A_284, %get3A_637 : vector<16xf32>
      %add3A_639 = arith.constant 32 : i32
      %add3A_640 = arith.addi %scan3A_241, %add3A_639 : i32
      %get3A_641 = arith.index_cast %add3A_640 : i32 to index
      %get3A_642 = arith.constant 160 : index
      %get3A_643 = tpu.vector_load %arg11[%get3A_641, %get3A_642] {strides = array<i32>} : memref<128x256xf32, #tpu.memory_space<vmem>>, vector<1x16xf32>,
      %get3A_644 = vector.shape_cast %get3A_643 : vector<1x16xf32> to vector<16xf32>
      %mul3A_645 = arith.mulf %mul3A_288, %get3A_644 : vector<16xf32>
      %add3A_646 = arith.addf %mul3A_638, %mul3A_645 : vector<16xf32>
      %add3A_647 = arith.constant 64 : i32
      %add3A_648 = arith.addi %scan3A_241, %add3A_647 : i32
      %get3A_649 = arith.index_cast %add3A_648 : i32 to index
      %get3A_650 = arith.constant 160 : index
      %get3A_651 = tpu.vector_load %arg11[%get3A_649, %get3A_650] {strides = array<i32>} : memref<128x256xf32, #tpu.memory_space<vmem>>, vector<1x16xf32>,
      %get3A_652 = vector.shape_cast %get3A_651 : vector<1x16xf32> to vector<16xf32>
      %mul3A_653 = arith.mulf %mul3A_292, %get3A_652 : vector<16xf32>
      %add3A_654 = arith.addf %add3A_646, %mul3A_653 : vector<16xf32>
      %add3A_655 = arith.constant 96 : i32
      %add3A_656 = arith.addi %scan3A_241, %add3A_655 : i32
      %get3A_657 = arith.index_cast %add3A_656 : i32 to index
      %get3A_658 = arith.constant 160 : index
      %get3A_659 = tpu.vector_load %arg11[%get3A_657, %get3A_658] {strides = array<i32>} : memref<128x256xf32, #tpu.memory_space<vmem>>, vector<1x16xf32>,
      %get3A_660 = vector.shape_cast %get3A_659 : vector<1x16xf32> to vector<16xf32>
      %mul3A_661 = arith.mulf %mul3A_293, %get3A_660 : vector<16xf32>
      %add3A_662 = arith.addf %add3A_654, %mul3A_661 : vector<16xf32>
      %swap3A_663 = arith.index_cast %scan3A_241 : i32 to index
      %swap3A_664 = arith.constant 160 : index
      %swap3A_665 = tpu.vector_load %arg12[%swap3A_663, %swap3A_664] {strides = array<i32>} : memref<32x256xf32, #tpu.memory_space<vmem>>, vector<1x16xf32>,
      %swap3A_666 = vector.shape_cast %swap3A_665 : vector<1x16xf32> to vector<16xf32>
      %swap3A_667 = vector.shape_cast %add3A_662 : vector<16xf32> to vector<1x16xf32>
      tpu.vector_store %arg12[%swap3A_663, %swap3A_664], %swap3A_667 {strides = array<i32>} : memref<32x256xf32, #tpu.memory_space<vmem>>, vector<1x16xf32>,
      %get3A_668 = arith.index_cast %scan3A_241 : i32 to index
      %get3A_669 = arith.constant 176 : index
      %get3A_670 = tpu.vector_load %arg11[%get3A_668, %get3A_669] {strides = array<i32>} : memref<128x256xf32, #tpu.memory_space<vmem>>, vector<1x16xf32>,
      %get3A_671 = vector.shape_cast %get3A_670 : vector<1x16xf32> to vector<16xf32>
      %mul3A_672 = arith.mulf %mul3A_284, %get3A_671 : vector<16xf32>
      %add3A_673 = arith.constant 32 : i32
      %add3A_674 = arith.addi %scan3A_241, %add3A_673 : i32
      %get3A_675 = arith.index_cast %add3A_674 : i32 to index
      %get3A_676 = arith.constant 176 : index
      %get3A_677 = tpu.vector_load %arg11[%get3A_675, %get3A_676] {strides = array<i32>} : memref<128x256xf32, #tpu.memory_space<vmem>>, vector<1x16xf32>,
      %get3A_678 = vector.shape_cast %get3A_677 : vector<1x16xf32> to vector<16xf32>
      %mul3A_679 = arith.mulf %mul3A_288, %get3A_678 : vector<16xf32>
      %add3A_680 = arith.addf %mul3A_672, %mul3A_679 : vector<16xf32>
      %add3A_681 = arith.constant 64 : i32
      %add3A_682 = arith.addi %scan3A_241, %add3A_681 : i32
      %get3A_683 = arith.index_cast %add3A_682 : i32 to index
      %get3A_684 = arith.constant 176 : index
      %get3A_685 = tpu.vector_load %arg11[%get3A_683, %get3A_684] {strides = array<i32>} : memref<128x256xf32, #tpu.memory_space<vmem>>, vector<1x16xf32>,
      %get3A_686 = vector.shape_cast %get3A_685 : vector<1x16xf32> to vector<16xf32>
      %mul3A_687 = arith.mulf %mul3A_292, %get3A_686 : vector<16xf32>
      %add3A_688 = arith.addf %add3A_680, %mul3A_687 : vector<16xf32>
      %add3A_689 = arith.constant 96 : i32
      %add3A_690 = arith.addi %scan3A_241, %add3A_689 : i32
      %get3A_691 = arith.index_cast %add3A_690 : i32 to index
      %get3A_692 = arith.constant 176 : index
      %get3A_693 = tpu.vector_load %arg11[%get3A_691, %get3A_692] {strides = array<i32>} : memref<128x256xf32, #tpu.memory_space<vmem>>, vector<1x16xf32>,
      %get3A_694 = vector.shape_cast %get3A_693 : vector<1x16xf32> to vector<16xf32>
      %mul3A_695 = arith.mulf %mul3A_293, %get3A_694 : vector<16xf32>
      %add3A_696 = arith.addf %add3A_688, %mul3A_695 : vector<16xf32>
      %swap3A_697 = arith.index_cast %scan3A_241 : i32 to index
      %swap3A_698 = arith.constant 176 : index
      %swap3A_699 = tpu.vector_load %arg12[%swap3A_697, %swap3A_698] {strides = array<i32>} : memref<32x256xf32, #tpu.memory_space<vmem>>, vector<1x16xf32>,
      %swap3A_700 = vector.shape_cast %swap3A_699 : vector<1x16xf32> to vector<16xf32>
      %swap3A_701 = vector.shape_cast %add3A_696 : vector<16xf32> to vector<1x16xf32>
      tpu.vector_store %arg12[%swap3A_697, %swap3A_698], %swap3A_701 {strides = array<i32>} : memref<32x256xf32, #tpu.memory_space<vmem>>, vector<1x16xf32>,
      %get3A_702 = arith.index_cast %scan3A_241 : i32 to index
      %get3A_703 = arith.constant 192 : index
      %get3A_704 = tpu.vector_load %arg11[%get3A_702, %get3A_703] {strides = array<i32>} : memref<128x256xf32, #tpu.memory_space<vmem>>, vector<1x16xf32>,
      %get3A_705 = vector.shape_cast %get3A_704 : vector<1x16xf32> to vector<16xf32>
      %mul3A_706 = arith.mulf %mul3A_284, %get3A_705 : vector<16xf32>
      %add3A_707 = arith.constant 32 : i32
      %add3A_708 = arith.addi %scan3A_241, %add3A_707 : i32
      %get3A_709 = arith.index_cast %add3A_708 : i32 to index
      %get3A_710 = arith.constant 192 : index
      %get3A_711 = tpu.vector_load %arg11[%get3A_709, %get3A_710] {strides = array<i32>} : memref<128x256xf32, #tpu.memory_space<vmem>>, vector<1x16xf32>,
      %get3A_712 = vector.shape_cast %get3A_711 : vector<1x16xf32> to vector<16xf32>
      %mul3A_713 = arith.mulf %mul3A_288, %get3A_712 : vector<16xf32>
      %add3A_714 = arith.addf %mul3A_706, %mul3A_713 : vector<16xf32>
      %add3A_715 = arith.constant 64 : i32
      %add3A_716 = arith.addi %scan3A_241, %add3A_715 : i32
      %get3A_717 = arith.index_cast %add3A_716 : i32 to index
      %get3A_718 = arith.constant 192 : index
      %get3A_719 = tpu.vector_load %arg11[%get3A_717, %get3A_718] {strides = array<i32>} : memref<128x256xf32, #tpu.memory_space<vmem>>, vector<1x16xf32>,
      %get3A_720 = vector.shape_cast %get3A_719 : vector<1x16xf32> to vector<16xf32>
      %mul3A_721 = arith.mulf %mul3A_292, %get3A_720 : vector<16xf32>
      %add3A_722 = arith.addf %add3A_714, %mul3A_721 : vector<16xf32>
      %add3A_723 = arith.constant 96 : i32
      %add3A_724 = arith.addi %scan3A_241, %add3A_723 : i32
      %get3A_725 = arith.index_cast %add3A_724 : i32 to index
      %get3A_726 = arith.constant 192 : index
      %get3A_727 = tpu.vector_load %arg11[%get3A_725, %get3A_726] {strides = array<i32>} : memref<128x256xf32, #tpu.memory_space<vmem>>, vector<1x16xf32>,
      %get3A_728 = vector.shape_cast %get3A_727 : vector<1x16xf32> to vector<16xf32>
      %mul3A_729 = arith.mulf %mul3A_293, %get3A_728 : vector<16xf32>
      %add3A_730 = arith.addf %add3A_722, %mul3A_729 : vector<16xf32>
      %swap3A_731 = arith.index_cast %scan3A_241 : i32 to index
      %swap3A_732 = arith.constant 192 : index
      %swap3A_733 = tpu.vector_load %arg12[%swap3A_731, %swap3A_732] {strides = array<i32>} : memref<32x256xf32, #tpu.memory_space<vmem>>, vector<1x16xf32>,
      %swap3A_734 = vector.shape_cast %swap3A_733 : vector<1x16xf32> to vector<16xf32>
      %swap3A_735 = vector.shape_cast %add3A_730 : vector<16xf32> to vector<1x16xf32>
      tpu.vector_store %arg12[%swap3A_731, %swap3A_732], %swap3A_735 {strides = array<i32>} : memref<32x256xf32, #tpu.memory_space<vmem>>, vector<1x16xf32>,
      %get3A_736 = arith.index_cast %scan3A_241 : i32 to index
      %get3A_737 = arith.constant 208 : index
      %get3A_738 = tpu.vector_load %arg11[%get3A_736, %get3A_737] {strides = array<i32>} : memref<128x256xf32, #tpu.memory_space<vmem>>, vector<1x16xf32>,
      %get3A_739 = vector.shape_cast %get3A_738 : vector<1x16xf32> to vector<16xf32>
      %mul3A_740 = arith.mulf %mul3A_284, %get3A_739 : vector<16xf32>
      %add3A_741 = arith.constant 32 : i32
      %add3A_742 = arith.addi %scan3A_241, %add3A_741 : i32
      %get3A_743 = arith.index_cast %add3A_742 : i32 to index
      %get3A_744 = arith.constant 208 : index
      %get3A_745 = tpu.vector_load %arg11[%get3A_743, %get3A_744] {strides = array<i32>} : memref<128x256xf32, #tpu.memory_space<vmem>>, vector<1x16xf32>,
      %get3A_746 = vector.shape_cast %get3A_745 : vector<1x16xf32> to vector<16xf32>
      %mul3A_747 = arith.mulf %mul3A_288, %get3A_746 : vector<16xf32>
      %add3A_748 = arith.addf %mul3A_740, %mul3A_747 : vector<16xf32>
      %add3A_749 = arith.constant 64 : i32
      %add3A_750 = arith.addi %scan3A_241, %add3A_749 : i32
      %get3A_751 = arith.index_cast %add3A_750 : i32 to index
      %get3A_752 = arith.constant 208 : index
      %get3A_753 = tpu.vector_load %arg11[%get3A_751, %get3A_752] {strides = array<i32>} : memref<128x256xf32, #tpu.memory_space<vmem>>, vector<1x16xf32>,
      %get3A_754 = vector.shape_cast %get3A_753 : vector<1x16xf32> to vector<16xf32>
      %mul3A_755 = arith.mulf %mul3A_292, %get3A_754 : vector<16xf32>
      %add3A_756 = arith.addf %add3A_748, %mul3A_755 : vector<16xf32>
      %add3A_757 = arith.constant 96 : i32
      %add3A_758 = arith.addi %scan3A_241, %add3A_757 : i32
      %get3A_759 = arith.index_cast %add3A_758 : i32 to index
      %get3A_760 = arith.constant 208 : index
      %get3A_761 = tpu.vector_load %arg11[%get3A_759, %get3A_760] {strides = array<i32>} : memref<128x256xf32, #tpu.memory_space<vmem>>, vector<1x16xf32>,
      %get3A_762 = vector.shape_cast %get3A_761 : vector<1x16xf32> to vector<16xf32>
      %mul3A_763 = arith.mulf %mul3A_293, %get3A_762 : vector<16xf32>
      %add3A_764 = arith.addf %add3A_756, %mul3A_763 : vector<16xf32>
      %swap3A_765 = arith.index_cast %scan3A_241 : i32 to index
      %swap3A_766 = arith.constant 208 : index
      %swap3A_767 = tpu.vector_load %arg12[%swap3A_765, %swap3A_766] {strides = array<i32>} : memref<32x256xf32, #tpu.memory_space<vmem>>, vector<1x16xf32>,
      %swap3A_768 = vector.shape_cast %swap3A_767 : vector<1x16xf32> to vector<16xf32>
      %swap3A_769 = vector.shape_cast %add3A_764 : vector<16xf32> to vector<1x16xf32>
      tpu.vector_store %arg12[%swap3A_765, %swap3A_766], %swap3A_769 {strides = array<i32>} : memref<32x256xf32, #tpu.memory_space<vmem>>, vector<1x16xf32>,
      %get3A_770 = arith.index_cast %scan3A_241 : i32 to index
      %get3A_771 = arith.constant 224 : index
      %get3A_772 = tpu.vector_load %arg11[%get3A_770, %get3A_771] {strides = array<i32>} : memref<128x256xf32, #tpu.memory_space<vmem>>, vector<1x16xf32>,
      %get3A_773 = vector.shape_cast %get3A_772 : vector<1x16xf32> to vector<16xf32>
      %mul3A_774 = arith.mulf %mul3A_284, %get3A_773 : vector<16xf32>
      %add3A_775 = arith.constant 32 : i32
      %add3A_776 = arith.addi %scan3A_241, %add3A_775 : i32
      %get3A_777 = arith.index_cast %add3A_776 : i32 to index
      %get3A_778 = arith.constant 224 : index
      %get3A_779 = tpu.vector_load %arg11[%get3A_777, %get3A_778] {strides = array<i32>} : memref<128x256xf32, #tpu.memory_space<vmem>>, vector<1x16xf32>,
      %get3A_780 = vector.shape_cast %get3A_779 : vector<1x16xf32> to vector<16xf32>
      %mul3A_781 = arith.mulf %mul3A_288, %get3A_780 : vector<16xf32>
      %add3A_782 = arith.addf %mul3A_774, %mul3A_781 : vector<16xf32>
      %add3A_783 = arith.constant 64 : i32
      %add3A_784 = arith.addi %scan3A_241, %add3A_783 : i32
      %get3A_785 = arith.index_cast %add3A_784 : i32 to index
      %get3A_786 = arith.constant 224 : index
      %get3A_787 = tpu.vector_load %arg11[%get3A_785, %get3A_786] {strides = array<i32>} : memref<128x256xf32, #tpu.memory_space<vmem>>, vector<1x16xf32>,
      %get3A_788 = vector.shape_cast %get3A_787 : vector<1x16xf32> to vector<16xf32>
      %mul3A_789 = arith.mulf %mul3A_292, %get3A_788 : vector<16xf32>
      %add3A_790 = arith.addf %add3A_782, %mul3A_789 : vector<16xf32>
      %add3A_791 = arith.constant 96 : i32
      %add3A_792 = arith.addi %scan3A_241, %add3A_791 : i32
      %get3A_793 = arith.index_cast %add3A_792 : i32 to index
      %get3A_794 = arith.constant 224 : index
      %get3A_795 = tpu.vector_load %arg11[%get3A_793, %get3A_794] {strides = array<i32>} : memref<128x256xf32, #tpu.memory_space<vmem>>, vector<1x16xf32>,
      %get3A_796 = vector.shape_cast %get3A_795 : vector<1x16xf32> to vector<16xf32>
      %mul3A_797 = arith.mulf %mul3A_293, %get3A_796 : vector<16xf32>
      %add3A_798 = arith.addf %add3A_790, %mul3A_797 : vector<16xf32>
      %swap3A_799 = arith.index_cast %scan3A_241 : i32 to index
      %swap3A_800 = arith.constant 224 : index
      %swap3A_801 = tpu.vector_load %arg12[%swap3A_799, %swap3A_800] {strides = array<i32>} : memref<32x256xf32, #tpu.memory_space<vmem>>, vector<1x16xf32>,
      %swap3A_802 = vector.shape_cast %swap3A_801 : vector<1x16xf32> to vector<16xf32>
      %swap3A_803 = vector.shape_cast %add3A_798 : vector<16xf32> to vector<1x16xf32>
      tpu.vector_store %arg12[%swap3A_799, %swap3A_800], %swap3A_803 {strides = array<i32>} : memref<32x256xf32, #tpu.memory_space<vmem>>, vector<1x16xf32>,
      %get3A_804 = arith.index_cast %scan3A_241 : i32 to index
      %get3A_805 = arith.constant 240 : index
      %get3A_806 = tpu.vector_load %arg11[%get3A_804, %get3A_805] {strides = array<i32>} : memref<128x256xf32, #tpu.memory_space<vmem>>, vector<1x16xf32>,
      %get3A_807 = vector.shape_cast %get3A_806 : vector<1x16xf32> to vector<16xf32>
      %mul3A_808 = arith.mulf %mul3A_284, %get3A_807 : vector<16xf32>
      %add3A_809 = arith.constant 32 : i32
      %add3A_810 = arith.addi %scan3A_241, %add3A_809 : i32
      %get3A_811 = arith.index_cast %add3A_810 : i32 to index
      %get3A_812 = arith.constant 240 : index
      %get3A_813 = tpu.vector_load %arg11[%get3A_811, %get3A_812] {strides = array<i32>} : memref<128x256xf32, #tpu.memory_space<vmem>>, vector<1x16xf32>,
      %get3A_814 = vector.shape_cast %get3A_813 : vector<1x16xf32> to vector<16xf32>
      %mul3A_815 = arith.mulf %mul3A_288, %get3A_814 : vector<16xf32>
      %add3A_816 = arith.addf %mul3A_808, %mul3A_815 : vector<16xf32>
      %add3A_817 = arith.constant 64 : i32
      %add3A_818 = arith.addi %scan3A_241, %add3A_817 : i32
      %get3A_819 = arith.index_cast %add3A_818 : i32 to index
      %get3A_820 = arith.constant 240 : index
      %get3A_821 = tpu.vector_load %arg11[%get3A_819, %get3A_820] {strides = array<i32>} : memref<128x256xf32, #tpu.memory_space<vmem>>, vector<1x16xf32>,
      %get3A_822 = vector.shape_cast %get3A_821 : vector<1x16xf32> to vector<16xf32>
      %mul3A_823 = arith.mulf %mul3A_292, %get3A_822 : vector<16xf32>
      %add3A_824 = arith.addf %add3A_816, %mul3A_823 : vector<16xf32>
      %add3A_825 = arith.constant 96 : i32
      %add3A_826 = arith.addi %scan3A_241, %add3A_825 : i32
      %get3A_827 = arith.index_cast %add3A_826 : i32 to index
      %get3A_828 = arith.constant 240 : index
      %get3A_829 = tpu.vector_load %arg11[%get3A_827, %get3A_828] {strides = array<i32>} : memref<128x256xf32, #tpu.memory_space<vmem>>, vector<1x16xf32>,
      %get3A_830 = vector.shape_cast %get3A_829 : vector<1x16xf32> to vector<16xf32>
      %mul3A_831 = arith.mulf %mul3A_293, %get3A_830 : vector<16xf32>
      %add3A_832 = arith.addf %add3A_824, %mul3A_831 : vector<16xf32>
      %swap3A_833 = arith.index_cast %scan3A_241 : i32 to index
      %swap3A_834 = arith.constant 240 : index
      %swap3A_835 = tpu.vector_load %arg12[%swap3A_833, %swap3A_834] {strides = array<i32>} : memref<32x256xf32, #tpu.memory_space<vmem>>, vector<1x16xf32>,
      %swap3A_836 = vector.shape_cast %swap3A_835 : vector<1x16xf32> to vector<16xf32>
      %swap3A_837 = vector.shape_cast %add3A_832 : vector<16xf32> to vector<1x16xf32>
      tpu.vector_store %arg12[%swap3A_833, %swap3A_834], %swap3A_837 {strides = array<i32>} : memref<32x256xf32, #tpu.memory_space<vmem>>, vector<1x16xf32>,
    }
    %scan3A_240 = arith.constant 32 : i32
    "tpu.region"() ({
      %run_scoped3A = tpu.sem_alloc : memref<!tpu.dma_semaphore, #tpu.memory_space<semaphore_mem>>
      %dma_start3A_241 = arith.constant 0 : i32
      %dma_start3A_242 = tpu.memref_slice %arg6[%mul3A_2, %dma_start3A_241] : memref<1024x256xf32, #tpu.memory_space<hbm>> -> memref<32x256xf32, #tpu.memory_space<hbm>>
      %dma_start3A_243 = arith.constant 0 : i32
      %dma_start3A_244 = tpu.memref_slice %arg6[%mul3A_2, %dma_start3A_243] : memref<1024x256xf32, #tpu.memory_space<hbm>> -> memref<32x256xf32, #tpu.memory_space<hbm>>
      tpu.enqueue_dma source(%arg12 : memref<32x256xf32, #tpu.memory_space<vmem>>) target(%dma_start3A_244 : memref<32x256xf32, #tpu.memory_space<hbm>>) target_semaphore(%run_scoped3A : memref<!tpu.dma_semaphore, #tpu.memory_space<semaphore_mem>>)
      %dma_wait3A_245 = arith.constant 0 : i32
      %dma_wait3A_246 = tpu.memref_slice %arg6[%mul3A_2, %dma_wait3A_245] : memref<1024x256xf32, #tpu.memory_space<hbm>> -> memref<32x256xf32, #tpu.memory_space<hbm>>
      %dma_wait3A_247 = arith.constant 0 : i32
      %dma_wait3A_248 = tpu.memref_slice %arg6[%mul3A_2, %dma_wait3A_247] : memref<1024x256xf32, #tpu.memory_space<hbm>> -> memref<32x256xf32, #tpu.memory_space<hbm>>
      tpu.wait_dma2 semaphore(%run_scoped3A : memref<!tpu.dma_semaphore, #tpu.memory_space<semaphore_mem>>) src(%arg12 : memref<32x256xf32, #tpu.memory_space<vmem>>) dst(%dma_wait3A_248 : memref<32x256xf32, #tpu.memory_space<hbm>>)
      tpu.yield
    }) : () -> ()
    return
  }
}

module attributes {stable_mosaic.version = 14 : i64} {
  func.func @_loss_kernel(%arg0: i32, %arg1: memref<4x9xf32, #tpu.memory_space<smem>>, %arg2: memref<1x256x2xf32, #tpu.memory_space<vmem>>, %arg3: memref<1x256x2xf32, #tpu.memory_space<vmem>>, %arg4: memref<1x256x256xf32, #tpu.memory_space<vmem>>, %arg5: memref<1x256x1024xf32, #tpu.memory_space<vmem>>, %arg6: memref<1x256x256xf32, #tpu.memory_space<vmem>>, %arg7: memref<1x1x128xf32, #tpu.memory_space<vmem>>) attributes {dimension_semantics = [#tpu.dimension_semantics<arbitrary>], iteration_bounds = array<i64: 4>, scalar_prefetch = 1 : i64, scratch_operands = 0 : i64, tpu.core_type = #tpu.core_type<tc>, window_params = [{transform_indices = @transform_0, window_bounds = array<i64: 1, 256, 2>}, {transform_indices = @transform_1, window_bounds = array<i64: 1, 256, 2>}, {transform_indices = @transform_2, window_bounds = array<i64: 1, 256, 256>}, {transform_indices = @transform_3, window_bounds = array<i64: 1, 256, 1024>}, {transform_indices = @transform_4, window_bounds = array<i64: 1, 256, 256>}, {transform_indices = @transform_5, window_bounds = array<i64: 1, 1, 128>}]} {
    %get3A = arith.constant 0 : index
    %get3A_0 = arith.constant 0 : index
    %get3A_1 = arith.constant 0 : index
    %get3A_2 = vector.load %arg4[%get3A, %get3A_0, %get3A_1] : memref<1x256x256xf32, #tpu.memory_space<vmem>>, vector<1x256x256xf32>
    %get3A_3 = vector.shape_cast %get3A_2 : vector<1x256x256xf32> to vector<256x256xf32>
    %get3A_4 = arith.constant 0 : index
    %get3A_5 = arith.constant 0 : index
    %get3A_6 = arith.constant 0 : index
    %get3A_7 = vector.load %arg5[%get3A_4, %get3A_5, %get3A_6] : memref<1x256x1024xf32, #tpu.memory_space<vmem>>, vector<1x256x1024xf32>
    %get3A_8 = vector.shape_cast %get3A_7 : vector<1x256x1024xf32> to vector<256x1024xf32>
    %get3A_9 = arith.constant 0 : index
    %get3A_10 = arith.constant 0 : index
    %get3A_11 = arith.constant 0 : index
    %get3A_12 = vector.load %arg2[%get3A_9, %get3A_10, %get3A_11] : memref<1x256x2xf32, #tpu.memory_space<vmem>>, vector<1x256x1xf32>
    %get3A_13 = vector.shape_cast %get3A_12 : vector<1x256x1xf32> to vector<256x1xf32>
    %get3A_14 = arith.constant 0 : index
    %get3A_15 = arith.constant 0 : index
    %get3A_16 = arith.constant 1 : index
    %get3A_17 = vector.load %arg2[%get3A_14, %get3A_15, %get3A_16] : memref<1x256x2xf32, #tpu.memory_space<vmem>>, vector<1x256x1xf32>
    %get3A_18 = vector.shape_cast %get3A_17 : vector<1x256x1xf32> to vector<256x1xf32>
    %get3A_19 = arith.constant 0 : index
    %get3A_20 = arith.constant 0 : index
    %get3A_21 = arith.constant 0 : index
    %get3A_22 = vector.load %arg3[%get3A_19, %get3A_20, %get3A_21] : memref<1x256x2xf32, #tpu.memory_space<vmem>>, vector<1x256x1xf32>
    %get3A_23 = vector.shape_cast %get3A_22 : vector<1x256x1xf32> to vector<256x1xf32>
    %get3A_24 = arith.constant 0 : index
    %get3A_25 = arith.constant 0 : index
    %get3A_26 = arith.constant 1 : index
    %get3A_27 = vector.load %arg3[%get3A_24, %get3A_25, %get3A_26] : memref<1x256x2xf32, #tpu.memory_space<vmem>>, vector<1x256x1xf32>
    %get3A_28 = vector.shape_cast %get3A_27 : vector<1x256x1xf32> to vector<256x1xf32>
    %iota3A = tpu.iota {dimensions = array<i32: 1>} : vector<256x1024xi32>
    %convert_element_type3A = arith.sitofp %iota3A : vector<256x1024xi32> to vector<256x1024xf32>
    %mul3A = arith.constant 6.250000e-02 : f32
    %mul3A_29 = vector.broadcast %mul3A : f32 to vector<256x1xf32>
    %mul3A_30 = arith.mulf %get3A_13, %mul3A_29 : vector<256x1xf32>
    %floor3A = math.floor %mul3A_30 : vector<256x1xf32>
    %jit3A = arith.constant 0.000000e+00 : f32
    %jit3A_31 = arith.constant 3.100000e+01 : f32
    %max3A = vector.broadcast %jit3A : f32 to vector<256x1xf32>
    %max3A_32 = arith.maximumf %max3A, %floor3A : vector<256x1xf32>
    %min3A = vector.broadcast %jit3A_31 : f32 to vector<256x1xf32>
    %min3A_33 = arith.minimumf %min3A, %max3A_32 : vector<256x1xf32>
    %mul3A_34 = arith.constant 6.250000e-02 : f32
    %mul3A_35 = vector.broadcast %mul3A_34 : f32 to vector<256x1xf32>
    %mul3A_36 = arith.mulf %get3A_18, %mul3A_35 : vector<256x1xf32>
    %floor3A_37 = math.floor %mul3A_36 : vector<256x1xf32>
    %jit3A_38 = arith.constant 0.000000e+00 : f32
    %jit3A_39 = arith.constant 3.100000e+01 : f32
    %max3A_40 = vector.broadcast %jit3A_38 : f32 to vector<256x1xf32>
    %max3A_41 = arith.maximumf %max3A_40, %floor3A_37 : vector<256x1xf32>
    %min3A_42 = vector.broadcast %jit3A_39 : f32 to vector<256x1xf32>
    %min3A_43 = arith.minimumf %min3A_42, %max3A_41 : vector<256x1xf32>
    %sub3A = arith.constant 2.000000e+00 : f32
    %sub3A_44 = vector.broadcast %sub3A : f32 to vector<256x1xf32>
    %sub3A_45 = arith.subf %min3A_33, %sub3A_44 : vector<256x1xf32>
    %jit3A_46 = arith.constant 0.000000e+00 : f32
    %jit3A_47 = arith.constant 2.700000e+01 : f32
    %max3A_48 = vector.broadcast %jit3A_46 : f32 to vector<256x1xf32>
    %max3A_49 = arith.maximumf %max3A_48, %sub3A_45 : vector<256x1xf32>
    %min3A_50 = vector.broadcast %jit3A_47 : f32 to vector<256x1xf32>
    %min3A_51 = arith.minimumf %min3A_50, %max3A_49 : vector<256x1xf32>
    %sub3A_52 = arith.constant 2.000000e+00 : f32
    %sub3A_53 = vector.broadcast %sub3A_52 : f32 to vector<256x1xf32>
    %sub3A_54 = arith.subf %min3A_43, %sub3A_53 : vector<256x1xf32>
    %jit3A_55 = arith.constant 0.000000e+00 : f32
    %jit3A_56 = arith.constant 2.700000e+01 : f32
    %max3A_57 = vector.broadcast %jit3A_55 : f32 to vector<256x1xf32>
    %max3A_58 = arith.maximumf %max3A_57, %sub3A_54 : vector<256x1xf32>
    %min3A_59 = vector.broadcast %jit3A_56 : f32 to vector<256x1xf32>
    %min3A_60 = arith.minimumf %min3A_59, %max3A_58 : vector<256x1xf32>
    %iota3A_61 = tpu.iota {dimensions = array<i32: 1>} : vector<256x25xi32>
    %convert_element_type3A_62 = arith.sitofp %iota3A_61 : vector<256x25xi32> to vector<256x25xf32>
    %mul3A_63 = arith.constant 2.000000e-01 : f32
    %mul3A_64 = vector.broadcast %mul3A_63 : f32 to vector<256x25xf32>
    %mul3A_65 = arith.mulf %convert_element_type3A_62, %mul3A_64 : vector<256x25xf32>
    %floor3A_66 = math.floor %mul3A_65 : vector<256x25xf32>
    %mul3A_67 = arith.constant 5.000000e+00 : f32
    %mul3A_68 = vector.broadcast %mul3A_67 : f32 to vector<256x25xf32>
    %mul3A_69 = arith.mulf %mul3A_68, %floor3A_66 : vector<256x25xf32>
    %sub3A_70 = arith.subf %convert_element_type3A_62, %mul3A_69 : vector<256x25xf32>
    %mul3A_71 = arith.constant 2.000000e-01 : f32
    %mul3A_72 = vector.broadcast %mul3A_71 : f32 to vector<256x25xf32>
    %mul3A_73 = arith.mulf %convert_element_type3A_62, %mul3A_72 : vector<256x25xf32>
    %floor3A_74 = math.floor %mul3A_73 : vector<256x25xf32>
    %add3A = vector.broadcast %min3A_51 : vector<256x1xf32> to vector<256x25xf32>
    %add3A_75 = arith.addf %add3A, %sub3A_70 : vector<256x25xf32>
    %add3A_76 = vector.broadcast %min3A_60 : vector<256x1xf32> to vector<256x25xf32>
    %add3A_77 = arith.addf %add3A_76, %floor3A_74 : vector<256x25xf32>
    %mul3A_78 = arith.constant 1.600000e+01 : f32
    %mul3A_79 = vector.broadcast %mul3A_78 : f32 to vector<256x25xf32>
    %mul3A_80 = arith.mulf %add3A_75, %mul3A_79 : vector<256x25xf32>
    %add3A_81 = arith.constant 8.000000e+00 : f32
    %add3A_82 = vector.broadcast %add3A_81 : f32 to vector<256x25xf32>
    %add3A_83 = arith.addf %mul3A_80, %add3A_82 : vector<256x25xf32>
    %mul3A_84 = arith.constant 1.600000e+01 : f32
    %mul3A_85 = vector.broadcast %mul3A_84 : f32 to vector<256x25xf32>
    %mul3A_86 = arith.mulf %add3A_77, %mul3A_85 : vector<256x25xf32>
    %add3A_87 = arith.constant 8.000000e+00 : f32
    %add3A_88 = vector.broadcast %add3A_87 : f32 to vector<256x25xf32>
    %add3A_89 = arith.addf %mul3A_86, %add3A_88 : vector<256x25xf32>
    %sub3A_90 = vector.broadcast %get3A_13 : vector<256x1xf32> to vector<256x25xf32>
    %sub3A_91 = arith.subf %sub3A_90, %add3A_83 : vector<256x25xf32>
    %sub3A_92 = vector.broadcast %get3A_18 : vector<256x1xf32> to vector<256x25xf32>
    %sub3A_93 = arith.subf %sub3A_92, %add3A_89 : vector<256x25xf32>
    %mul3A_94 = arith.mulf %sub3A_91, %sub3A_91 : vector<256x25xf32>
    %mul3A_95 = arith.mulf %sub3A_93, %sub3A_93 : vector<256x25xf32>
    %add3A_96 = arith.addf %mul3A_94, %mul3A_95 : vector<256x25xf32>
    %mul3A_97 = arith.constant 3.200000e+01 : f32
    %mul3A_98 = vector.broadcast %mul3A_97 : f32 to vector<256x25xf32>
    %mul3A_99 = arith.mulf %add3A_77, %mul3A_98 : vector<256x25xf32>
    %add3A_100 = arith.addf %mul3A_99, %add3A_75 : vector<256x25xf32>
    %reduce_min3A = arith.constant dense<0x7F800000> : vector<256xf32>
    %reduce_min3A_101 = vector.multi_reduction <minimumf>, %add3A_96, %reduce_min3A [1] : vector<256x25xf32> to vector<256xf32>
    %broadcast_in_dim3A = vector.shape_cast %reduce_min3A_101 : vector<256xf32> to vector<256x1xf32>
    %eq3A = vector.broadcast %broadcast_in_dim3A : vector<256x1xf32> to vector<256x25xf32>
    %eq3A_102 = arith.cmpf oeq, %add3A_96, %eq3A : vector<256x25xf32>
    %jit3A_103 = arith.constant 4.096000e+03 : f32
    %broadcast_in_dim3A_104 = vector.broadcast %jit3A_103 : f32 to vector<256x25xf32>
    %select_n3A = arith.select %eq3A_102, %add3A_100, %broadcast_in_dim3A_104 : vector<256x25xi1>, vector<256x25xf32>
    %reduce_min3A_105 = arith.constant dense<0x7F800000> : vector<256xf32>
    %reduce_min3A_106 = vector.multi_reduction <minimumf>, %select_n3A, %reduce_min3A_105 [1] : vector<256x25xf32> to vector<256xf32>
    %broadcast_in_dim3A_107 = vector.shape_cast %reduce_min3A_106 : vector<256xf32> to vector<256x1xf32>
    %eq3A_108 = vector.broadcast %broadcast_in_dim3A_107 : vector<256x1xf32> to vector<256x25xf32>
    %eq3A_109 = arith.cmpf oeq, %add3A_100, %eq3A_108 : vector<256x25xf32>
    %jit3A_110 = arith.constant 1.000000e+30 : f32
    %broadcast_in_dim3A_111 = vector.broadcast %jit3A_110 : f32 to vector<256x25xf32>
    %select_n3A_112 = arith.select %eq3A_109, %broadcast_in_dim3A_111, %add3A_96 : vector<256x25xi1>, vector<256x25xf32>
    %reduce_min3A_113 = arith.constant dense<0x7F800000> : vector<256xf32>
    %reduce_min3A_114 = vector.multi_reduction <minimumf>, %select_n3A_112, %reduce_min3A_113 [1] : vector<256x25xf32> to vector<256xf32>
    %broadcast_in_dim3A_115 = vector.shape_cast %reduce_min3A_114 : vector<256xf32> to vector<256x1xf32>
    %eq3A_116 = vector.broadcast %broadcast_in_dim3A_115 : vector<256x1xf32> to vector<256x25xf32>
    %eq3A_117 = arith.cmpf oeq, %select_n3A_112, %eq3A_116 : vector<256x25xf32>
    %jit3A_118 = arith.constant 4.096000e+03 : f32
    %broadcast_in_dim3A_119 = vector.broadcast %jit3A_118 : f32 to vector<256x25xf32>
    %select_n3A_120 = arith.select %eq3A_117, %add3A_100, %broadcast_in_dim3A_119 : vector<256x25xi1>, vector<256x25xf32>
    %reduce_min3A_121 = arith.constant dense<0x7F800000> : vector<256xf32>
    %reduce_min3A_122 = vector.multi_reduction <minimumf>, %select_n3A_120, %reduce_min3A_121 [1] : vector<256x25xf32> to vector<256xf32>
    %broadcast_in_dim3A_123 = vector.shape_cast %reduce_min3A_122 : vector<256xf32> to vector<256x1xf32>
    %eq3A_124 = vector.broadcast %broadcast_in_dim3A_123 : vector<256x1xf32> to vector<256x25xf32>
    %eq3A_125 = arith.cmpf oeq, %add3A_100, %eq3A_124 : vector<256x25xf32>
    %jit3A_126 = arith.constant 1.000000e+30 : f32
    %broadcast_in_dim3A_127 = vector.broadcast %jit3A_126 : f32 to vector<256x25xf32>
    %select_n3A_128 = arith.select %eq3A_125, %broadcast_in_dim3A_127, %select_n3A_112 : vector<256x25xi1>, vector<256x25xf32>
    %reduce_min3A_129 = arith.constant dense<0x7F800000> : vector<256xf32>
    %reduce_min3A_130 = vector.multi_reduction <minimumf>, %select_n3A_128, %reduce_min3A_129 [1] : vector<256x25xf32> to vector<256xf32>
    %broadcast_in_dim3A_131 = vector.shape_cast %reduce_min3A_130 : vector<256xf32> to vector<256x1xf32>
    %eq3A_132 = vector.broadcast %broadcast_in_dim3A_131 : vector<256x1xf32> to vector<256x25xf32>
    %eq3A_133 = arith.cmpf oeq, %select_n3A_128, %eq3A_132 : vector<256x25xf32>
    %jit3A_134 = arith.constant 4.096000e+03 : f32
    %broadcast_in_dim3A_135 = vector.broadcast %jit3A_134 : f32 to vector<256x25xf32>
    %select_n3A_136 = arith.select %eq3A_133, %add3A_100, %broadcast_in_dim3A_135 : vector<256x25xi1>, vector<256x25xf32>
    %reduce_min3A_137 = arith.constant dense<0x7F800000> : vector<256xf32>
    %reduce_min3A_138 = vector.multi_reduction <minimumf>, %select_n3A_136, %reduce_min3A_137 [1] : vector<256x25xf32> to vector<256xf32>
    %broadcast_in_dim3A_139 = vector.shape_cast %reduce_min3A_138 : vector<256xf32> to vector<256x1xf32>
    %eq3A_140 = vector.broadcast %broadcast_in_dim3A_139 : vector<256x1xf32> to vector<256x25xf32>
    %eq3A_141 = arith.cmpf oeq, %add3A_100, %eq3A_140 : vector<256x25xf32>
    %jit3A_142 = arith.constant 1.000000e+30 : f32
    %broadcast_in_dim3A_143 = vector.broadcast %jit3A_142 : f32 to vector<256x25xf32>
    %select_n3A_144 = arith.select %eq3A_141, %broadcast_in_dim3A_143, %select_n3A_128 : vector<256x25xi1>, vector<256x25xf32>
    %reduce_min3A_145 = arith.constant dense<0x7F800000> : vector<256xf32>
    %reduce_min3A_146 = vector.multi_reduction <minimumf>, %select_n3A_144, %reduce_min3A_145 [1] : vector<256x25xf32> to vector<256xf32>
    %broadcast_in_dim3A_147 = vector.shape_cast %reduce_min3A_146 : vector<256xf32> to vector<256x1xf32>
    %eq3A_148 = vector.broadcast %broadcast_in_dim3A_147 : vector<256x1xf32> to vector<256x25xf32>
    %eq3A_149 = arith.cmpf oeq, %select_n3A_144, %eq3A_148 : vector<256x25xf32>
    %jit3A_150 = arith.constant 4.096000e+03 : f32
    %broadcast_in_dim3A_151 = vector.broadcast %jit3A_150 : f32 to vector<256x25xf32>
    %select_n3A_152 = arith.select %eq3A_149, %add3A_100, %broadcast_in_dim3A_151 : vector<256x25xi1>, vector<256x25xf32>
    %reduce_min3A_153 = arith.constant dense<0x7F800000> : vector<256xf32>
    %reduce_min3A_154 = vector.multi_reduction <minimumf>, %select_n3A_152, %reduce_min3A_153 [1] : vector<256x25xf32> to vector<256xf32>
    %broadcast_in_dim3A_155 = vector.shape_cast %reduce_min3A_154 : vector<256xf32> to vector<256x1xf32>
    %mul3A_156 = arith.constant 6.250000e-02 : f32
    %mul3A_157 = vector.broadcast %mul3A_156 : f32 to vector<256x1xf32>
    %mul3A_158 = arith.mulf %get3A_23, %mul3A_157 : vector<256x1xf32>
    %floor3A_159 = math.floor %mul3A_158 : vector<256x1xf32>
    %jit3A_160 = arith.constant 0.000000e+00 : f32
    %jit3A_161 = arith.constant 3.100000e+01 : f32
    %max3A_162 = vector.broadcast %jit3A_160 : f32 to vector<256x1xf32>
    %max3A_163 = arith.maximumf %max3A_162, %floor3A_159 : vector<256x1xf32>
    %min3A_164 = vector.broadcast %jit3A_161 : f32 to vector<256x1xf32>
    %min3A_165 = arith.minimumf %min3A_164, %max3A_163 : vector<256x1xf32>
    %mul3A_166 = arith.constant 6.250000e-02 : f32
    %mul3A_167 = vector.broadcast %mul3A_166 : f32 to vector<256x1xf32>
    %mul3A_168 = arith.mulf %get3A_28, %mul3A_167 : vector<256x1xf32>
    %floor3A_169 = math.floor %mul3A_168 : vector<256x1xf32>
    %jit3A_170 = arith.constant 0.000000e+00 : f32
    %jit3A_171 = arith.constant 3.100000e+01 : f32
    %max3A_172 = vector.broadcast %jit3A_170 : f32 to vector<256x1xf32>
    %max3A_173 = arith.maximumf %max3A_172, %floor3A_169 : vector<256x1xf32>
    %min3A_174 = vector.broadcast %jit3A_171 : f32 to vector<256x1xf32>
    %min3A_175 = arith.minimumf %min3A_174, %max3A_173 : vector<256x1xf32>
    %sub3A_176 = arith.constant 2.000000e+00 : f32
    %sub3A_177 = vector.broadcast %sub3A_176 : f32 to vector<256x1xf32>
    %sub3A_178 = arith.subf %min3A_165, %sub3A_177 : vector<256x1xf32>
    %jit3A_179 = arith.constant 0.000000e+00 : f32
    %jit3A_180 = arith.constant 2.700000e+01 : f32
    %max3A_181 = vector.broadcast %jit3A_179 : f32 to vector<256x1xf32>
    %max3A_182 = arith.maximumf %max3A_181, %sub3A_178 : vector<256x1xf32>
    %min3A_183 = vector.broadcast %jit3A_180 : f32 to vector<256x1xf32>
    %min3A_184 = arith.minimumf %min3A_183, %max3A_182 : vector<256x1xf32>
    %sub3A_185 = arith.constant 2.000000e+00 : f32
    %sub3A_186 = vector.broadcast %sub3A_185 : f32 to vector<256x1xf32>
    %sub3A_187 = arith.subf %min3A_175, %sub3A_186 : vector<256x1xf32>
    %jit3A_188 = arith.constant 0.000000e+00 : f32
    %jit3A_189 = arith.constant 2.700000e+01 : f32
    %max3A_190 = vector.broadcast %jit3A_188 : f32 to vector<256x1xf32>
    %max3A_191 = arith.maximumf %max3A_190, %sub3A_187 : vector<256x1xf32>
    %min3A_192 = vector.broadcast %jit3A_189 : f32 to vector<256x1xf32>
    %min3A_193 = arith.minimumf %min3A_192, %max3A_191 : vector<256x1xf32>
    %iota3A_194 = tpu.iota {dimensions = array<i32: 1>} : vector<256x25xi32>
    %convert_element_type3A_195 = arith.sitofp %iota3A_194 : vector<256x25xi32> to vector<256x25xf32>
    %mul3A_196 = arith.constant 2.000000e-01 : f32
    %mul3A_197 = vector.broadcast %mul3A_196 : f32 to vector<256x25xf32>
    %mul3A_198 = arith.mulf %convert_element_type3A_195, %mul3A_197 : vector<256x25xf32>
    %floor3A_199 = math.floor %mul3A_198 : vector<256x25xf32>
    %mul3A_200 = arith.constant 5.000000e+00 : f32
    %mul3A_201 = vector.broadcast %mul3A_200 : f32 to vector<256x25xf32>
    %mul3A_202 = arith.mulf %mul3A_201, %floor3A_199 : vector<256x25xf32>
    %sub3A_203 = arith.subf %convert_element_type3A_195, %mul3A_202 : vector<256x25xf32>
    %mul3A_204 = arith.constant 2.000000e-01 : f32
    %mul3A_205 = vector.broadcast %mul3A_204 : f32 to vector<256x25xf32>
    %mul3A_206 = arith.mulf %convert_element_type3A_195, %mul3A_205 : vector<256x25xf32>
    %floor3A_207 = math.floor %mul3A_206 : vector<256x25xf32>
    %add3A_208 = vector.broadcast %min3A_184 : vector<256x1xf32> to vector<256x25xf32>
    %add3A_209 = arith.addf %add3A_208, %sub3A_203 : vector<256x25xf32>
    %add3A_210 = vector.broadcast %min3A_193 : vector<256x1xf32> to vector<256x25xf32>
    %add3A_211 = arith.addf %add3A_210, %floor3A_207 : vector<256x25xf32>
    %mul3A_212 = arith.constant 1.600000e+01 : f32
    %mul3A_213 = vector.broadcast %mul3A_212 : f32 to vector<256x25xf32>
    %mul3A_214 = arith.mulf %add3A_209, %mul3A_213 : vector<256x25xf32>
    %add3A_215 = arith.constant 8.000000e+00 : f32
    %add3A_216 = vector.broadcast %add3A_215 : f32 to vector<256x25xf32>
    %add3A_217 = arith.addf %mul3A_214, %add3A_216 : vector<256x25xf32>
    %mul3A_218 = arith.constant 1.600000e+01 : f32
    %mul3A_219 = vector.broadcast %mul3A_218 : f32 to vector<256x25xf32>
    %mul3A_220 = arith.mulf %add3A_211, %mul3A_219 : vector<256x25xf32>
    %add3A_221 = arith.constant 8.000000e+00 : f32
    %add3A_222 = vector.broadcast %add3A_221 : f32 to vector<256x25xf32>
    %add3A_223 = arith.addf %mul3A_220, %add3A_222 : vector<256x25xf32>
    %sub3A_224 = vector.broadcast %get3A_23 : vector<256x1xf32> to vector<256x25xf32>
    %sub3A_225 = arith.subf %sub3A_224, %add3A_217 : vector<256x25xf32>
    %sub3A_226 = vector.broadcast %get3A_28 : vector<256x1xf32> to vector<256x25xf32>
    %sub3A_227 = arith.subf %sub3A_226, %add3A_223 : vector<256x25xf32>
    %mul3A_228 = arith.mulf %sub3A_225, %sub3A_225 : vector<256x25xf32>
    %mul3A_229 = arith.mulf %sub3A_227, %sub3A_227 : vector<256x25xf32>
    %add3A_230 = arith.addf %mul3A_228, %mul3A_229 : vector<256x25xf32>
    %mul3A_231 = arith.constant 3.200000e+01 : f32
    %mul3A_232 = vector.broadcast %mul3A_231 : f32 to vector<256x25xf32>
    %mul3A_233 = arith.mulf %add3A_211, %mul3A_232 : vector<256x25xf32>
    %add3A_234 = arith.addf %mul3A_233, %add3A_209 : vector<256x25xf32>
    %reduce_min3A_235 = arith.constant dense<0x7F800000> : vector<256xf32>
    %reduce_min3A_236 = vector.multi_reduction <minimumf>, %add3A_230, %reduce_min3A_235 [1] : vector<256x25xf32> to vector<256xf32>
    %broadcast_in_dim3A_237 = vector.shape_cast %reduce_min3A_236 : vector<256xf32> to vector<256x1xf32>
    %eq3A_238 = vector.broadcast %broadcast_in_dim3A_237 : vector<256x1xf32> to vector<256x25xf32>
    %eq3A_239 = arith.cmpf oeq, %add3A_230, %eq3A_238 : vector<256x25xf32>
    %jit3A_240 = arith.constant 4.096000e+03 : f32
    %broadcast_in_dim3A_241 = vector.broadcast %jit3A_240 : f32 to vector<256x25xf32>
    %select_n3A_242 = arith.select %eq3A_239, %add3A_234, %broadcast_in_dim3A_241 : vector<256x25xi1>, vector<256x25xf32>
    %reduce_min3A_243 = arith.constant dense<0x7F800000> : vector<256xf32>
    %reduce_min3A_244 = vector.multi_reduction <minimumf>, %select_n3A_242, %reduce_min3A_243 [1] : vector<256x25xf32> to vector<256xf32>
    %broadcast_in_dim3A_245 = vector.shape_cast %reduce_min3A_244 : vector<256xf32> to vector<256x1xf32>
    %eq3A_246 = vector.broadcast %broadcast_in_dim3A_245 : vector<256x1xf32> to vector<256x25xf32>
    %eq3A_247 = arith.cmpf oeq, %add3A_234, %eq3A_246 : vector<256x25xf32>
    %jit3A_248 = arith.constant 1.000000e+30 : f32
    %broadcast_in_dim3A_249 = vector.broadcast %jit3A_248 : f32 to vector<256x25xf32>
    %select_n3A_250 = arith.select %eq3A_247, %broadcast_in_dim3A_249, %add3A_230 : vector<256x25xi1>, vector<256x25xf32>
    %reduce_min3A_251 = arith.constant dense<0x7F800000> : vector<256xf32>
    %reduce_min3A_252 = vector.multi_reduction <minimumf>, %select_n3A_250, %reduce_min3A_251 [1] : vector<256x25xf32> to vector<256xf32>
    %broadcast_in_dim3A_253 = vector.shape_cast %reduce_min3A_252 : vector<256xf32> to vector<256x1xf32>
    %eq3A_254 = vector.broadcast %broadcast_in_dim3A_253 : vector<256x1xf32> to vector<256x25xf32>
    %eq3A_255 = arith.cmpf oeq, %select_n3A_250, %eq3A_254 : vector<256x25xf32>
    %jit3A_256 = arith.constant 4.096000e+03 : f32
    %broadcast_in_dim3A_257 = vector.broadcast %jit3A_256 : f32 to vector<256x25xf32>
    %select_n3A_258 = arith.select %eq3A_255, %add3A_234, %broadcast_in_dim3A_257 : vector<256x25xi1>, vector<256x25xf32>
    %reduce_min3A_259 = arith.constant dense<0x7F800000> : vector<256xf32>
    %reduce_min3A_260 = vector.multi_reduction <minimumf>, %select_n3A_258, %reduce_min3A_259 [1] : vector<256x25xf32> to vector<256xf32>
    %broadcast_in_dim3A_261 = vector.shape_cast %reduce_min3A_260 : vector<256xf32> to vector<256x1xf32>
    %eq3A_262 = vector.broadcast %broadcast_in_dim3A_261 : vector<256x1xf32> to vector<256x25xf32>
    %eq3A_263 = arith.cmpf oeq, %add3A_234, %eq3A_262 : vector<256x25xf32>
    %jit3A_264 = arith.constant 1.000000e+30 : f32
    %broadcast_in_dim3A_265 = vector.broadcast %jit3A_264 : f32 to vector<256x25xf32>
    %select_n3A_266 = arith.select %eq3A_263, %broadcast_in_dim3A_265, %select_n3A_250 : vector<256x25xi1>, vector<256x25xf32>
    %reduce_min3A_267 = arith.constant dense<0x7F800000> : vector<256xf32>
    %reduce_min3A_268 = vector.multi_reduction <minimumf>, %select_n3A_266, %reduce_min3A_267 [1] : vector<256x25xf32> to vector<256xf32>
    %broadcast_in_dim3A_269 = vector.shape_cast %reduce_min3A_268 : vector<256xf32> to vector<256x1xf32>
    %eq3A_270 = vector.broadcast %broadcast_in_dim3A_269 : vector<256x1xf32> to vector<256x25xf32>
    %eq3A_271 = arith.cmpf oeq, %select_n3A_266, %eq3A_270 : vector<256x25xf32>
    %jit3A_272 = arith.constant 4.096000e+03 : f32
    %broadcast_in_dim3A_273 = vector.broadcast %jit3A_272 : f32 to vector<256x25xf32>
    %select_n3A_274 = arith.select %eq3A_271, %add3A_234, %broadcast_in_dim3A_273 : vector<256x25xi1>, vector<256x25xf32>
    %reduce_min3A_275 = arith.constant dense<0x7F800000> : vector<256xf32>
    %reduce_min3A_276 = vector.multi_reduction <minimumf>, %select_n3A_274, %reduce_min3A_275 [1] : vector<256x25xf32> to vector<256xf32>
    %broadcast_in_dim3A_277 = vector.shape_cast %reduce_min3A_276 : vector<256xf32> to vector<256x1xf32>
    %eq3A_278 = vector.broadcast %broadcast_in_dim3A_277 : vector<256x1xf32> to vector<256x25xf32>
    %eq3A_279 = arith.cmpf oeq, %add3A_234, %eq3A_278 : vector<256x25xf32>
    %jit3A_280 = arith.constant 1.000000e+30 : f32
    %broadcast_in_dim3A_281 = vector.broadcast %jit3A_280 : f32 to vector<256x25xf32>
    %select_n3A_282 = arith.select %eq3A_279, %broadcast_in_dim3A_281, %select_n3A_266 : vector<256x25xi1>, vector<256x25xf32>
    %reduce_min3A_283 = arith.constant dense<0x7F800000> : vector<256xf32>
    %reduce_min3A_284 = vector.multi_reduction <minimumf>, %select_n3A_282, %reduce_min3A_283 [1] : vector<256x25xf32> to vector<256xf32>
    %broadcast_in_dim3A_285 = vector.shape_cast %reduce_min3A_284 : vector<256xf32> to vector<256x1xf32>
    %eq3A_286 = vector.broadcast %broadcast_in_dim3A_285 : vector<256x1xf32> to vector<256x25xf32>
    %eq3A_287 = arith.cmpf oeq, %select_n3A_282, %eq3A_286 : vector<256x25xf32>
    %jit3A_288 = arith.constant 4.096000e+03 : f32
    %broadcast_in_dim3A_289 = vector.broadcast %jit3A_288 : f32 to vector<256x25xf32>
    %select_n3A_290 = arith.select %eq3A_287, %add3A_234, %broadcast_in_dim3A_289 : vector<256x25xi1>, vector<256x25xf32>
    %reduce_min3A_291 = arith.constant dense<0x7F800000> : vector<256xf32>
    %reduce_min3A_292 = vector.multi_reduction <minimumf>, %select_n3A_290, %reduce_min3A_291 [1] : vector<256x25xf32> to vector<256xf32>
    %broadcast_in_dim3A_293 = vector.shape_cast %reduce_min3A_292 : vector<256xf32> to vector<256x1xf32>
    %eq3A_294 = vector.broadcast %broadcast_in_dim3A_107 : vector<256x1xf32> to vector<256x1024xf32>
    %eq3A_295 = arith.cmpf oeq, %convert_element_type3A, %eq3A_294 : vector<256x1024xf32>
    %convert_element_type3A_296 = arith.extui %eq3A_295 : vector<256x1024xi1> to vector<256x1024xi32>
    %convert_element_type3A_297 = arith.sitofp %convert_element_type3A_296 : vector<256x1024xi32> to vector<256x1024xf32>
    %eq3A_298 = vector.broadcast %broadcast_in_dim3A_123 : vector<256x1xf32> to vector<256x1024xf32>
    %eq3A_299 = arith.cmpf oeq, %convert_element_type3A, %eq3A_298 : vector<256x1024xf32>
    %convert_element_type3A_300 = arith.extui %eq3A_299 : vector<256x1024xi1> to vector<256x1024xi32>
    %convert_element_type3A_301 = arith.sitofp %convert_element_type3A_300 : vector<256x1024xi32> to vector<256x1024xf32>
    %add3A_302 = arith.addf %convert_element_type3A_297, %convert_element_type3A_301 : vector<256x1024xf32>
    %eq3A_303 = vector.broadcast %broadcast_in_dim3A_139 : vector<256x1xf32> to vector<256x1024xf32>
    %eq3A_304 = arith.cmpf oeq, %convert_element_type3A, %eq3A_303 : vector<256x1024xf32>
    %convert_element_type3A_305 = arith.extui %eq3A_304 : vector<256x1024xi1> to vector<256x1024xi32>
    %convert_element_type3A_306 = arith.sitofp %convert_element_type3A_305 : vector<256x1024xi32> to vector<256x1024xf32>
    %add3A_307 = arith.addf %add3A_302, %convert_element_type3A_306 : vector<256x1024xf32>
    %eq3A_308 = vector.broadcast %broadcast_in_dim3A_155 : vector<256x1xf32> to vector<256x1024xf32>
    %eq3A_309 = arith.cmpf oeq, %convert_element_type3A, %eq3A_308 : vector<256x1024xf32>
    %convert_element_type3A_310 = arith.extui %eq3A_309 : vector<256x1024xi1> to vector<256x1024xi32>
    %convert_element_type3A_311 = arith.sitofp %convert_element_type3A_310 : vector<256x1024xi32> to vector<256x1024xf32>
    %add3A_312 = arith.addf %add3A_307, %convert_element_type3A_311 : vector<256x1024xf32>
    %eq3A_313 = vector.broadcast %broadcast_in_dim3A_245 : vector<256x1xf32> to vector<256x1024xf32>
    %eq3A_314 = arith.cmpf oeq, %convert_element_type3A, %eq3A_313 : vector<256x1024xf32>
    %convert_element_type3A_315 = arith.extui %eq3A_314 : vector<256x1024xi1> to vector<256x1024xi32>
    %convert_element_type3A_316 = arith.sitofp %convert_element_type3A_315 : vector<256x1024xi32> to vector<256x1024xf32>
    %eq3A_317 = vector.broadcast %broadcast_in_dim3A_261 : vector<256x1xf32> to vector<256x1024xf32>
    %eq3A_318 = arith.cmpf oeq, %convert_element_type3A, %eq3A_317 : vector<256x1024xf32>
    %convert_element_type3A_319 = arith.extui %eq3A_318 : vector<256x1024xi1> to vector<256x1024xi32>
    %convert_element_type3A_320 = arith.sitofp %convert_element_type3A_319 : vector<256x1024xi32> to vector<256x1024xf32>
    %add3A_321 = arith.addf %convert_element_type3A_316, %convert_element_type3A_320 : vector<256x1024xf32>
    %eq3A_322 = vector.broadcast %broadcast_in_dim3A_277 : vector<256x1xf32> to vector<256x1024xf32>
    %eq3A_323 = arith.cmpf oeq, %convert_element_type3A, %eq3A_322 : vector<256x1024xf32>
    %convert_element_type3A_324 = arith.extui %eq3A_323 : vector<256x1024xi1> to vector<256x1024xi32>
    %convert_element_type3A_325 = arith.sitofp %convert_element_type3A_324 : vector<256x1024xi32> to vector<256x1024xf32>
    %add3A_326 = arith.addf %add3A_321, %convert_element_type3A_325 : vector<256x1024xf32>
    %eq3A_327 = vector.broadcast %broadcast_in_dim3A_293 : vector<256x1xf32> to vector<256x1024xf32>
    %eq3A_328 = arith.cmpf oeq, %convert_element_type3A, %eq3A_327 : vector<256x1024xf32>
    %convert_element_type3A_329 = arith.extui %eq3A_328 : vector<256x1024xi1> to vector<256x1024xi32>
    %convert_element_type3A_330 = arith.sitofp %convert_element_type3A_329 : vector<256x1024xi32> to vector<256x1024xf32>
    %add3A_331 = arith.addf %add3A_326, %convert_element_type3A_330 : vector<256x1024xf32>
    %get3A_332 = arith.index_cast %arg0 : i32 to index
    %get3A_333 = arith.constant 0 : index
    %get3A_334 = memref.load %arg1[%get3A_332, %get3A_333] : memref<4x9xf32, #tpu.memory_space<smem>>
    %get3A_335 = arith.index_cast %arg0 : i32 to index
    %get3A_336 = arith.constant 1 : index
    %get3A_337 = memref.load %arg1[%get3A_335, %get3A_336] : memref<4x9xf32, #tpu.memory_space<smem>>
    %get3A_338 = arith.index_cast %arg0 : i32 to index
    %get3A_339 = arith.constant 2 : index
    %get3A_340 = memref.load %arg1[%get3A_338, %get3A_339] : memref<4x9xf32, #tpu.memory_space<smem>>
    %get3A_341 = arith.index_cast %arg0 : i32 to index
    %get3A_342 = arith.constant 3 : index
    %get3A_343 = memref.load %arg1[%get3A_341, %get3A_342] : memref<4x9xf32, #tpu.memory_space<smem>>
    %get3A_344 = arith.index_cast %arg0 : i32 to index
    %get3A_345 = arith.constant 4 : index
    %get3A_346 = memref.load %arg1[%get3A_344, %get3A_345] : memref<4x9xf32, #tpu.memory_space<smem>>
    %get3A_347 = arith.index_cast %arg0 : i32 to index
    %get3A_348 = arith.constant 5 : index
    %get3A_349 = memref.load %arg1[%get3A_347, %get3A_348] : memref<4x9xf32, #tpu.memory_space<smem>>
    %get3A_350 = arith.index_cast %arg0 : i32 to index
    %get3A_351 = arith.constant 6 : index
    %get3A_352 = memref.load %arg1[%get3A_350, %get3A_351] : memref<4x9xf32, #tpu.memory_space<smem>>
    %get3A_353 = arith.index_cast %arg0 : i32 to index
    %get3A_354 = arith.constant 7 : index
    %get3A_355 = memref.load %arg1[%get3A_353, %get3A_354] : memref<4x9xf32, #tpu.memory_space<smem>>
    %get3A_356 = arith.index_cast %arg0 : i32 to index
    %get3A_357 = arith.constant 8 : index
    %get3A_358 = memref.load %arg1[%get3A_356, %get3A_357] : memref<4x9xf32, #tpu.memory_space<smem>>
    %mul3A_359 = arith.constant 3.125000e-02 : f32
    %mul3A_360 = vector.broadcast %mul3A_359 : f32 to vector<256x1xf32>
    %mul3A_361 = arith.mulf %broadcast_in_dim3A_107, %mul3A_360 : vector<256x1xf32>
    %floor3A_362 = math.floor %mul3A_361 : vector<256x1xf32>
    %mul3A_363 = arith.constant 3.200000e+01 : f32
    %mul3A_364 = vector.broadcast %mul3A_363 : f32 to vector<256x1xf32>
    %mul3A_365 = arith.mulf %mul3A_364, %floor3A_362 : vector<256x1xf32>
    %sub3A_366 = arith.subf %broadcast_in_dim3A_107, %mul3A_365 : vector<256x1xf32>
    %mul3A_367 = arith.constant 1.600000e+01 : f32
    %mul3A_368 = vector.broadcast %mul3A_367 : f32 to vector<256x1xf32>
    %mul3A_369 = arith.mulf %sub3A_366, %mul3A_368 : vector<256x1xf32>
    %add3A_370 = arith.constant 8.000000e+00 : f32
    %add3A_371 = vector.broadcast %add3A_370 : f32 to vector<256x1xf32>
    %add3A_372 = arith.addf %mul3A_369, %add3A_371 : vector<256x1xf32>
    %mul3A_373 = arith.constant 1.600000e+01 : f32
    %mul3A_374 = vector.broadcast %mul3A_373 : f32 to vector<256x1xf32>
    %mul3A_375 = arith.mulf %floor3A_362, %mul3A_374 : vector<256x1xf32>
    %add3A_376 = arith.constant 8.000000e+00 : f32
    %add3A_377 = vector.broadcast %add3A_376 : f32 to vector<256x1xf32>
    %add3A_378 = arith.addf %mul3A_375, %add3A_377 : vector<256x1xf32>
    %mul3A_379 = vector.broadcast %get3A_352 : f32 to vector<256x1xf32>
    %mul3A_380 = arith.mulf %mul3A_379, %add3A_372 : vector<256x1xf32>
    %mul3A_381 = vector.broadcast %get3A_355 : f32 to vector<256x1xf32>
    %mul3A_382 = arith.mulf %mul3A_381, %add3A_378 : vector<256x1xf32>
    %add3A_383 = arith.addf %mul3A_380, %mul3A_382 : vector<256x1xf32>
    %add3A_384 = vector.broadcast %get3A_358 : f32 to vector<256x1xf32>
    %add3A_385 = arith.addf %add3A_383, %add3A_384 : vector<256x1xf32>
    %mul3A_386 = vector.broadcast %get3A_334 : f32 to vector<256x1xf32>
    %mul3A_387 = arith.mulf %mul3A_386, %add3A_372 : vector<256x1xf32>
    %mul3A_388 = vector.broadcast %get3A_337 : f32 to vector<256x1xf32>
    %mul3A_389 = arith.mulf %mul3A_388, %add3A_378 : vector<256x1xf32>
    %add3A_390 = arith.addf %mul3A_387, %mul3A_389 : vector<256x1xf32>
    %add3A_391 = vector.broadcast %get3A_340 : f32 to vector<256x1xf32>
    %add3A_392 = arith.addf %add3A_390, %add3A_391 : vector<256x1xf32>
    %add3A_393 = arith.constant 9.99999993E-9 : f32
    %add3A_394 = vector.broadcast %add3A_393 : f32 to vector<256x1xf32>
    %add3A_395 = arith.addf %add3A_385, %add3A_394 : vector<256x1xf32>
    %div3A = arith.divf %add3A_392, %add3A_395 : vector<256x1xf32>
    %mul3A_396 = vector.broadcast %get3A_343 : f32 to vector<256x1xf32>
    %mul3A_397 = arith.mulf %mul3A_396, %add3A_372 : vector<256x1xf32>
    %mul3A_398 = vector.broadcast %get3A_346 : f32 to vector<256x1xf32>
    %mul3A_399 = arith.mulf %mul3A_398, %add3A_378 : vector<256x1xf32>
    %add3A_400 = arith.addf %mul3A_397, %mul3A_399 : vector<256x1xf32>
    %add3A_401 = vector.broadcast %get3A_349 : f32 to vector<256x1xf32>
    %add3A_402 = arith.addf %add3A_400, %add3A_401 : vector<256x1xf32>
    %add3A_403 = arith.constant 9.99999993E-9 : f32
    %add3A_404 = vector.broadcast %add3A_403 : f32 to vector<256x1xf32>
    %add3A_405 = arith.addf %add3A_385, %add3A_404 : vector<256x1xf32>
    %div3A_406 = arith.divf %add3A_402, %add3A_405 : vector<256x1xf32>
    %mul3A_407 = arith.constant 6.250000e-02 : f32
    %mul3A_408 = vector.broadcast %mul3A_407 : f32 to vector<256x1xf32>
    %mul3A_409 = arith.mulf %div3A, %mul3A_408 : vector<256x1xf32>
    %floor3A_410 = math.floor %mul3A_409 : vector<256x1xf32>
    %jit3A_411 = arith.constant 0.000000e+00 : f32
    %jit3A_412 = arith.constant 3.100000e+01 : f32
    %max3A_413 = vector.broadcast %jit3A_411 : f32 to vector<256x1xf32>
    %max3A_414 = arith.maximumf %max3A_413, %floor3A_410 : vector<256x1xf32>
    %min3A_415 = vector.broadcast %jit3A_412 : f32 to vector<256x1xf32>
    %min3A_416 = arith.minimumf %min3A_415, %max3A_414 : vector<256x1xf32>
    %mul3A_417 = arith.constant 6.250000e-02 : f32
    %mul3A_418 = vector.broadcast %mul3A_417 : f32 to vector<256x1xf32>
    %mul3A_419 = arith.mulf %div3A_406, %mul3A_418 : vector<256x1xf32>
    %floor3A_420 = math.floor %mul3A_419 : vector<256x1xf32>
    %jit3A_421 = arith.constant 0.000000e+00 : f32
    %jit3A_422 = arith.constant 3.100000e+01 : f32
    %max3A_423 = vector.broadcast %jit3A_421 : f32 to vector<256x1xf32>
    %max3A_424 = arith.maximumf %max3A_423, %floor3A_420 : vector<256x1xf32>
    %min3A_425 = vector.broadcast %jit3A_422 : f32 to vector<256x1xf32>
    %min3A_426 = arith.minimumf %min3A_425, %max3A_424 : vector<256x1xf32>
    %sub3A_427 = arith.constant 2.000000e+00 : f32
    %sub3A_428 = vector.broadcast %sub3A_427 : f32 to vector<256x1xf32>
    %sub3A_429 = arith.subf %min3A_416, %sub3A_428 : vector<256x1xf32>
    %jit3A_430 = arith.constant 0.000000e+00 : f32
    %jit3A_431 = arith.constant 2.700000e+01 : f32
    %max3A_432 = vector.broadcast %jit3A_430 : f32 to vector<256x1xf32>
    %max3A_433 = arith.maximumf %max3A_432, %sub3A_429 : vector<256x1xf32>
    %min3A_434 = vector.broadcast %jit3A_431 : f32 to vector<256x1xf32>
    %min3A_435 = arith.minimumf %min3A_434, %max3A_433 : vector<256x1xf32>
    %sub3A_436 = arith.constant 2.000000e+00 : f32
    %sub3A_437 = vector.broadcast %sub3A_436 : f32 to vector<256x1xf32>
    %sub3A_438 = arith.subf %min3A_426, %sub3A_437 : vector<256x1xf32>
    %jit3A_439 = arith.constant 0.000000e+00 : f32
    %jit3A_440 = arith.constant 2.700000e+01 : f32
    %max3A_441 = vector.broadcast %jit3A_439 : f32 to vector<256x1xf32>
    %max3A_442 = arith.maximumf %max3A_441, %sub3A_438 : vector<256x1xf32>
    %min3A_443 = vector.broadcast %jit3A_440 : f32 to vector<256x1xf32>
    %min3A_444 = arith.minimumf %min3A_443, %max3A_442 : vector<256x1xf32>
    %iota3A_445 = tpu.iota {dimensions = array<i32: 1>} : vector<256x25xi32>
    %convert_element_type3A_446 = arith.sitofp %iota3A_445 : vector<256x25xi32> to vector<256x25xf32>
    %mul3A_447 = arith.constant 2.000000e-01 : f32
    %mul3A_448 = vector.broadcast %mul3A_447 : f32 to vector<256x25xf32>
    %mul3A_449 = arith.mulf %convert_element_type3A_446, %mul3A_448 : vector<256x25xf32>
    %floor3A_450 = math.floor %mul3A_449 : vector<256x25xf32>
    %mul3A_451 = arith.constant 5.000000e+00 : f32
    %mul3A_452 = vector.broadcast %mul3A_451 : f32 to vector<256x25xf32>
    %mul3A_453 = arith.mulf %mul3A_452, %floor3A_450 : vector<256x25xf32>
    %sub3A_454 = arith.subf %convert_element_type3A_446, %mul3A_453 : vector<256x25xf32>
    %mul3A_455 = arith.constant 2.000000e-01 : f32
    %mul3A_456 = vector.broadcast %mul3A_455 : f32 to vector<256x25xf32>
    %mul3A_457 = arith.mulf %convert_element_type3A_446, %mul3A_456 : vector<256x25xf32>
    %floor3A_458 = math.floor %mul3A_457 : vector<256x25xf32>
    %add3A_459 = vector.broadcast %min3A_435 : vector<256x1xf32> to vector<256x25xf32>
    %add3A_460 = arith.addf %add3A_459, %sub3A_454 : vector<256x25xf32>
    %add3A_461 = vector.broadcast %min3A_444 : vector<256x1xf32> to vector<256x25xf32>
    %add3A_462 = arith.addf %add3A_461, %floor3A_458 : vector<256x25xf32>
    %mul3A_463 = arith.constant 1.600000e+01 : f32
    %mul3A_464 = vector.broadcast %mul3A_463 : f32 to vector<256x25xf32>
    %mul3A_465 = arith.mulf %add3A_460, %mul3A_464 : vector<256x25xf32>
    %add3A_466 = arith.constant 8.000000e+00 : f32
    %add3A_467 = vector.broadcast %add3A_466 : f32 to vector<256x25xf32>
    %add3A_468 = arith.addf %mul3A_465, %add3A_467 : vector<256x25xf32>
    %mul3A_469 = arith.constant 1.600000e+01 : f32
    %mul3A_470 = vector.broadcast %mul3A_469 : f32 to vector<256x25xf32>
    %mul3A_471 = arith.mulf %add3A_462, %mul3A_470 : vector<256x25xf32>
    %add3A_472 = arith.constant 8.000000e+00 : f32
    %add3A_473 = vector.broadcast %add3A_472 : f32 to vector<256x25xf32>
    %add3A_474 = arith.addf %mul3A_471, %add3A_473 : vector<256x25xf32>
    %sub3A_475 = vector.broadcast %div3A : vector<256x1xf32> to vector<256x25xf32>
    %sub3A_476 = arith.subf %sub3A_475, %add3A_468 : vector<256x25xf32>
    %sub3A_477 = vector.broadcast %div3A_406 : vector<256x1xf32> to vector<256x25xf32>
    %sub3A_478 = arith.subf %sub3A_477, %add3A_474 : vector<256x25xf32>
    %mul3A_479 = arith.mulf %sub3A_476, %sub3A_476 : vector<256x25xf32>
    %mul3A_480 = arith.mulf %sub3A_478, %sub3A_478 : vector<256x25xf32>
    %add3A_481 = arith.addf %mul3A_479, %mul3A_480 : vector<256x25xf32>
    %mul3A_482 = arith.constant 3.200000e+01 : f32
    %mul3A_483 = vector.broadcast %mul3A_482 : f32 to vector<256x25xf32>
    %mul3A_484 = arith.mulf %add3A_462, %mul3A_483 : vector<256x25xf32>
    %add3A_485 = arith.addf %mul3A_484, %add3A_460 : vector<256x25xf32>
    %reduce_min3A_486 = arith.constant dense<0x7F800000> : vector<256xf32>
    %reduce_min3A_487 = vector.multi_reduction <minimumf>, %add3A_481, %reduce_min3A_486 [1] : vector<256x25xf32> to vector<256xf32>
    %broadcast_in_dim3A_488 = vector.shape_cast %reduce_min3A_487 : vector<256xf32> to vector<256x1xf32>
    %eq3A_489 = vector.broadcast %broadcast_in_dim3A_488 : vector<256x1xf32> to vector<256x25xf32>
    %eq3A_490 = arith.cmpf oeq, %add3A_481, %eq3A_489 : vector<256x25xf32>
    %jit3A_491 = arith.constant 4.096000e+03 : f32
    %broadcast_in_dim3A_492 = vector.broadcast %jit3A_491 : f32 to vector<256x25xf32>
    %select_n3A_493 = arith.select %eq3A_490, %add3A_485, %broadcast_in_dim3A_492 : vector<256x25xi1>, vector<256x25xf32>
    %reduce_min3A_494 = arith.constant dense<0x7F800000> : vector<256xf32>
    %reduce_min3A_495 = vector.multi_reduction <minimumf>, %select_n3A_493, %reduce_min3A_494 [1] : vector<256x25xf32> to vector<256xf32>
    %broadcast_in_dim3A_496 = vector.shape_cast %reduce_min3A_495 : vector<256xf32> to vector<256x1xf32>
    %eq3A_497 = vector.broadcast %broadcast_in_dim3A_496 : vector<256x1xf32> to vector<256x25xf32>
    %eq3A_498 = arith.cmpf oeq, %add3A_485, %eq3A_497 : vector<256x25xf32>
    %jit3A_499 = arith.constant 1.000000e+30 : f32
    %broadcast_in_dim3A_500 = vector.broadcast %jit3A_499 : f32 to vector<256x25xf32>
    %select_n3A_501 = arith.select %eq3A_498, %broadcast_in_dim3A_500, %add3A_481 : vector<256x25xi1>, vector<256x25xf32>
    %reduce_min3A_502 = arith.constant dense<0x7F800000> : vector<256xf32>
    %reduce_min3A_503 = vector.multi_reduction <minimumf>, %select_n3A_501, %reduce_min3A_502 [1] : vector<256x25xf32> to vector<256xf32>
    %broadcast_in_dim3A_504 = vector.shape_cast %reduce_min3A_503 : vector<256xf32> to vector<256x1xf32>
    %eq3A_505 = vector.broadcast %broadcast_in_dim3A_504 : vector<256x1xf32> to vector<256x25xf32>
    %eq3A_506 = arith.cmpf oeq, %select_n3A_501, %eq3A_505 : vector<256x25xf32>
    %jit3A_507 = arith.constant 4.096000e+03 : f32
    %broadcast_in_dim3A_508 = vector.broadcast %jit3A_507 : f32 to vector<256x25xf32>
    %select_n3A_509 = arith.select %eq3A_506, %add3A_485, %broadcast_in_dim3A_508 : vector<256x25xi1>, vector<256x25xf32>
    %reduce_min3A_510 = arith.constant dense<0x7F800000> : vector<256xf32>
    %reduce_min3A_511 = vector.multi_reduction <minimumf>, %select_n3A_509, %reduce_min3A_510 [1] : vector<256x25xf32> to vector<256xf32>
    %broadcast_in_dim3A_512 = vector.shape_cast %reduce_min3A_511 : vector<256xf32> to vector<256x1xf32>
    %eq3A_513 = vector.broadcast %broadcast_in_dim3A_512 : vector<256x1xf32> to vector<256x25xf32>
    %eq3A_514 = arith.cmpf oeq, %add3A_485, %eq3A_513 : vector<256x25xf32>
    %jit3A_515 = arith.constant 1.000000e+30 : f32
    %broadcast_in_dim3A_516 = vector.broadcast %jit3A_515 : f32 to vector<256x25xf32>
    %select_n3A_517 = arith.select %eq3A_514, %broadcast_in_dim3A_516, %select_n3A_501 : vector<256x25xi1>, vector<256x25xf32>
    %reduce_min3A_518 = arith.constant dense<0x7F800000> : vector<256xf32>
    %reduce_min3A_519 = vector.multi_reduction <minimumf>, %select_n3A_517, %reduce_min3A_518 [1] : vector<256x25xf32> to vector<256xf32>
    %broadcast_in_dim3A_520 = vector.shape_cast %reduce_min3A_519 : vector<256xf32> to vector<256x1xf32>
    %eq3A_521 = vector.broadcast %broadcast_in_dim3A_520 : vector<256x1xf32> to vector<256x25xf32>
    %eq3A_522 = arith.cmpf oeq, %select_n3A_517, %eq3A_521 : vector<256x25xf32>
    %jit3A_523 = arith.constant 4.096000e+03 : f32
    %broadcast_in_dim3A_524 = vector.broadcast %jit3A_523 : f32 to vector<256x25xf32>
    %select_n3A_525 = arith.select %eq3A_522, %add3A_485, %broadcast_in_dim3A_524 : vector<256x25xi1>, vector<256x25xf32>
    %reduce_min3A_526 = arith.constant dense<0x7F800000> : vector<256xf32>
    %reduce_min3A_527 = vector.multi_reduction <minimumf>, %select_n3A_525, %reduce_min3A_526 [1] : vector<256x25xf32> to vector<256xf32>
    %broadcast_in_dim3A_528 = vector.shape_cast %reduce_min3A_527 : vector<256xf32> to vector<256x1xf32>
    %eq3A_529 = vector.broadcast %broadcast_in_dim3A_528 : vector<256x1xf32> to vector<256x25xf32>
    %eq3A_530 = arith.cmpf oeq, %add3A_485, %eq3A_529 : vector<256x25xf32>
    %jit3A_531 = arith.constant 1.000000e+30 : f32
    %broadcast_in_dim3A_532 = vector.broadcast %jit3A_531 : f32 to vector<256x25xf32>
    %select_n3A_533 = arith.select %eq3A_530, %broadcast_in_dim3A_532, %select_n3A_517 : vector<256x25xi1>, vector<256x25xf32>
    %reduce_min3A_534 = arith.constant dense<0x7F800000> : vector<256xf32>
    %reduce_min3A_535 = vector.multi_reduction <minimumf>, %select_n3A_533, %reduce_min3A_534 [1] : vector<256x25xf32> to vector<256xf32>
    %broadcast_in_dim3A_536 = vector.shape_cast %reduce_min3A_535 : vector<256xf32> to vector<256x1xf32>
    %eq3A_537 = vector.broadcast %broadcast_in_dim3A_536 : vector<256x1xf32> to vector<256x25xf32>
    %eq3A_538 = arith.cmpf oeq, %select_n3A_533, %eq3A_537 : vector<256x25xf32>
    %jit3A_539 = arith.constant 4.096000e+03 : f32
    %broadcast_in_dim3A_540 = vector.broadcast %jit3A_539 : f32 to vector<256x25xf32>
    %select_n3A_541 = arith.select %eq3A_538, %add3A_485, %broadcast_in_dim3A_540 : vector<256x25xi1>, vector<256x25xf32>
    %reduce_min3A_542 = arith.constant dense<0x7F800000> : vector<256xf32>
    %reduce_min3A_543 = vector.multi_reduction <minimumf>, %select_n3A_541, %reduce_min3A_542 [1] : vector<256x25xf32> to vector<256xf32>
    %broadcast_in_dim3A_544 = vector.shape_cast %reduce_min3A_543 : vector<256xf32> to vector<256x1xf32>
    %eq3A_545 = vector.broadcast %broadcast_in_dim3A_496 : vector<256x1xf32> to vector<256x1024xf32>
    %eq3A_546 = arith.cmpf oeq, %convert_element_type3A, %eq3A_545 : vector<256x1024xf32>
    %convert_element_type3A_547 = arith.extui %eq3A_546 : vector<256x1024xi1> to vector<256x1024xi32>
    %convert_element_type3A_548 = arith.sitofp %convert_element_type3A_547 : vector<256x1024xi32> to vector<256x1024xf32>
    %eq3A_549 = vector.broadcast %broadcast_in_dim3A_512 : vector<256x1xf32> to vector<256x1024xf32>
    %eq3A_550 = arith.cmpf oeq, %convert_element_type3A, %eq3A_549 : vector<256x1024xf32>
    %convert_element_type3A_551 = arith.extui %eq3A_550 : vector<256x1024xi1> to vector<256x1024xi32>
    %convert_element_type3A_552 = arith.sitofp %convert_element_type3A_551 : vector<256x1024xi32> to vector<256x1024xf32>
    %add3A_553 = arith.addf %convert_element_type3A_548, %convert_element_type3A_552 : vector<256x1024xf32>
    %eq3A_554 = vector.broadcast %broadcast_in_dim3A_528 : vector<256x1xf32> to vector<256x1024xf32>
    %eq3A_555 = arith.cmpf oeq, %convert_element_type3A, %eq3A_554 : vector<256x1024xf32>
    %convert_element_type3A_556 = arith.extui %eq3A_555 : vector<256x1024xi1> to vector<256x1024xi32>
    %convert_element_type3A_557 = arith.sitofp %convert_element_type3A_556 : vector<256x1024xi32> to vector<256x1024xf32>
    %add3A_558 = arith.addf %add3A_553, %convert_element_type3A_557 : vector<256x1024xf32>
    %eq3A_559 = vector.broadcast %broadcast_in_dim3A_544 : vector<256x1xf32> to vector<256x1024xf32>
    %eq3A_560 = arith.cmpf oeq, %convert_element_type3A, %eq3A_559 : vector<256x1024xf32>
    %convert_element_type3A_561 = arith.extui %eq3A_560 : vector<256x1024xi1> to vector<256x1024xi32>
    %convert_element_type3A_562 = arith.sitofp %convert_element_type3A_561 : vector<256x1024xi32> to vector<256x1024xf32>
    %add3A_563 = arith.addf %add3A_558, %convert_element_type3A_562 : vector<256x1024xf32>
    %mul3A_564 = arith.constant 3.125000e-02 : f32
    %mul3A_565 = vector.broadcast %mul3A_564 : f32 to vector<256x1xf32>
    %mul3A_566 = arith.mulf %broadcast_in_dim3A_123, %mul3A_565 : vector<256x1xf32>
    %floor3A_567 = math.floor %mul3A_566 : vector<256x1xf32>
    %mul3A_568 = arith.constant 3.200000e+01 : f32
    %mul3A_569 = vector.broadcast %mul3A_568 : f32 to vector<256x1xf32>
    %mul3A_570 = arith.mulf %mul3A_569, %floor3A_567 : vector<256x1xf32>
    %sub3A_571 = arith.subf %broadcast_in_dim3A_123, %mul3A_570 : vector<256x1xf32>
    %mul3A_572 = arith.constant 1.600000e+01 : f32
    %mul3A_573 = vector.broadcast %mul3A_572 : f32 to vector<256x1xf32>
    %mul3A_574 = arith.mulf %sub3A_571, %mul3A_573 : vector<256x1xf32>
    %add3A_575 = arith.constant 8.000000e+00 : f32
    %add3A_576 = vector.broadcast %add3A_575 : f32 to vector<256x1xf32>
    %add3A_577 = arith.addf %mul3A_574, %add3A_576 : vector<256x1xf32>
    %mul3A_578 = arith.constant 1.600000e+01 : f32
    %mul3A_579 = vector.broadcast %mul3A_578 : f32 to vector<256x1xf32>
    %mul3A_580 = arith.mulf %floor3A_567, %mul3A_579 : vector<256x1xf32>
    %add3A_581 = arith.constant 8.000000e+00 : f32
    %add3A_582 = vector.broadcast %add3A_581 : f32 to vector<256x1xf32>
    %add3A_583 = arith.addf %mul3A_580, %add3A_582 : vector<256x1xf32>
    %mul3A_584 = vector.broadcast %get3A_352 : f32 to vector<256x1xf32>
    %mul3A_585 = arith.mulf %mul3A_584, %add3A_577 : vector<256x1xf32>
    %mul3A_586 = vector.broadcast %get3A_355 : f32 to vector<256x1xf32>
    %mul3A_587 = arith.mulf %mul3A_586, %add3A_583 : vector<256x1xf32>
    %add3A_588 = arith.addf %mul3A_585, %mul3A_587 : vector<256x1xf32>
    %add3A_589 = vector.broadcast %get3A_358 : f32 to vector<256x1xf32>
    %add3A_590 = arith.addf %add3A_588, %add3A_589 : vector<256x1xf32>
    %mul3A_591 = vector.broadcast %get3A_334 : f32 to vector<256x1xf32>
    %mul3A_592 = arith.mulf %mul3A_591, %add3A_577 : vector<256x1xf32>
    %mul3A_593 = vector.broadcast %get3A_337 : f32 to vector<256x1xf32>
    %mul3A_594 = arith.mulf %mul3A_593, %add3A_583 : vector<256x1xf32>
    %add3A_595 = arith.addf %mul3A_592, %mul3A_594 : vector<256x1xf32>
    %add3A_596 = vector.broadcast %get3A_340 : f32 to vector<256x1xf32>
    %add3A_597 = arith.addf %add3A_595, %add3A_596 : vector<256x1xf32>
    %add3A_598 = arith.constant 9.99999993E-9 : f32
    %add3A_599 = vector.broadcast %add3A_598 : f32 to vector<256x1xf32>
    %add3A_600 = arith.addf %add3A_590, %add3A_599 : vector<256x1xf32>
    %div3A_601 = arith.divf %add3A_597, %add3A_600 : vector<256x1xf32>
    %mul3A_602 = vector.broadcast %get3A_343 : f32 to vector<256x1xf32>
    %mul3A_603 = arith.mulf %mul3A_602, %add3A_577 : vector<256x1xf32>
    %mul3A_604 = vector.broadcast %get3A_346 : f32 to vector<256x1xf32>
    %mul3A_605 = arith.mulf %mul3A_604, %add3A_583 : vector<256x1xf32>
    %add3A_606 = arith.addf %mul3A_603, %mul3A_605 : vector<256x1xf32>
    %add3A_607 = vector.broadcast %get3A_349 : f32 to vector<256x1xf32>
    %add3A_608 = arith.addf %add3A_606, %add3A_607 : vector<256x1xf32>
    %add3A_609 = arith.constant 9.99999993E-9 : f32
    %add3A_610 = vector.broadcast %add3A_609 : f32 to vector<256x1xf32>
    %add3A_611 = arith.addf %add3A_590, %add3A_610 : vector<256x1xf32>
    %div3A_612 = arith.divf %add3A_608, %add3A_611 : vector<256x1xf32>
    %mul3A_613 = arith.constant 6.250000e-02 : f32
    %mul3A_614 = vector.broadcast %mul3A_613 : f32 to vector<256x1xf32>
    %mul3A_615 = arith.mulf %div3A_601, %mul3A_614 : vector<256x1xf32>
    %floor3A_616 = math.floor %mul3A_615 : vector<256x1xf32>
    %jit3A_617 = arith.constant 0.000000e+00 : f32
    %jit3A_618 = arith.constant 3.100000e+01 : f32
    %max3A_619 = vector.broadcast %jit3A_617 : f32 to vector<256x1xf32>
    %max3A_620 = arith.maximumf %max3A_619, %floor3A_616 : vector<256x1xf32>
    %min3A_621 = vector.broadcast %jit3A_618 : f32 to vector<256x1xf32>
    %min3A_622 = arith.minimumf %min3A_621, %max3A_620 : vector<256x1xf32>
    %mul3A_623 = arith.constant 6.250000e-02 : f32
    %mul3A_624 = vector.broadcast %mul3A_623 : f32 to vector<256x1xf32>
    %mul3A_625 = arith.mulf %div3A_612, %mul3A_624 : vector<256x1xf32>
    %floor3A_626 = math.floor %mul3A_625 : vector<256x1xf32>
    %jit3A_627 = arith.constant 0.000000e+00 : f32
    %jit3A_628 = arith.constant 3.100000e+01 : f32
    %max3A_629 = vector.broadcast %jit3A_627 : f32 to vector<256x1xf32>
    %max3A_630 = arith.maximumf %max3A_629, %floor3A_626 : vector<256x1xf32>
    %min3A_631 = vector.broadcast %jit3A_628 : f32 to vector<256x1xf32>
    %min3A_632 = arith.minimumf %min3A_631, %max3A_630 : vector<256x1xf32>
    %sub3A_633 = arith.constant 2.000000e+00 : f32
    %sub3A_634 = vector.broadcast %sub3A_633 : f32 to vector<256x1xf32>
    %sub3A_635 = arith.subf %min3A_622, %sub3A_634 : vector<256x1xf32>
    %jit3A_636 = arith.constant 0.000000e+00 : f32
    %jit3A_637 = arith.constant 2.700000e+01 : f32
    %max3A_638 = vector.broadcast %jit3A_636 : f32 to vector<256x1xf32>
    %max3A_639 = arith.maximumf %max3A_638, %sub3A_635 : vector<256x1xf32>
    %min3A_640 = vector.broadcast %jit3A_637 : f32 to vector<256x1xf32>
    %min3A_641 = arith.minimumf %min3A_640, %max3A_639 : vector<256x1xf32>
    %sub3A_642 = arith.constant 2.000000e+00 : f32
    %sub3A_643 = vector.broadcast %sub3A_642 : f32 to vector<256x1xf32>
    %sub3A_644 = arith.subf %min3A_632, %sub3A_643 : vector<256x1xf32>
    %jit3A_645 = arith.constant 0.000000e+00 : f32
    %jit3A_646 = arith.constant 2.700000e+01 : f32
    %max3A_647 = vector.broadcast %jit3A_645 : f32 to vector<256x1xf32>
    %max3A_648 = arith.maximumf %max3A_647, %sub3A_644 : vector<256x1xf32>
    %min3A_649 = vector.broadcast %jit3A_646 : f32 to vector<256x1xf32>
    %min3A_650 = arith.minimumf %min3A_649, %max3A_648 : vector<256x1xf32>
    %iota3A_651 = tpu.iota {dimensions = array<i32: 1>} : vector<256x25xi32>
    %convert_element_type3A_652 = arith.sitofp %iota3A_651 : vector<256x25xi32> to vector<256x25xf32>
    %mul3A_653 = arith.constant 2.000000e-01 : f32
    %mul3A_654 = vector.broadcast %mul3A_653 : f32 to vector<256x25xf32>
    %mul3A_655 = arith.mulf %convert_element_type3A_652, %mul3A_654 : vector<256x25xf32>
    %floor3A_656 = math.floor %mul3A_655 : vector<256x25xf32>
    %mul3A_657 = arith.constant 5.000000e+00 : f32
    %mul3A_658 = vector.broadcast %mul3A_657 : f32 to vector<256x25xf32>
    %mul3A_659 = arith.mulf %mul3A_658, %floor3A_656 : vector<256x25xf32>
    %sub3A_660 = arith.subf %convert_element_type3A_652, %mul3A_659 : vector<256x25xf32>
    %mul3A_661 = arith.constant 2.000000e-01 : f32
    %mul3A_662 = vector.broadcast %mul3A_661 : f32 to vector<256x25xf32>
    %mul3A_663 = arith.mulf %convert_element_type3A_652, %mul3A_662 : vector<256x25xf32>
    %floor3A_664 = math.floor %mul3A_663 : vector<256x25xf32>
    %add3A_665 = vector.broadcast %min3A_641 : vector<256x1xf32> to vector<256x25xf32>
    %add3A_666 = arith.addf %add3A_665, %sub3A_660 : vector<256x25xf32>
    %add3A_667 = vector.broadcast %min3A_650 : vector<256x1xf32> to vector<256x25xf32>
    %add3A_668 = arith.addf %add3A_667, %floor3A_664 : vector<256x25xf32>
    %mul3A_669 = arith.constant 1.600000e+01 : f32
    %mul3A_670 = vector.broadcast %mul3A_669 : f32 to vector<256x25xf32>
    %mul3A_671 = arith.mulf %add3A_666, %mul3A_670 : vector<256x25xf32>
    %add3A_672 = arith.constant 8.000000e+00 : f32
    %add3A_673 = vector.broadcast %add3A_672 : f32 to vector<256x25xf32>
    %add3A_674 = arith.addf %mul3A_671, %add3A_673 : vector<256x25xf32>
    %mul3A_675 = arith.constant 1.600000e+01 : f32
    %mul3A_676 = vector.broadcast %mul3A_675 : f32 to vector<256x25xf32>
    %mul3A_677 = arith.mulf %add3A_668, %mul3A_676 : vector<256x25xf32>
    %add3A_678 = arith.constant 8.000000e+00 : f32
    %add3A_679 = vector.broadcast %add3A_678 : f32 to vector<256x25xf32>
    %add3A_680 = arith.addf %mul3A_677, %add3A_679 : vector<256x25xf32>
    %sub3A_681 = vector.broadcast %div3A_601 : vector<256x1xf32> to vector<256x25xf32>
    %sub3A_682 = arith.subf %sub3A_681, %add3A_674 : vector<256x25xf32>
    %sub3A_683 = vector.broadcast %div3A_612 : vector<256x1xf32> to vector<256x25xf32>
    %sub3A_684 = arith.subf %sub3A_683, %add3A_680 : vector<256x25xf32>
    %mul3A_685 = arith.mulf %sub3A_682, %sub3A_682 : vector<256x25xf32>
    %mul3A_686 = arith.mulf %sub3A_684, %sub3A_684 : vector<256x25xf32>
    %add3A_687 = arith.addf %mul3A_685, %mul3A_686 : vector<256x25xf32>
    %mul3A_688 = arith.constant 3.200000e+01 : f32
    %mul3A_689 = vector.broadcast %mul3A_688 : f32 to vector<256x25xf32>
    %mul3A_690 = arith.mulf %add3A_668, %mul3A_689 : vector<256x25xf32>
    %add3A_691 = arith.addf %mul3A_690, %add3A_666 : vector<256x25xf32>
    %reduce_min3A_692 = arith.constant dense<0x7F800000> : vector<256xf32>
    %reduce_min3A_693 = vector.multi_reduction <minimumf>, %add3A_687, %reduce_min3A_692 [1] : vector<256x25xf32> to vector<256xf32>
    %broadcast_in_dim3A_694 = vector.shape_cast %reduce_min3A_693 : vector<256xf32> to vector<256x1xf32>
    %eq3A_695 = vector.broadcast %broadcast_in_dim3A_694 : vector<256x1xf32> to vector<256x25xf32>
    %eq3A_696 = arith.cmpf oeq, %add3A_687, %eq3A_695 : vector<256x25xf32>
    %jit3A_697 = arith.constant 4.096000e+03 : f32
    %broadcast_in_dim3A_698 = vector.broadcast %jit3A_697 : f32 to vector<256x25xf32>
    %select_n3A_699 = arith.select %eq3A_696, %add3A_691, %broadcast_in_dim3A_698 : vector<256x25xi1>, vector<256x25xf32>
    %reduce_min3A_700 = arith.constant dense<0x7F800000> : vector<256xf32>
    %reduce_min3A_701 = vector.multi_reduction <minimumf>, %select_n3A_699, %reduce_min3A_700 [1] : vector<256x25xf32> to vector<256xf32>
    %broadcast_in_dim3A_702 = vector.shape_cast %reduce_min3A_701 : vector<256xf32> to vector<256x1xf32>
    %eq3A_703 = vector.broadcast %broadcast_in_dim3A_702 : vector<256x1xf32> to vector<256x25xf32>
    %eq3A_704 = arith.cmpf oeq, %add3A_691, %eq3A_703 : vector<256x25xf32>
    %jit3A_705 = arith.constant 1.000000e+30 : f32
    %broadcast_in_dim3A_706 = vector.broadcast %jit3A_705 : f32 to vector<256x25xf32>
    %select_n3A_707 = arith.select %eq3A_704, %broadcast_in_dim3A_706, %add3A_687 : vector<256x25xi1>, vector<256x25xf32>
    %reduce_min3A_708 = arith.constant dense<0x7F800000> : vector<256xf32>
    %reduce_min3A_709 = vector.multi_reduction <minimumf>, %select_n3A_707, %reduce_min3A_708 [1] : vector<256x25xf32> to vector<256xf32>
    %broadcast_in_dim3A_710 = vector.shape_cast %reduce_min3A_709 : vector<256xf32> to vector<256x1xf32>
    %eq3A_711 = vector.broadcast %broadcast_in_dim3A_710 : vector<256x1xf32> to vector<256x25xf32>
    %eq3A_712 = arith.cmpf oeq, %select_n3A_707, %eq3A_711 : vector<256x25xf32>
    %jit3A_713 = arith.constant 4.096000e+03 : f32
    %broadcast_in_dim3A_714 = vector.broadcast %jit3A_713 : f32 to vector<256x25xf32>
    %select_n3A_715 = arith.select %eq3A_712, %add3A_691, %broadcast_in_dim3A_714 : vector<256x25xi1>, vector<256x25xf32>
    %reduce_min3A_716 = arith.constant dense<0x7F800000> : vector<256xf32>
    %reduce_min3A_717 = vector.multi_reduction <minimumf>, %select_n3A_715, %reduce_min3A_716 [1] : vector<256x25xf32> to vector<256xf32>
    %broadcast_in_dim3A_718 = vector.shape_cast %reduce_min3A_717 : vector<256xf32> to vector<256x1xf32>
    %eq3A_719 = vector.broadcast %broadcast_in_dim3A_718 : vector<256x1xf32> to vector<256x25xf32>
    %eq3A_720 = arith.cmpf oeq, %add3A_691, %eq3A_719 : vector<256x25xf32>
    %jit3A_721 = arith.constant 1.000000e+30 : f32
    %broadcast_in_dim3A_722 = vector.broadcast %jit3A_721 : f32 to vector<256x25xf32>
    %select_n3A_723 = arith.select %eq3A_720, %broadcast_in_dim3A_722, %select_n3A_707 : vector<256x25xi1>, vector<256x25xf32>
    %reduce_min3A_724 = arith.constant dense<0x7F800000> : vector<256xf32>
    %reduce_min3A_725 = vector.multi_reduction <minimumf>, %select_n3A_723, %reduce_min3A_724 [1] : vector<256x25xf32> to vector<256xf32>
    %broadcast_in_dim3A_726 = vector.shape_cast %reduce_min3A_725 : vector<256xf32> to vector<256x1xf32>
    %eq3A_727 = vector.broadcast %broadcast_in_dim3A_726 : vector<256x1xf32> to vector<256x25xf32>
    %eq3A_728 = arith.cmpf oeq, %select_n3A_723, %eq3A_727 : vector<256x25xf32>
    %jit3A_729 = arith.constant 4.096000e+03 : f32
    %broadcast_in_dim3A_730 = vector.broadcast %jit3A_729 : f32 to vector<256x25xf32>
    %select_n3A_731 = arith.select %eq3A_728, %add3A_691, %broadcast_in_dim3A_730 : vector<256x25xi1>, vector<256x25xf32>
    %reduce_min3A_732 = arith.constant dense<0x7F800000> : vector<256xf32>
    %reduce_min3A_733 = vector.multi_reduction <minimumf>, %select_n3A_731, %reduce_min3A_732 [1] : vector<256x25xf32> to vector<256xf32>
    %broadcast_in_dim3A_734 = vector.shape_cast %reduce_min3A_733 : vector<256xf32> to vector<256x1xf32>
    %eq3A_735 = vector.broadcast %broadcast_in_dim3A_734 : vector<256x1xf32> to vector<256x25xf32>
    %eq3A_736 = arith.cmpf oeq, %add3A_691, %eq3A_735 : vector<256x25xf32>
    %jit3A_737 = arith.constant 1.000000e+30 : f32
    %broadcast_in_dim3A_738 = vector.broadcast %jit3A_737 : f32 to vector<256x25xf32>
    %select_n3A_739 = arith.select %eq3A_736, %broadcast_in_dim3A_738, %select_n3A_723 : vector<256x25xi1>, vector<256x25xf32>
    %reduce_min3A_740 = arith.constant dense<0x7F800000> : vector<256xf32>
    %reduce_min3A_741 = vector.multi_reduction <minimumf>, %select_n3A_739, %reduce_min3A_740 [1] : vector<256x25xf32> to vector<256xf32>
    %broadcast_in_dim3A_742 = vector.shape_cast %reduce_min3A_741 : vector<256xf32> to vector<256x1xf32>
    %eq3A_743 = vector.broadcast %broadcast_in_dim3A_742 : vector<256x1xf32> to vector<256x25xf32>
    %eq3A_744 = arith.cmpf oeq, %select_n3A_739, %eq3A_743 : vector<256x25xf32>
    %jit3A_745 = arith.constant 4.096000e+03 : f32
    %broadcast_in_dim3A_746 = vector.broadcast %jit3A_745 : f32 to vector<256x25xf32>
    %select_n3A_747 = arith.select %eq3A_744, %add3A_691, %broadcast_in_dim3A_746 : vector<256x25xi1>, vector<256x25xf32>
    %reduce_min3A_748 = arith.constant dense<0x7F800000> : vector<256xf32>
    %reduce_min3A_749 = vector.multi_reduction <minimumf>, %select_n3A_747, %reduce_min3A_748 [1] : vector<256x25xf32> to vector<256xf32>
    %broadcast_in_dim3A_750 = vector.shape_cast %reduce_min3A_749 : vector<256xf32> to vector<256x1xf32>
    %eq3A_751 = vector.broadcast %broadcast_in_dim3A_702 : vector<256x1xf32> to vector<256x1024xf32>
    %eq3A_752 = arith.cmpf oeq, %convert_element_type3A, %eq3A_751 : vector<256x1024xf32>
    %convert_element_type3A_753 = arith.extui %eq3A_752 : vector<256x1024xi1> to vector<256x1024xi32>
    %convert_element_type3A_754 = arith.sitofp %convert_element_type3A_753 : vector<256x1024xi32> to vector<256x1024xf32>
    %eq3A_755 = vector.broadcast %broadcast_in_dim3A_718 : vector<256x1xf32> to vector<256x1024xf32>
    %eq3A_756 = arith.cmpf oeq, %convert_element_type3A, %eq3A_755 : vector<256x1024xf32>
    %convert_element_type3A_757 = arith.extui %eq3A_756 : vector<256x1024xi1> to vector<256x1024xi32>
    %convert_element_type3A_758 = arith.sitofp %convert_element_type3A_757 : vector<256x1024xi32> to vector<256x1024xf32>
    %add3A_759 = arith.addf %convert_element_type3A_754, %convert_element_type3A_758 : vector<256x1024xf32>
    %eq3A_760 = vector.broadcast %broadcast_in_dim3A_734 : vector<256x1xf32> to vector<256x1024xf32>
    %eq3A_761 = arith.cmpf oeq, %convert_element_type3A, %eq3A_760 : vector<256x1024xf32>
    %convert_element_type3A_762 = arith.extui %eq3A_761 : vector<256x1024xi1> to vector<256x1024xi32>
    %convert_element_type3A_763 = arith.sitofp %convert_element_type3A_762 : vector<256x1024xi32> to vector<256x1024xf32>
    %add3A_764 = arith.addf %add3A_759, %convert_element_type3A_763 : vector<256x1024xf32>
    %eq3A_765 = vector.broadcast %broadcast_in_dim3A_750 : vector<256x1xf32> to vector<256x1024xf32>
    %eq3A_766 = arith.cmpf oeq, %convert_element_type3A, %eq3A_765 : vector<256x1024xf32>
    %convert_element_type3A_767 = arith.extui %eq3A_766 : vector<256x1024xi1> to vector<256x1024xi32>
    %convert_element_type3A_768 = arith.sitofp %convert_element_type3A_767 : vector<256x1024xi32> to vector<256x1024xf32>
    %add3A_769 = arith.addf %add3A_764, %convert_element_type3A_768 : vector<256x1024xf32>
    %add3A_770 = arith.addf %add3A_563, %add3A_769 : vector<256x1024xf32>
    %mul3A_771 = arith.constant 3.125000e-02 : f32
    %mul3A_772 = vector.broadcast %mul3A_771 : f32 to vector<256x1xf32>
    %mul3A_773 = arith.mulf %broadcast_in_dim3A_139, %mul3A_772 : vector<256x1xf32>
    %floor3A_774 = math.floor %mul3A_773 : vector<256x1xf32>
    %mul3A_775 = arith.constant 3.200000e+01 : f32
    %mul3A_776 = vector.broadcast %mul3A_775 : f32 to vector<256x1xf32>
    %mul3A_777 = arith.mulf %mul3A_776, %floor3A_774 : vector<256x1xf32>
    %sub3A_778 = arith.subf %broadcast_in_dim3A_139, %mul3A_777 : vector<256x1xf32>
    %mul3A_779 = arith.constant 1.600000e+01 : f32
    %mul3A_780 = vector.broadcast %mul3A_779 : f32 to vector<256x1xf32>
    %mul3A_781 = arith.mulf %sub3A_778, %mul3A_780 : vector<256x1xf32>
    %add3A_782 = arith.constant 8.000000e+00 : f32
    %add3A_783 = vector.broadcast %add3A_782 : f32 to vector<256x1xf32>
    %add3A_784 = arith.addf %mul3A_781, %add3A_783 : vector<256x1xf32>
    %mul3A_785 = arith.constant 1.600000e+01 : f32
    %mul3A_786 = vector.broadcast %mul3A_785 : f32 to vector<256x1xf32>
    %mul3A_787 = arith.mulf %floor3A_774, %mul3A_786 : vector<256x1xf32>
    %add3A_788 = arith.constant 8.000000e+00 : f32
    %add3A_789 = vector.broadcast %add3A_788 : f32 to vector<256x1xf32>
    %add3A_790 = arith.addf %mul3A_787, %add3A_789 : vector<256x1xf32>
    %mul3A_791 = vector.broadcast %get3A_352 : f32 to vector<256x1xf32>
    %mul3A_792 = arith.mulf %mul3A_791, %add3A_784 : vector<256x1xf32>
    %mul3A_793 = vector.broadcast %get3A_355 : f32 to vector<256x1xf32>
    %mul3A_794 = arith.mulf %mul3A_793, %add3A_790 : vector<256x1xf32>
    %add3A_795 = arith.addf %mul3A_792, %mul3A_794 : vector<256x1xf32>
    %add3A_796 = vector.broadcast %get3A_358 : f32 to vector<256x1xf32>
    %add3A_797 = arith.addf %add3A_795, %add3A_796 : vector<256x1xf32>
    %mul3A_798 = vector.broadcast %get3A_334 : f32 to vector<256x1xf32>
    %mul3A_799 = arith.mulf %mul3A_798, %add3A_784 : vector<256x1xf32>
    %mul3A_800 = vector.broadcast %get3A_337 : f32 to vector<256x1xf32>
    %mul3A_801 = arith.mulf %mul3A_800, %add3A_790 : vector<256x1xf32>
    %add3A_802 = arith.addf %mul3A_799, %mul3A_801 : vector<256x1xf32>
    %add3A_803 = vector.broadcast %get3A_340 : f32 to vector<256x1xf32>
    %add3A_804 = arith.addf %add3A_802, %add3A_803 : vector<256x1xf32>
    %add3A_805 = arith.constant 9.99999993E-9 : f32
    %add3A_806 = vector.broadcast %add3A_805 : f32 to vector<256x1xf32>
    %add3A_807 = arith.addf %add3A_797, %add3A_806 : vector<256x1xf32>
    %div3A_808 = arith.divf %add3A_804, %add3A_807 : vector<256x1xf32>
    %mul3A_809 = vector.broadcast %get3A_343 : f32 to vector<256x1xf32>
    %mul3A_810 = arith.mulf %mul3A_809, %add3A_784 : vector<256x1xf32>
    %mul3A_811 = vector.broadcast %get3A_346 : f32 to vector<256x1xf32>
    %mul3A_812 = arith.mulf %mul3A_811, %add3A_790 : vector<256x1xf32>
    %add3A_813 = arith.addf %mul3A_810, %mul3A_812 : vector<256x1xf32>
    %add3A_814 = vector.broadcast %get3A_349 : f32 to vector<256x1xf32>
    %add3A_815 = arith.addf %add3A_813, %add3A_814 : vector<256x1xf32>
    %add3A_816 = arith.constant 9.99999993E-9 : f32
    %add3A_817 = vector.broadcast %add3A_816 : f32 to vector<256x1xf32>
    %add3A_818 = arith.addf %add3A_797, %add3A_817 : vector<256x1xf32>
    %div3A_819 = arith.divf %add3A_815, %add3A_818 : vector<256x1xf32>
    %mul3A_820 = arith.constant 6.250000e-02 : f32
    %mul3A_821 = vector.broadcast %mul3A_820 : f32 to vector<256x1xf32>
    %mul3A_822 = arith.mulf %div3A_808, %mul3A_821 : vector<256x1xf32>
    %floor3A_823 = math.floor %mul3A_822 : vector<256x1xf32>
    %jit3A_824 = arith.constant 0.000000e+00 : f32
    %jit3A_825 = arith.constant 3.100000e+01 : f32
    %max3A_826 = vector.broadcast %jit3A_824 : f32 to vector<256x1xf32>
    %max3A_827 = arith.maximumf %max3A_826, %floor3A_823 : vector<256x1xf32>
    %min3A_828 = vector.broadcast %jit3A_825 : f32 to vector<256x1xf32>
    %min3A_829 = arith.minimumf %min3A_828, %max3A_827 : vector<256x1xf32>
    %mul3A_830 = arith.constant 6.250000e-02 : f32
    %mul3A_831 = vector.broadcast %mul3A_830 : f32 to vector<256x1xf32>
    %mul3A_832 = arith.mulf %div3A_819, %mul3A_831 : vector<256x1xf32>
    %floor3A_833 = math.floor %mul3A_832 : vector<256x1xf32>
    %jit3A_834 = arith.constant 0.000000e+00 : f32
    %jit3A_835 = arith.constant 3.100000e+01 : f32
    %max3A_836 = vector.broadcast %jit3A_834 : f32 to vector<256x1xf32>
    %max3A_837 = arith.maximumf %max3A_836, %floor3A_833 : vector<256x1xf32>
    %min3A_838 = vector.broadcast %jit3A_835 : f32 to vector<256x1xf32>
    %min3A_839 = arith.minimumf %min3A_838, %max3A_837 : vector<256x1xf32>
    %sub3A_840 = arith.constant 2.000000e+00 : f32
    %sub3A_841 = vector.broadcast %sub3A_840 : f32 to vector<256x1xf32>
    %sub3A_842 = arith.subf %min3A_829, %sub3A_841 : vector<256x1xf32>
    %jit3A_843 = arith.constant 0.000000e+00 : f32
    %jit3A_844 = arith.constant 2.700000e+01 : f32
    %max3A_845 = vector.broadcast %jit3A_843 : f32 to vector<256x1xf32>
    %max3A_846 = arith.maximumf %max3A_845, %sub3A_842 : vector<256x1xf32>
    %min3A_847 = vector.broadcast %jit3A_844 : f32 to vector<256x1xf32>
    %min3A_848 = arith.minimumf %min3A_847, %max3A_846 : vector<256x1xf32>
    %sub3A_849 = arith.constant 2.000000e+00 : f32
    %sub3A_850 = vector.broadcast %sub3A_849 : f32 to vector<256x1xf32>
    %sub3A_851 = arith.subf %min3A_839, %sub3A_850 : vector<256x1xf32>
    %jit3A_852 = arith.constant 0.000000e+00 : f32
    %jit3A_853 = arith.constant 2.700000e+01 : f32
    %max3A_854 = vector.broadcast %jit3A_852 : f32 to vector<256x1xf32>
    %max3A_855 = arith.maximumf %max3A_854, %sub3A_851 : vector<256x1xf32>
    %min3A_856 = vector.broadcast %jit3A_853 : f32 to vector<256x1xf32>
    %min3A_857 = arith.minimumf %min3A_856, %max3A_855 : vector<256x1xf32>
    %iota3A_858 = tpu.iota {dimensions = array<i32: 1>} : vector<256x25xi32>
    %convert_element_type3A_859 = arith.sitofp %iota3A_858 : vector<256x25xi32> to vector<256x25xf32>
    %mul3A_860 = arith.constant 2.000000e-01 : f32
    %mul3A_861 = vector.broadcast %mul3A_860 : f32 to vector<256x25xf32>
    %mul3A_862 = arith.mulf %convert_element_type3A_859, %mul3A_861 : vector<256x25xf32>
    %floor3A_863 = math.floor %mul3A_862 : vector<256x25xf32>
    %mul3A_864 = arith.constant 5.000000e+00 : f32
    %mul3A_865 = vector.broadcast %mul3A_864 : f32 to vector<256x25xf32>
    %mul3A_866 = arith.mulf %mul3A_865, %floor3A_863 : vector<256x25xf32>
    %sub3A_867 = arith.subf %convert_element_type3A_859, %mul3A_866 : vector<256x25xf32>
    %mul3A_868 = arith.constant 2.000000e-01 : f32
    %mul3A_869 = vector.broadcast %mul3A_868 : f32 to vector<256x25xf32>
    %mul3A_870 = arith.mulf %convert_element_type3A_859, %mul3A_869 : vector<256x25xf32>
    %floor3A_871 = math.floor %mul3A_870 : vector<256x25xf32>
    %add3A_872 = vector.broadcast %min3A_848 : vector<256x1xf32> to vector<256x25xf32>
    %add3A_873 = arith.addf %add3A_872, %sub3A_867 : vector<256x25xf32>
    %add3A_874 = vector.broadcast %min3A_857 : vector<256x1xf32> to vector<256x25xf32>
    %add3A_875 = arith.addf %add3A_874, %floor3A_871 : vector<256x25xf32>
    %mul3A_876 = arith.constant 1.600000e+01 : f32
    %mul3A_877 = vector.broadcast %mul3A_876 : f32 to vector<256x25xf32>
    %mul3A_878 = arith.mulf %add3A_873, %mul3A_877 : vector<256x25xf32>
    %add3A_879 = arith.constant 8.000000e+00 : f32
    %add3A_880 = vector.broadcast %add3A_879 : f32 to vector<256x25xf32>
    %add3A_881 = arith.addf %mul3A_878, %add3A_880 : vector<256x25xf32>
    %mul3A_882 = arith.constant 1.600000e+01 : f32
    %mul3A_883 = vector.broadcast %mul3A_882 : f32 to vector<256x25xf32>
    %mul3A_884 = arith.mulf %add3A_875, %mul3A_883 : vector<256x25xf32>
    %add3A_885 = arith.constant 8.000000e+00 : f32
    %add3A_886 = vector.broadcast %add3A_885 : f32 to vector<256x25xf32>
    %add3A_887 = arith.addf %mul3A_884, %add3A_886 : vector<256x25xf32>
    %sub3A_888 = vector.broadcast %div3A_808 : vector<256x1xf32> to vector<256x25xf32>
    %sub3A_889 = arith.subf %sub3A_888, %add3A_881 : vector<256x25xf32>
    %sub3A_890 = vector.broadcast %div3A_819 : vector<256x1xf32> to vector<256x25xf32>
    %sub3A_891 = arith.subf %sub3A_890, %add3A_887 : vector<256x25xf32>
    %mul3A_892 = arith.mulf %sub3A_889, %sub3A_889 : vector<256x25xf32>
    %mul3A_893 = arith.mulf %sub3A_891, %sub3A_891 : vector<256x25xf32>
    %add3A_894 = arith.addf %mul3A_892, %mul3A_893 : vector<256x25xf32>
    %mul3A_895 = arith.constant 3.200000e+01 : f32
    %mul3A_896 = vector.broadcast %mul3A_895 : f32 to vector<256x25xf32>
    %mul3A_897 = arith.mulf %add3A_875, %mul3A_896 : vector<256x25xf32>
    %add3A_898 = arith.addf %mul3A_897, %add3A_873 : vector<256x25xf32>
    %reduce_min3A_899 = arith.constant dense<0x7F800000> : vector<256xf32>
    %reduce_min3A_900 = vector.multi_reduction <minimumf>, %add3A_894, %reduce_min3A_899 [1] : vector<256x25xf32> to vector<256xf32>
    %broadcast_in_dim3A_901 = vector.shape_cast %reduce_min3A_900 : vector<256xf32> to vector<256x1xf32>
    %eq3A_902 = vector.broadcast %broadcast_in_dim3A_901 : vector<256x1xf32> to vector<256x25xf32>
    %eq3A_903 = arith.cmpf oeq, %add3A_894, %eq3A_902 : vector<256x25xf32>
    %jit3A_904 = arith.constant 4.096000e+03 : f32
    %broadcast_in_dim3A_905 = vector.broadcast %jit3A_904 : f32 to vector<256x25xf32>
    %select_n3A_906 = arith.select %eq3A_903, %add3A_898, %broadcast_in_dim3A_905 : vector<256x25xi1>, vector<256x25xf32>
    %reduce_min3A_907 = arith.constant dense<0x7F800000> : vector<256xf32>
    %reduce_min3A_908 = vector.multi_reduction <minimumf>, %select_n3A_906, %reduce_min3A_907 [1] : vector<256x25xf32> to vector<256xf32>
    %broadcast_in_dim3A_909 = vector.shape_cast %reduce_min3A_908 : vector<256xf32> to vector<256x1xf32>
    %eq3A_910 = vector.broadcast %broadcast_in_dim3A_909 : vector<256x1xf32> to vector<256x25xf32>
    %eq3A_911 = arith.cmpf oeq, %add3A_898, %eq3A_910 : vector<256x25xf32>
    %jit3A_912 = arith.constant 1.000000e+30 : f32
    %broadcast_in_dim3A_913 = vector.broadcast %jit3A_912 : f32 to vector<256x25xf32>
    %select_n3A_914 = arith.select %eq3A_911, %broadcast_in_dim3A_913, %add3A_894 : vector<256x25xi1>, vector<256x25xf32>
    %reduce_min3A_915 = arith.constant dense<0x7F800000> : vector<256xf32>
    %reduce_min3A_916 = vector.multi_reduction <minimumf>, %select_n3A_914, %reduce_min3A_915 [1] : vector<256x25xf32> to vector<256xf32>
    %broadcast_in_dim3A_917 = vector.shape_cast %reduce_min3A_916 : vector<256xf32> to vector<256x1xf32>
    %eq3A_918 = vector.broadcast %broadcast_in_dim3A_917 : vector<256x1xf32> to vector<256x25xf32>
    %eq3A_919 = arith.cmpf oeq, %select_n3A_914, %eq3A_918 : vector<256x25xf32>
    %jit3A_920 = arith.constant 4.096000e+03 : f32
    %broadcast_in_dim3A_921 = vector.broadcast %jit3A_920 : f32 to vector<256x25xf32>
    %select_n3A_922 = arith.select %eq3A_919, %add3A_898, %broadcast_in_dim3A_921 : vector<256x25xi1>, vector<256x25xf32>
    %reduce_min3A_923 = arith.constant dense<0x7F800000> : vector<256xf32>
    %reduce_min3A_924 = vector.multi_reduction <minimumf>, %select_n3A_922, %reduce_min3A_923 [1] : vector<256x25xf32> to vector<256xf32>
    %broadcast_in_dim3A_925 = vector.shape_cast %reduce_min3A_924 : vector<256xf32> to vector<256x1xf32>
    %eq3A_926 = vector.broadcast %broadcast_in_dim3A_925 : vector<256x1xf32> to vector<256x25xf32>
    %eq3A_927 = arith.cmpf oeq, %add3A_898, %eq3A_926 : vector<256x25xf32>
    %jit3A_928 = arith.constant 1.000000e+30 : f32
    %broadcast_in_dim3A_929 = vector.broadcast %jit3A_928 : f32 to vector<256x25xf32>
    %select_n3A_930 = arith.select %eq3A_927, %broadcast_in_dim3A_929, %select_n3A_914 : vector<256x25xi1>, vector<256x25xf32>
    %reduce_min3A_931 = arith.constant dense<0x7F800000> : vector<256xf32>
    %reduce_min3A_932 = vector.multi_reduction <minimumf>, %select_n3A_930, %reduce_min3A_931 [1] : vector<256x25xf32> to vector<256xf32>
    %broadcast_in_dim3A_933 = vector.shape_cast %reduce_min3A_932 : vector<256xf32> to vector<256x1xf32>
    %eq3A_934 = vector.broadcast %broadcast_in_dim3A_933 : vector<256x1xf32> to vector<256x25xf32>
    %eq3A_935 = arith.cmpf oeq, %select_n3A_930, %eq3A_934 : vector<256x25xf32>
    %jit3A_936 = arith.constant 4.096000e+03 : f32
    %broadcast_in_dim3A_937 = vector.broadcast %jit3A_936 : f32 to vector<256x25xf32>
    %select_n3A_938 = arith.select %eq3A_935, %add3A_898, %broadcast_in_dim3A_937 : vector<256x25xi1>, vector<256x25xf32>
    %reduce_min3A_939 = arith.constant dense<0x7F800000> : vector<256xf32>
    %reduce_min3A_940 = vector.multi_reduction <minimumf>, %select_n3A_938, %reduce_min3A_939 [1] : vector<256x25xf32> to vector<256xf32>
    %broadcast_in_dim3A_941 = vector.shape_cast %reduce_min3A_940 : vector<256xf32> to vector<256x1xf32>
    %eq3A_942 = vector.broadcast %broadcast_in_dim3A_941 : vector<256x1xf32> to vector<256x25xf32>
    %eq3A_943 = arith.cmpf oeq, %add3A_898, %eq3A_942 : vector<256x25xf32>
    %jit3A_944 = arith.constant 1.000000e+30 : f32
    %broadcast_in_dim3A_945 = vector.broadcast %jit3A_944 : f32 to vector<256x25xf32>
    %select_n3A_946 = arith.select %eq3A_943, %broadcast_in_dim3A_945, %select_n3A_930 : vector<256x25xi1>, vector<256x25xf32>
    %reduce_min3A_947 = arith.constant dense<0x7F800000> : vector<256xf32>
    %reduce_min3A_948 = vector.multi_reduction <minimumf>, %select_n3A_946, %reduce_min3A_947 [1] : vector<256x25xf32> to vector<256xf32>
    %broadcast_in_dim3A_949 = vector.shape_cast %reduce_min3A_948 : vector<256xf32> to vector<256x1xf32>
    %eq3A_950 = vector.broadcast %broadcast_in_dim3A_949 : vector<256x1xf32> to vector<256x25xf32>
    %eq3A_951 = arith.cmpf oeq, %select_n3A_946, %eq3A_950 : vector<256x25xf32>
    %jit3A_952 = arith.constant 4.096000e+03 : f32
    %broadcast_in_dim3A_953 = vector.broadcast %jit3A_952 : f32 to vector<256x25xf32>
    %select_n3A_954 = arith.select %eq3A_951, %add3A_898, %broadcast_in_dim3A_953 : vector<256x25xi1>, vector<256x25xf32>
    %reduce_min3A_955 = arith.constant dense<0x7F800000> : vector<256xf32>
    %reduce_min3A_956 = vector.multi_reduction <minimumf>, %select_n3A_954, %reduce_min3A_955 [1] : vector<256x25xf32> to vector<256xf32>
    %broadcast_in_dim3A_957 = vector.shape_cast %reduce_min3A_956 : vector<256xf32> to vector<256x1xf32>
    %eq3A_958 = vector.broadcast %broadcast_in_dim3A_909 : vector<256x1xf32> to vector<256x1024xf32>
    %eq3A_959 = arith.cmpf oeq, %convert_element_type3A, %eq3A_958 : vector<256x1024xf32>
    %convert_element_type3A_960 = arith.extui %eq3A_959 : vector<256x1024xi1> to vector<256x1024xi32>
    %convert_element_type3A_961 = arith.sitofp %convert_element_type3A_960 : vector<256x1024xi32> to vector<256x1024xf32>
    %eq3A_962 = vector.broadcast %broadcast_in_dim3A_925 : vector<256x1xf32> to vector<256x1024xf32>
    %eq3A_963 = arith.cmpf oeq, %convert_element_type3A, %eq3A_962 : vector<256x1024xf32>
    %convert_element_type3A_964 = arith.extui %eq3A_963 : vector<256x1024xi1> to vector<256x1024xi32>
    %convert_element_type3A_965 = arith.sitofp %convert_element_type3A_964 : vector<256x1024xi32> to vector<256x1024xf32>
    %add3A_966 = arith.addf %convert_element_type3A_961, %convert_element_type3A_965 : vector<256x1024xf32>
    %eq3A_967 = vector.broadcast %broadcast_in_dim3A_941 : vector<256x1xf32> to vector<256x1024xf32>
    %eq3A_968 = arith.cmpf oeq, %convert_element_type3A, %eq3A_967 : vector<256x1024xf32>
    %convert_element_type3A_969 = arith.extui %eq3A_968 : vector<256x1024xi1> to vector<256x1024xi32>
    %convert_element_type3A_970 = arith.sitofp %convert_element_type3A_969 : vector<256x1024xi32> to vector<256x1024xf32>
    %add3A_971 = arith.addf %add3A_966, %convert_element_type3A_970 : vector<256x1024xf32>
    %eq3A_972 = vector.broadcast %broadcast_in_dim3A_957 : vector<256x1xf32> to vector<256x1024xf32>
    %eq3A_973 = arith.cmpf oeq, %convert_element_type3A, %eq3A_972 : vector<256x1024xf32>
    %convert_element_type3A_974 = arith.extui %eq3A_973 : vector<256x1024xi1> to vector<256x1024xi32>
    %convert_element_type3A_975 = arith.sitofp %convert_element_type3A_974 : vector<256x1024xi32> to vector<256x1024xf32>
    %add3A_976 = arith.addf %add3A_971, %convert_element_type3A_975 : vector<256x1024xf32>
    %add3A_977 = arith.addf %add3A_770, %add3A_976 : vector<256x1024xf32>
    %mul3A_978 = arith.constant 3.125000e-02 : f32
    %mul3A_979 = vector.broadcast %mul3A_978 : f32 to vector<256x1xf32>
    %mul3A_980 = arith.mulf %broadcast_in_dim3A_155, %mul3A_979 : vector<256x1xf32>
    %floor3A_981 = math.floor %mul3A_980 : vector<256x1xf32>
    %mul3A_982 = arith.constant 3.200000e+01 : f32
    %mul3A_983 = vector.broadcast %mul3A_982 : f32 to vector<256x1xf32>
    %mul3A_984 = arith.mulf %mul3A_983, %floor3A_981 : vector<256x1xf32>
    %sub3A_985 = arith.subf %broadcast_in_dim3A_155, %mul3A_984 : vector<256x1xf32>
    %mul3A_986 = arith.constant 1.600000e+01 : f32
    %mul3A_987 = vector.broadcast %mul3A_986 : f32 to vector<256x1xf32>
    %mul3A_988 = arith.mulf %sub3A_985, %mul3A_987 : vector<256x1xf32>
    %add3A_989 = arith.constant 8.000000e+00 : f32
    %add3A_990 = vector.broadcast %add3A_989 : f32 to vector<256x1xf32>
    %add3A_991 = arith.addf %mul3A_988, %add3A_990 : vector<256x1xf32>
    %mul3A_992 = arith.constant 1.600000e+01 : f32
    %mul3A_993 = vector.broadcast %mul3A_992 : f32 to vector<256x1xf32>
    %mul3A_994 = arith.mulf %floor3A_981, %mul3A_993 : vector<256x1xf32>
    %add3A_995 = arith.constant 8.000000e+00 : f32
    %add3A_996 = vector.broadcast %add3A_995 : f32 to vector<256x1xf32>
    %add3A_997 = arith.addf %mul3A_994, %add3A_996 : vector<256x1xf32>
    %mul3A_998 = vector.broadcast %get3A_352 : f32 to vector<256x1xf32>
    %mul3A_999 = arith.mulf %mul3A_998, %add3A_991 : vector<256x1xf32>
    %mul3A_1000 = vector.broadcast %get3A_355 : f32 to vector<256x1xf32>
    %mul3A_1001 = arith.mulf %mul3A_1000, %add3A_997 : vector<256x1xf32>
    %add3A_1002 = arith.addf %mul3A_999, %mul3A_1001 : vector<256x1xf32>
    %add3A_1003 = vector.broadcast %get3A_358 : f32 to vector<256x1xf32>
    %add3A_1004 = arith.addf %add3A_1002, %add3A_1003 : vector<256x1xf32>
    %mul3A_1005 = vector.broadcast %get3A_334 : f32 to vector<256x1xf32>
    %mul3A_1006 = arith.mulf %mul3A_1005, %add3A_991 : vector<256x1xf32>
    %mul3A_1007 = vector.broadcast %get3A_337 : f32 to vector<256x1xf32>
    %mul3A_1008 = arith.mulf %mul3A_1007, %add3A_997 : vector<256x1xf32>
    %add3A_1009 = arith.addf %mul3A_1006, %mul3A_1008 : vector<256x1xf32>
    %add3A_1010 = vector.broadcast %get3A_340 : f32 to vector<256x1xf32>
    %add3A_1011 = arith.addf %add3A_1009, %add3A_1010 : vector<256x1xf32>
    %add3A_1012 = arith.constant 9.99999993E-9 : f32
    %add3A_1013 = vector.broadcast %add3A_1012 : f32 to vector<256x1xf32>
    %add3A_1014 = arith.addf %add3A_1004, %add3A_1013 : vector<256x1xf32>
    %div3A_1015 = arith.divf %add3A_1011, %add3A_1014 : vector<256x1xf32>
    %mul3A_1016 = vector.broadcast %get3A_343 : f32 to vector<256x1xf32>
    %mul3A_1017 = arith.mulf %mul3A_1016, %add3A_991 : vector<256x1xf32>
    %mul3A_1018 = vector.broadcast %get3A_346 : f32 to vector<256x1xf32>
    %mul3A_1019 = arith.mulf %mul3A_1018, %add3A_997 : vector<256x1xf32>
    %add3A_1020 = arith.addf %mul3A_1017, %mul3A_1019 : vector<256x1xf32>
    %add3A_1021 = vector.broadcast %get3A_349 : f32 to vector<256x1xf32>
    %add3A_1022 = arith.addf %add3A_1020, %add3A_1021 : vector<256x1xf32>
    %add3A_1023 = arith.constant 9.99999993E-9 : f32
    %add3A_1024 = vector.broadcast %add3A_1023 : f32 to vector<256x1xf32>
    %add3A_1025 = arith.addf %add3A_1004, %add3A_1024 : vector<256x1xf32>
    %div3A_1026 = arith.divf %add3A_1022, %add3A_1025 : vector<256x1xf32>
    %mul3A_1027 = arith.constant 6.250000e-02 : f32
    %mul3A_1028 = vector.broadcast %mul3A_1027 : f32 to vector<256x1xf32>
    %mul3A_1029 = arith.mulf %div3A_1015, %mul3A_1028 : vector<256x1xf32>
    %floor3A_1030 = math.floor %mul3A_1029 : vector<256x1xf32>
    %jit3A_1031 = arith.constant 0.000000e+00 : f32
    %jit3A_1032 = arith.constant 3.100000e+01 : f32
    %max3A_1033 = vector.broadcast %jit3A_1031 : f32 to vector<256x1xf32>
    %max3A_1034 = arith.maximumf %max3A_1033, %floor3A_1030 : vector<256x1xf32>
    %min3A_1035 = vector.broadcast %jit3A_1032 : f32 to vector<256x1xf32>
    %min3A_1036 = arith.minimumf %min3A_1035, %max3A_1034 : vector<256x1xf32>
    %mul3A_1037 = arith.constant 6.250000e-02 : f32
    %mul3A_1038 = vector.broadcast %mul3A_1037 : f32 to vector<256x1xf32>
    %mul3A_1039 = arith.mulf %div3A_1026, %mul3A_1038 : vector<256x1xf32>
    %floor3A_1040 = math.floor %mul3A_1039 : vector<256x1xf32>
    %jit3A_1041 = arith.constant 0.000000e+00 : f32
    %jit3A_1042 = arith.constant 3.100000e+01 : f32
    %max3A_1043 = vector.broadcast %jit3A_1041 : f32 to vector<256x1xf32>
    %max3A_1044 = arith.maximumf %max3A_1043, %floor3A_1040 : vector<256x1xf32>
    %min3A_1045 = vector.broadcast %jit3A_1042 : f32 to vector<256x1xf32>
    %min3A_1046 = arith.minimumf %min3A_1045, %max3A_1044 : vector<256x1xf32>
    %sub3A_1047 = arith.constant 2.000000e+00 : f32
    %sub3A_1048 = vector.broadcast %sub3A_1047 : f32 to vector<256x1xf32>
    %sub3A_1049 = arith.subf %min3A_1036, %sub3A_1048 : vector<256x1xf32>
    %jit3A_1050 = arith.constant 0.000000e+00 : f32
    %jit3A_1051 = arith.constant 2.700000e+01 : f32
    %max3A_1052 = vector.broadcast %jit3A_1050 : f32 to vector<256x1xf32>
    %max3A_1053 = arith.maximumf %max3A_1052, %sub3A_1049 : vector<256x1xf32>
    %min3A_1054 = vector.broadcast %jit3A_1051 : f32 to vector<256x1xf32>
    %min3A_1055 = arith.minimumf %min3A_1054, %max3A_1053 : vector<256x1xf32>
    %sub3A_1056 = arith.constant 2.000000e+00 : f32
    %sub3A_1057 = vector.broadcast %sub3A_1056 : f32 to vector<256x1xf32>
    %sub3A_1058 = arith.subf %min3A_1046, %sub3A_1057 : vector<256x1xf32>
    %jit3A_1059 = arith.constant 0.000000e+00 : f32
    %jit3A_1060 = arith.constant 2.700000e+01 : f32
    %max3A_1061 = vector.broadcast %jit3A_1059 : f32 to vector<256x1xf32>
    %max3A_1062 = arith.maximumf %max3A_1061, %sub3A_1058 : vector<256x1xf32>
    %min3A_1063 = vector.broadcast %jit3A_1060 : f32 to vector<256x1xf32>
    %min3A_1064 = arith.minimumf %min3A_1063, %max3A_1062 : vector<256x1xf32>
    %iota3A_1065 = tpu.iota {dimensions = array<i32: 1>} : vector<256x25xi32>
    %convert_element_type3A_1066 = arith.sitofp %iota3A_1065 : vector<256x25xi32> to vector<256x25xf32>
    %mul3A_1067 = arith.constant 2.000000e-01 : f32
    %mul3A_1068 = vector.broadcast %mul3A_1067 : f32 to vector<256x25xf32>
    %mul3A_1069 = arith.mulf %convert_element_type3A_1066, %mul3A_1068 : vector<256x25xf32>
    %floor3A_1070 = math.floor %mul3A_1069 : vector<256x25xf32>
    %mul3A_1071 = arith.constant 5.000000e+00 : f32
    %mul3A_1072 = vector.broadcast %mul3A_1071 : f32 to vector<256x25xf32>
    %mul3A_1073 = arith.mulf %mul3A_1072, %floor3A_1070 : vector<256x25xf32>
    %sub3A_1074 = arith.subf %convert_element_type3A_1066, %mul3A_1073 : vector<256x25xf32>
    %mul3A_1075 = arith.constant 2.000000e-01 : f32
    %mul3A_1076 = vector.broadcast %mul3A_1075 : f32 to vector<256x25xf32>
    %mul3A_1077 = arith.mulf %convert_element_type3A_1066, %mul3A_1076 : vector<256x25xf32>
    %floor3A_1078 = math.floor %mul3A_1077 : vector<256x25xf32>
    %add3A_1079 = vector.broadcast %min3A_1055 : vector<256x1xf32> to vector<256x25xf32>
    %add3A_1080 = arith.addf %add3A_1079, %sub3A_1074 : vector<256x25xf32>
    %add3A_1081 = vector.broadcast %min3A_1064 : vector<256x1xf32> to vector<256x25xf32>
    %add3A_1082 = arith.addf %add3A_1081, %floor3A_1078 : vector<256x25xf32>
    %mul3A_1083 = arith.constant 1.600000e+01 : f32
    %mul3A_1084 = vector.broadcast %mul3A_1083 : f32 to vector<256x25xf32>
    %mul3A_1085 = arith.mulf %add3A_1080, %mul3A_1084 : vector<256x25xf32>
    %add3A_1086 = arith.constant 8.000000e+00 : f32
    %add3A_1087 = vector.broadcast %add3A_1086 : f32 to vector<256x25xf32>
    %add3A_1088 = arith.addf %mul3A_1085, %add3A_1087 : vector<256x25xf32>
    %mul3A_1089 = arith.constant 1.600000e+01 : f32
    %mul3A_1090 = vector.broadcast %mul3A_1089 : f32 to vector<256x25xf32>
    %mul3A_1091 = arith.mulf %add3A_1082, %mul3A_1090 : vector<256x25xf32>
    %add3A_1092 = arith.constant 8.000000e+00 : f32
    %add3A_1093 = vector.broadcast %add3A_1092 : f32 to vector<256x25xf32>
    %add3A_1094 = arith.addf %mul3A_1091, %add3A_1093 : vector<256x25xf32>
    %sub3A_1095 = vector.broadcast %div3A_1015 : vector<256x1xf32> to vector<256x25xf32>
    %sub3A_1096 = arith.subf %sub3A_1095, %add3A_1088 : vector<256x25xf32>
    %sub3A_1097 = vector.broadcast %div3A_1026 : vector<256x1xf32> to vector<256x25xf32>
    %sub3A_1098 = arith.subf %sub3A_1097, %add3A_1094 : vector<256x25xf32>
    %mul3A_1099 = arith.mulf %sub3A_1096, %sub3A_1096 : vector<256x25xf32>
    %mul3A_1100 = arith.mulf %sub3A_1098, %sub3A_1098 : vector<256x25xf32>
    %add3A_1101 = arith.addf %mul3A_1099, %mul3A_1100 : vector<256x25xf32>
    %mul3A_1102 = arith.constant 3.200000e+01 : f32
    %mul3A_1103 = vector.broadcast %mul3A_1102 : f32 to vector<256x25xf32>
    %mul3A_1104 = arith.mulf %add3A_1082, %mul3A_1103 : vector<256x25xf32>
    %add3A_1105 = arith.addf %mul3A_1104, %add3A_1080 : vector<256x25xf32>
    %reduce_min3A_1106 = arith.constant dense<0x7F800000> : vector<256xf32>
    %reduce_min3A_1107 = vector.multi_reduction <minimumf>, %add3A_1101, %reduce_min3A_1106 [1] : vector<256x25xf32> to vector<256xf32>
    %broadcast_in_dim3A_1108 = vector.shape_cast %reduce_min3A_1107 : vector<256xf32> to vector<256x1xf32>
    %eq3A_1109 = vector.broadcast %broadcast_in_dim3A_1108 : vector<256x1xf32> to vector<256x25xf32>
    %eq3A_1110 = arith.cmpf oeq, %add3A_1101, %eq3A_1109 : vector<256x25xf32>
    %jit3A_1111 = arith.constant 4.096000e+03 : f32
    %broadcast_in_dim3A_1112 = vector.broadcast %jit3A_1111 : f32 to vector<256x25xf32>
    %select_n3A_1113 = arith.select %eq3A_1110, %add3A_1105, %broadcast_in_dim3A_1112 : vector<256x25xi1>, vector<256x25xf32>
    %reduce_min3A_1114 = arith.constant dense<0x7F800000> : vector<256xf32>
    %reduce_min3A_1115 = vector.multi_reduction <minimumf>, %select_n3A_1113, %reduce_min3A_1114 [1] : vector<256x25xf32> to vector<256xf32>
    %broadcast_in_dim3A_1116 = vector.shape_cast %reduce_min3A_1115 : vector<256xf32> to vector<256x1xf32>
    %eq3A_1117 = vector.broadcast %broadcast_in_dim3A_1116 : vector<256x1xf32> to vector<256x25xf32>
    %eq3A_1118 = arith.cmpf oeq, %add3A_1105, %eq3A_1117 : vector<256x25xf32>
    %jit3A_1119 = arith.constant 1.000000e+30 : f32
    %broadcast_in_dim3A_1120 = vector.broadcast %jit3A_1119 : f32 to vector<256x25xf32>
    %select_n3A_1121 = arith.select %eq3A_1118, %broadcast_in_dim3A_1120, %add3A_1101 : vector<256x25xi1>, vector<256x25xf32>
    %reduce_min3A_1122 = arith.constant dense<0x7F800000> : vector<256xf32>
    %reduce_min3A_1123 = vector.multi_reduction <minimumf>, %select_n3A_1121, %reduce_min3A_1122 [1] : vector<256x25xf32> to vector<256xf32>
    %broadcast_in_dim3A_1124 = vector.shape_cast %reduce_min3A_1123 : vector<256xf32> to vector<256x1xf32>
    %eq3A_1125 = vector.broadcast %broadcast_in_dim3A_1124 : vector<256x1xf32> to vector<256x25xf32>
    %eq3A_1126 = arith.cmpf oeq, %select_n3A_1121, %eq3A_1125 : vector<256x25xf32>
    %jit3A_1127 = arith.constant 4.096000e+03 : f32
    %broadcast_in_dim3A_1128 = vector.broadcast %jit3A_1127 : f32 to vector<256x25xf32>
    %select_n3A_1129 = arith.select %eq3A_1126, %add3A_1105, %broadcast_in_dim3A_1128 : vector<256x25xi1>, vector<256x25xf32>
    %reduce_min3A_1130 = arith.constant dense<0x7F800000> : vector<256xf32>
    %reduce_min3A_1131 = vector.multi_reduction <minimumf>, %select_n3A_1129, %reduce_min3A_1130 [1] : vector<256x25xf32> to vector<256xf32>
    %broadcast_in_dim3A_1132 = vector.shape_cast %reduce_min3A_1131 : vector<256xf32> to vector<256x1xf32>
    %eq3A_1133 = vector.broadcast %broadcast_in_dim3A_1132 : vector<256x1xf32> to vector<256x25xf32>
    %eq3A_1134 = arith.cmpf oeq, %add3A_1105, %eq3A_1133 : vector<256x25xf32>
    %jit3A_1135 = arith.constant 1.000000e+30 : f32
    %broadcast_in_dim3A_1136 = vector.broadcast %jit3A_1135 : f32 to vector<256x25xf32>
    %select_n3A_1137 = arith.select %eq3A_1134, %broadcast_in_dim3A_1136, %select_n3A_1121 : vector<256x25xi1>, vector<256x25xf32>
    %reduce_min3A_1138 = arith.constant dense<0x7F800000> : vector<256xf32>
    %reduce_min3A_1139 = vector.multi_reduction <minimumf>, %select_n3A_1137, %reduce_min3A_1138 [1] : vector<256x25xf32> to vector<256xf32>
    %broadcast_in_dim3A_1140 = vector.shape_cast %reduce_min3A_1139 : vector<256xf32> to vector<256x1xf32>
    %eq3A_1141 = vector.broadcast %broadcast_in_dim3A_1140 : vector<256x1xf32> to vector<256x25xf32>
    %eq3A_1142 = arith.cmpf oeq, %select_n3A_1137, %eq3A_1141 : vector<256x25xf32>
    %jit3A_1143 = arith.constant 4.096000e+03 : f32
    %broadcast_in_dim3A_1144 = vector.broadcast %jit3A_1143 : f32 to vector<256x25xf32>
    %select_n3A_1145 = arith.select %eq3A_1142, %add3A_1105, %broadcast_in_dim3A_1144 : vector<256x25xi1>, vector<256x25xf32>
    %reduce_min3A_1146 = arith.constant dense<0x7F800000> : vector<256xf32>
    %reduce_min3A_1147 = vector.multi_reduction <minimumf>, %select_n3A_1145, %reduce_min3A_1146 [1] : vector<256x25xf32> to vector<256xf32>
    %broadcast_in_dim3A_1148 = vector.shape_cast %reduce_min3A_1147 : vector<256xf32> to vector<256x1xf32>
    %eq3A_1149 = vector.broadcast %broadcast_in_dim3A_1148 : vector<256x1xf32> to vector<256x25xf32>
    %eq3A_1150 = arith.cmpf oeq, %add3A_1105, %eq3A_1149 : vector<256x25xf32>
    %jit3A_1151 = arith.constant 1.000000e+30 : f32
    %broadcast_in_dim3A_1152 = vector.broadcast %jit3A_1151 : f32 to vector<256x25xf32>
    %select_n3A_1153 = arith.select %eq3A_1150, %broadcast_in_dim3A_1152, %select_n3A_1137 : vector<256x25xi1>, vector<256x25xf32>
    %reduce_min3A_1154 = arith.constant dense<0x7F800000> : vector<256xf32>
    %reduce_min3A_1155 = vector.multi_reduction <minimumf>, %select_n3A_1153, %reduce_min3A_1154 [1] : vector<256x25xf32> to vector<256xf32>
    %broadcast_in_dim3A_1156 = vector.shape_cast %reduce_min3A_1155 : vector<256xf32> to vector<256x1xf32>
    %eq3A_1157 = vector.broadcast %broadcast_in_dim3A_1156 : vector<256x1xf32> to vector<256x25xf32>
    %eq3A_1158 = arith.cmpf oeq, %select_n3A_1153, %eq3A_1157 : vector<256x25xf32>
    %jit3A_1159 = arith.constant 4.096000e+03 : f32
    %broadcast_in_dim3A_1160 = vector.broadcast %jit3A_1159 : f32 to vector<256x25xf32>
    %select_n3A_1161 = arith.select %eq3A_1158, %add3A_1105, %broadcast_in_dim3A_1160 : vector<256x25xi1>, vector<256x25xf32>
    %reduce_min3A_1162 = arith.constant dense<0x7F800000> : vector<256xf32>
    %reduce_min3A_1163 = vector.multi_reduction <minimumf>, %select_n3A_1161, %reduce_min3A_1162 [1] : vector<256x25xf32> to vector<256xf32>
    %broadcast_in_dim3A_1164 = vector.shape_cast %reduce_min3A_1163 : vector<256xf32> to vector<256x1xf32>
    %eq3A_1165 = vector.broadcast %broadcast_in_dim3A_1116 : vector<256x1xf32> to vector<256x1024xf32>
    %eq3A_1166 = arith.cmpf oeq, %convert_element_type3A, %eq3A_1165 : vector<256x1024xf32>
    %convert_element_type3A_1167 = arith.extui %eq3A_1166 : vector<256x1024xi1> to vector<256x1024xi32>
    %convert_element_type3A_1168 = arith.sitofp %convert_element_type3A_1167 : vector<256x1024xi32> to vector<256x1024xf32>
    %eq3A_1169 = vector.broadcast %broadcast_in_dim3A_1132 : vector<256x1xf32> to vector<256x1024xf32>
    %eq3A_1170 = arith.cmpf oeq, %convert_element_type3A, %eq3A_1169 : vector<256x1024xf32>
    %convert_element_type3A_1171 = arith.extui %eq3A_1170 : vector<256x1024xi1> to vector<256x1024xi32>
    %convert_element_type3A_1172 = arith.sitofp %convert_element_type3A_1171 : vector<256x1024xi32> to vector<256x1024xf32>
    %add3A_1173 = arith.addf %convert_element_type3A_1168, %convert_element_type3A_1172 : vector<256x1024xf32>
    %eq3A_1174 = vector.broadcast %broadcast_in_dim3A_1148 : vector<256x1xf32> to vector<256x1024xf32>
    %eq3A_1175 = arith.cmpf oeq, %convert_element_type3A, %eq3A_1174 : vector<256x1024xf32>
    %convert_element_type3A_1176 = arith.extui %eq3A_1175 : vector<256x1024xi1> to vector<256x1024xi32>
    %convert_element_type3A_1177 = arith.sitofp %convert_element_type3A_1176 : vector<256x1024xi32> to vector<256x1024xf32>
    %add3A_1178 = arith.addf %add3A_1173, %convert_element_type3A_1177 : vector<256x1024xf32>
    %eq3A_1179 = vector.broadcast %broadcast_in_dim3A_1164 : vector<256x1xf32> to vector<256x1024xf32>
    %eq3A_1180 = arith.cmpf oeq, %convert_element_type3A, %eq3A_1179 : vector<256x1024xf32>
    %convert_element_type3A_1181 = arith.extui %eq3A_1180 : vector<256x1024xi1> to vector<256x1024xi32>
    %convert_element_type3A_1182 = arith.sitofp %convert_element_type3A_1181 : vector<256x1024xi32> to vector<256x1024xf32>
    %add3A_1183 = arith.addf %add3A_1178, %convert_element_type3A_1182 : vector<256x1024xf32>
    %add3A_1184 = arith.addf %add3A_977, %add3A_1183 : vector<256x1024xf32>
    %get3A_1185 = arith.constant 0 : index
    %get3A_1186 = arith.constant 0 : index
    %get3A_1187 = arith.constant 0 : index
    %get3A_1188 = vector.load %arg6[%get3A_1185, %get3A_1186, %get3A_1187] : memref<1x256x256xf32, #tpu.memory_space<vmem>>, vector<1x256x256xf32>
    %get3A_1189 = vector.shape_cast %get3A_1188 : vector<1x256x256xf32> to vector<256x256xf32>
    %mul3A_1190 = arith.mulf %get3A_1189, %get3A_1189 : vector<256x256xf32>
    %reduce_sum3A = arith.constant dense<0.000000e+00> : vector<256xf32>
    %reduce_sum3A_1191 = vector.multi_reduction <add>, %mul3A_1190, %reduce_sum3A [1] : vector<256x256xf32> to vector<256xf32>
    %broadcast_in_dim3A_1192 = vector.shape_cast %reduce_sum3A_1191 : vector<256xf32> to vector<256x1xf32>
    %add3A_1193 = arith.constant 9.99999996E-13 : f32
    %add3A_1194 = vector.broadcast %add3A_1193 : f32 to vector<256x1xf32>
    %add3A_1195 = arith.addf %broadcast_in_dim3A_1192, %add3A_1194 : vector<256x1xf32>
    %rsqrt3A = math.rsqrt %add3A_1195 : vector<256x1xf32>
    %mul3A_1196 = vector.broadcast %rsqrt3A : vector<256x1xf32> to vector<256x256xf32>
    %mul3A_1197 = arith.mulf %get3A_1189, %mul3A_1196 : vector<256x256xf32>
    %mul3A_1198 = arith.mulf %get3A_3, %mul3A_1197 : vector<256x256xf32>
    %reduce_sum3A_1199 = arith.constant dense<0.000000e+00> : vector<256xf32>
    %reduce_sum3A_1200 = vector.multi_reduction <add>, %mul3A_1198, %reduce_sum3A_1199 [1] : vector<256x256xf32> to vector<256xf32>
    %broadcast_in_dim3A_1201 = vector.shape_cast %reduce_sum3A_1200 : vector<256xf32> to vector<256x1xf32>
    %mul3A_1202 = arith.constant 2.000000e+00 : f32
    %mul3A_1203 = vector.broadcast %mul3A_1202 : f32 to vector<256x1xf32>
    %mul3A_1204 = arith.mulf %mul3A_1203, %broadcast_in_dim3A_1201 : vector<256x1xf32>
    %sub3A_1205 = arith.constant 2.000000e+00 : f32
    %sub3A_1206 = vector.broadcast %sub3A_1205 : f32 to vector<256x1xf32>
    %sub3A_1207 = arith.subf %sub3A_1206, %mul3A_1204 : vector<256x1xf32>
    %dot_general3A = arith.constant dense<0.000000e+00> : vector<256x1024xf32>
    %dot_general3A_1208 = tpu.matmul %get3A_3, %get3A_8, %dot_general3A {dimension_numbers = #tpu.dot_dimension_numbers<[1], [0], [0], [1], [0, 0, 1, 1], [], []>, transpose_lhs_hint = false} : vector<256x256xf32>, vector<256x1024xf32>, vector<256x1024xf32> -> vector<256x1024xf32>
    %mul3A_1209 = arith.constant 2.000000e+00 : f32
    %mul3A_1210 = vector.broadcast %mul3A_1209 : f32 to vector<256x1024xf32>
    %mul3A_1211 = arith.mulf %mul3A_1210, %dot_general3A_1208 : vector<256x1024xf32>
    %sub3A_1212 = arith.constant 2.000000e+00 : f32
    %sub3A_1213 = vector.broadcast %sub3A_1212 : f32 to vector<256x1024xf32>
    %sub3A_1214 = arith.subf %sub3A_1213, %mul3A_1211 : vector<256x1024xf32>
    %mul3A_1215 = arith.constant 5.000000e+00 : f32
    %mul3A_1216 = vector.broadcast %mul3A_1215 : f32 to vector<256x1024xf32>
    %mul3A_1217 = arith.mulf %mul3A_1216, %add3A_1184 : vector<256x1024xf32>
    %add3A_1218 = arith.addf %sub3A_1214, %mul3A_1217 : vector<256x1024xf32>
    %reduce_min3A_1219 = arith.constant dense<0x7F800000> : vector<256xf32>
    %reduce_min3A_1220 = vector.multi_reduction <minimumf>, %add3A_1218, %reduce_min3A_1219 [1] : vector<256x1024xf32> to vector<256xf32>
    %broadcast_in_dim3A_1221 = vector.shape_cast %reduce_min3A_1220 : vector<256xf32> to vector<256x1xf32>
    %eq3A_1222 = vector.broadcast %broadcast_in_dim3A_1221 : vector<256x1xf32> to vector<256x1024xf32>
    %eq3A_1223 = arith.cmpf oeq, %add3A_1218, %eq3A_1222 : vector<256x1024xf32>
    %jit3A_1224 = arith.constant 1.024000e+03 : f32
    %broadcast_in_dim3A_1225 = vector.broadcast %jit3A_1224 : f32 to vector<256x1024xf32>
    %select_n3A_1226 = arith.select %eq3A_1223, %convert_element_type3A, %broadcast_in_dim3A_1225 : vector<256x1024xi1>, vector<256x1024xf32>
    %reduce_min3A_1227 = arith.constant dense<0x7F800000> : vector<256xf32>
    %reduce_min3A_1228 = vector.multi_reduction <minimumf>, %select_n3A_1226, %reduce_min3A_1227 [1] : vector<256x1024xf32> to vector<256xf32>
    %broadcast_in_dim3A_1229 = vector.shape_cast %reduce_min3A_1228 : vector<256xf32> to vector<256x1xf32>
    %eq3A_1230 = vector.broadcast %broadcast_in_dim3A_1229 : vector<256x1xf32> to vector<256x1024xf32>
    %eq3A_1231 = arith.cmpf oeq, %convert_element_type3A, %eq3A_1230 : vector<256x1024xf32>
    %jit3A_1232 = arith.constant 1.000000e+30 : f32
    %broadcast_in_dim3A_1233 = vector.broadcast %jit3A_1232 : f32 to vector<256x1024xf32>
    %select_n3A_1234 = arith.select %eq3A_1231, %broadcast_in_dim3A_1233, %add3A_1218 : vector<256x1024xi1>, vector<256x1024xf32>
    %sub3A_1235 = arith.subf %sub3A_1207, %broadcast_in_dim3A_1221 : vector<256x1xf32>
    %add3A_1236 = arith.constant 1.000000e+00 : f32
    %add3A_1237 = vector.broadcast %add3A_1236 : f32 to vector<256x1xf32>
    %add3A_1238 = arith.addf %sub3A_1235, %add3A_1237 : vector<256x1xf32>
    %max3A_1239 = arith.constant 0.000000e+00 : f32
    %max3A_1240 = vector.broadcast %max3A_1239 : f32 to vector<256x1xf32>
    %max3A_1241 = arith.maximumf %add3A_1238, %max3A_1240 : vector<256x1xf32>
    %mul3A_1242 = arith.mulf %max3A_1241, %max3A_1241 : vector<256x1xf32>
    %reduce_sum3A_1243 = vector.shape_cast %mul3A_1242 : vector<256x1xf32> to vector<1x256x1xf32>
    %reduce_sum3A_1244 = arith.constant dense<0.000000e+00> : vector<1xf32>
    %reduce_sum3A_1245 = vector.multi_reduction <add>, %reduce_sum3A_1243, %reduce_sum3A_1244 [1, 2] : vector<1x256x1xf32> to vector<1xf32>
    %reduce_sum3A_1246 = vector.shape_cast %reduce_sum3A_1245 : vector<1xf32> to vector<1x1x1xf32>
    %reduce_sum3A_1247 = vector.extract %reduce_sum3A_1246[0, 0, 0] : f32 from vector<1x1x1xf32>
    %add3A_1248 = arith.constant 0.000000e+00 : f32
    %add3A_1249 = arith.addf %add3A_1248, %reduce_sum3A_1247 : f32
    %reduce_min3A_1250 = arith.constant dense<0x7F800000> : vector<256xf32>
    %reduce_min3A_1251 = vector.multi_reduction <minimumf>, %select_n3A_1234, %reduce_min3A_1250 [1] : vector<256x1024xf32> to vector<256xf32>
    %broadcast_in_dim3A_1252 = vector.shape_cast %reduce_min3A_1251 : vector<256xf32> to vector<256x1xf32>
    %eq3A_1253 = vector.broadcast %broadcast_in_dim3A_1252 : vector<256x1xf32> to vector<256x1024xf32>
    %eq3A_1254 = arith.cmpf oeq, %select_n3A_1234, %eq3A_1253 : vector<256x1024xf32>
    %jit3A_1255 = arith.constant 1.024000e+03 : f32
    %broadcast_in_dim3A_1256 = vector.broadcast %jit3A_1255 : f32 to vector<256x1024xf32>
    %select_n3A_1257 = arith.select %eq3A_1254, %convert_element_type3A, %broadcast_in_dim3A_1256 : vector<256x1024xi1>, vector<256x1024xf32>
    %reduce_min3A_1258 = arith.constant dense<0x7F800000> : vector<256xf32>
    %reduce_min3A_1259 = vector.multi_reduction <minimumf>, %select_n3A_1257, %reduce_min3A_1258 [1] : vector<256x1024xf32> to vector<256xf32>
    %broadcast_in_dim3A_1260 = vector.shape_cast %reduce_min3A_1259 : vector<256xf32> to vector<256x1xf32>
    %eq3A_1261 = vector.broadcast %broadcast_in_dim3A_1260 : vector<256x1xf32> to vector<256x1024xf32>
    %eq3A_1262 = arith.cmpf oeq, %convert_element_type3A, %eq3A_1261 : vector<256x1024xf32>
    %jit3A_1263 = arith.constant 1.000000e+30 : f32
    %broadcast_in_dim3A_1264 = vector.broadcast %jit3A_1263 : f32 to vector<256x1024xf32>
    %select_n3A_1265 = arith.select %eq3A_1262, %broadcast_in_dim3A_1264, %select_n3A_1234 : vector<256x1024xi1>, vector<256x1024xf32>
    %sub3A_1266 = arith.subf %sub3A_1207, %broadcast_in_dim3A_1252 : vector<256x1xf32>
    %add3A_1267 = arith.constant 1.000000e+00 : f32
    %add3A_1268 = vector.broadcast %add3A_1267 : f32 to vector<256x1xf32>
    %add3A_1269 = arith.addf %sub3A_1266, %add3A_1268 : vector<256x1xf32>
    %max3A_1270 = arith.constant 0.000000e+00 : f32
    %max3A_1271 = vector.broadcast %max3A_1270 : f32 to vector<256x1xf32>
    %max3A_1272 = arith.maximumf %add3A_1269, %max3A_1271 : vector<256x1xf32>
    %mul3A_1273 = arith.mulf %max3A_1272, %max3A_1272 : vector<256x1xf32>
    %reduce_sum3A_1274 = vector.shape_cast %mul3A_1273 : vector<256x1xf32> to vector<1x256x1xf32>
    %reduce_sum3A_1275 = arith.constant dense<0.000000e+00> : vector<1xf32>
    %reduce_sum3A_1276 = vector.multi_reduction <add>, %reduce_sum3A_1274, %reduce_sum3A_1275 [1, 2] : vector<1x256x1xf32> to vector<1xf32>
    %reduce_sum3A_1277 = vector.shape_cast %reduce_sum3A_1276 : vector<1xf32> to vector<1x1x1xf32>
    %reduce_sum3A_1278 = vector.extract %reduce_sum3A_1277[0, 0, 0] : f32 from vector<1x1x1xf32>
    %add3A_1279 = arith.addf %add3A_1249, %reduce_sum3A_1278 : f32
    %reduce_min3A_1280 = arith.constant dense<0x7F800000> : vector<256xf32>
    %reduce_min3A_1281 = vector.multi_reduction <minimumf>, %select_n3A_1265, %reduce_min3A_1280 [1] : vector<256x1024xf32> to vector<256xf32>
    %broadcast_in_dim3A_1282 = vector.shape_cast %reduce_min3A_1281 : vector<256xf32> to vector<256x1xf32>
    %eq3A_1283 = vector.broadcast %broadcast_in_dim3A_1282 : vector<256x1xf32> to vector<256x1024xf32>
    %eq3A_1284 = arith.cmpf oeq, %select_n3A_1265, %eq3A_1283 : vector<256x1024xf32>
    %jit3A_1285 = arith.constant 1.024000e+03 : f32
    %broadcast_in_dim3A_1286 = vector.broadcast %jit3A_1285 : f32 to vector<256x1024xf32>
    %select_n3A_1287 = arith.select %eq3A_1284, %convert_element_type3A, %broadcast_in_dim3A_1286 : vector<256x1024xi1>, vector<256x1024xf32>
    %reduce_min3A_1288 = arith.constant dense<0x7F800000> : vector<256xf32>
    %reduce_min3A_1289 = vector.multi_reduction <minimumf>, %select_n3A_1287, %reduce_min3A_1288 [1] : vector<256x1024xf32> to vector<256xf32>
    %broadcast_in_dim3A_1290 = vector.shape_cast %reduce_min3A_1289 : vector<256xf32> to vector<256x1xf32>
    %eq3A_1291 = vector.broadcast %broadcast_in_dim3A_1290 : vector<256x1xf32> to vector<256x1024xf32>
    %eq3A_1292 = arith.cmpf oeq, %convert_element_type3A, %eq3A_1291 : vector<256x1024xf32>
    %jit3A_1293 = arith.constant 1.000000e+30 : f32
    %broadcast_in_dim3A_1294 = vector.broadcast %jit3A_1293 : f32 to vector<256x1024xf32>
    %select_n3A_1295 = arith.select %eq3A_1292, %broadcast_in_dim3A_1294, %select_n3A_1265 : vector<256x1024xi1>, vector<256x1024xf32>
    %sub3A_1296 = arith.subf %sub3A_1207, %broadcast_in_dim3A_1282 : vector<256x1xf32>
    %add3A_1297 = arith.constant 1.000000e+00 : f32
    %add3A_1298 = vector.broadcast %add3A_1297 : f32 to vector<256x1xf32>
    %add3A_1299 = arith.addf %sub3A_1296, %add3A_1298 : vector<256x1xf32>
    %max3A_1300 = arith.constant 0.000000e+00 : f32
    %max3A_1301 = vector.broadcast %max3A_1300 : f32 to vector<256x1xf32>
    %max3A_1302 = arith.maximumf %add3A_1299, %max3A_1301 : vector<256x1xf32>
    %mul3A_1303 = arith.mulf %max3A_1302, %max3A_1302 : vector<256x1xf32>
    %reduce_sum3A_1304 = vector.shape_cast %mul3A_1303 : vector<256x1xf32> to vector<1x256x1xf32>
    %reduce_sum3A_1305 = arith.constant dense<0.000000e+00> : vector<1xf32>
    %reduce_sum3A_1306 = vector.multi_reduction <add>, %reduce_sum3A_1304, %reduce_sum3A_1305 [1, 2] : vector<1x256x1xf32> to vector<1xf32>
    %reduce_sum3A_1307 = vector.shape_cast %reduce_sum3A_1306 : vector<1xf32> to vector<1x1x1xf32>
    %reduce_sum3A_1308 = vector.extract %reduce_sum3A_1307[0, 0, 0] : f32 from vector<1x1x1xf32>
    %add3A_1309 = arith.addf %add3A_1279, %reduce_sum3A_1308 : f32
    %reduce_min3A_1310 = arith.constant dense<0x7F800000> : vector<256xf32>
    %reduce_min3A_1311 = vector.multi_reduction <minimumf>, %select_n3A_1295, %reduce_min3A_1310 [1] : vector<256x1024xf32> to vector<256xf32>
    %broadcast_in_dim3A_1312 = vector.shape_cast %reduce_min3A_1311 : vector<256xf32> to vector<256x1xf32>
    %eq3A_1313 = vector.broadcast %broadcast_in_dim3A_1312 : vector<256x1xf32> to vector<256x1024xf32>
    %eq3A_1314 = arith.cmpf oeq, %select_n3A_1295, %eq3A_1313 : vector<256x1024xf32>
    %jit3A_1315 = arith.constant 1.024000e+03 : f32
    %broadcast_in_dim3A_1316 = vector.broadcast %jit3A_1315 : f32 to vector<256x1024xf32>
    %select_n3A_1317 = arith.select %eq3A_1314, %convert_element_type3A, %broadcast_in_dim3A_1316 : vector<256x1024xi1>, vector<256x1024xf32>
    %reduce_min3A_1318 = arith.constant dense<0x7F800000> : vector<256xf32>
    %reduce_min3A_1319 = vector.multi_reduction <minimumf>, %select_n3A_1317, %reduce_min3A_1318 [1] : vector<256x1024xf32> to vector<256xf32>
    %broadcast_in_dim3A_1320 = vector.shape_cast %reduce_min3A_1319 : vector<256xf32> to vector<256x1xf32>
    %eq3A_1321 = vector.broadcast %broadcast_in_dim3A_1320 : vector<256x1xf32> to vector<256x1024xf32>
    %eq3A_1322 = arith.cmpf oeq, %convert_element_type3A, %eq3A_1321 : vector<256x1024xf32>
    %jit3A_1323 = arith.constant 1.000000e+30 : f32
    %broadcast_in_dim3A_1324 = vector.broadcast %jit3A_1323 : f32 to vector<256x1024xf32>
    %select_n3A_1325 = arith.select %eq3A_1322, %broadcast_in_dim3A_1324, %select_n3A_1295 : vector<256x1024xi1>, vector<256x1024xf32>
    %sub3A_1326 = arith.subf %sub3A_1207, %broadcast_in_dim3A_1312 : vector<256x1xf32>
    %add3A_1327 = arith.constant 1.000000e+00 : f32
    %add3A_1328 = vector.broadcast %add3A_1327 : f32 to vector<256x1xf32>
    %add3A_1329 = arith.addf %sub3A_1326, %add3A_1328 : vector<256x1xf32>
    %max3A_1330 = arith.constant 0.000000e+00 : f32
    %max3A_1331 = vector.broadcast %max3A_1330 : f32 to vector<256x1xf32>
    %max3A_1332 = arith.maximumf %add3A_1329, %max3A_1331 : vector<256x1xf32>
    %mul3A_1333 = arith.mulf %max3A_1332, %max3A_1332 : vector<256x1xf32>
    %reduce_sum3A_1334 = vector.shape_cast %mul3A_1333 : vector<256x1xf32> to vector<1x256x1xf32>
    %reduce_sum3A_1335 = arith.constant dense<0.000000e+00> : vector<1xf32>
    %reduce_sum3A_1336 = vector.multi_reduction <add>, %reduce_sum3A_1334, %reduce_sum3A_1335 [1, 2] : vector<1x256x1xf32> to vector<1xf32>
    %reduce_sum3A_1337 = vector.shape_cast %reduce_sum3A_1336 : vector<1xf32> to vector<1x1x1xf32>
    %reduce_sum3A_1338 = vector.extract %reduce_sum3A_1337[0, 0, 0] : f32 from vector<1x1x1xf32>
    %add3A_1339 = arith.addf %add3A_1309, %reduce_sum3A_1338 : f32
    %reduce_min3A_1340 = arith.constant dense<0x7F800000> : vector<256xf32>
    %reduce_min3A_1341 = vector.multi_reduction <minimumf>, %select_n3A_1325, %reduce_min3A_1340 [1] : vector<256x1024xf32> to vector<256xf32>
    %broadcast_in_dim3A_1342 = vector.shape_cast %reduce_min3A_1341 : vector<256xf32> to vector<256x1xf32>
    %eq3A_1343 = vector.broadcast %broadcast_in_dim3A_1342 : vector<256x1xf32> to vector<256x1024xf32>
    %eq3A_1344 = arith.cmpf oeq, %select_n3A_1325, %eq3A_1343 : vector<256x1024xf32>
    %jit3A_1345 = arith.constant 1.024000e+03 : f32
    %broadcast_in_dim3A_1346 = vector.broadcast %jit3A_1345 : f32 to vector<256x1024xf32>
    %select_n3A_1347 = arith.select %eq3A_1344, %convert_element_type3A, %broadcast_in_dim3A_1346 : vector<256x1024xi1>, vector<256x1024xf32>
    %reduce_min3A_1348 = arith.constant dense<0x7F800000> : vector<256xf32>
    %reduce_min3A_1349 = vector.multi_reduction <minimumf>, %select_n3A_1347, %reduce_min3A_1348 [1] : vector<256x1024xf32> to vector<256xf32>
    %broadcast_in_dim3A_1350 = vector.shape_cast %reduce_min3A_1349 : vector<256xf32> to vector<256x1xf32>
    %eq3A_1351 = vector.broadcast %broadcast_in_dim3A_1350 : vector<256x1xf32> to vector<256x1024xf32>
    %eq3A_1352 = arith.cmpf oeq, %convert_element_type3A, %eq3A_1351 : vector<256x1024xf32>
    %jit3A_1353 = arith.constant 1.000000e+30 : f32
    %broadcast_in_dim3A_1354 = vector.broadcast %jit3A_1353 : f32 to vector<256x1024xf32>
    %select_n3A_1355 = arith.select %eq3A_1352, %broadcast_in_dim3A_1354, %select_n3A_1325 : vector<256x1024xi1>, vector<256x1024xf32>
    %sub3A_1356 = arith.subf %sub3A_1207, %broadcast_in_dim3A_1342 : vector<256x1xf32>
    %add3A_1357 = arith.constant 1.000000e+00 : f32
    %add3A_1358 = vector.broadcast %add3A_1357 : f32 to vector<256x1xf32>
    %add3A_1359 = arith.addf %sub3A_1356, %add3A_1358 : vector<256x1xf32>
    %max3A_1360 = arith.constant 0.000000e+00 : f32
    %max3A_1361 = vector.broadcast %max3A_1360 : f32 to vector<256x1xf32>
    %max3A_1362 = arith.maximumf %add3A_1359, %max3A_1361 : vector<256x1xf32>
    %mul3A_1363 = arith.mulf %max3A_1362, %max3A_1362 : vector<256x1xf32>
    %reduce_sum3A_1364 = vector.shape_cast %mul3A_1363 : vector<256x1xf32> to vector<1x256x1xf32>
    %reduce_sum3A_1365 = arith.constant dense<0.000000e+00> : vector<1xf32>
    %reduce_sum3A_1366 = vector.multi_reduction <add>, %reduce_sum3A_1364, %reduce_sum3A_1365 [1, 2] : vector<1x256x1xf32> to vector<1xf32>
    %reduce_sum3A_1367 = vector.shape_cast %reduce_sum3A_1366 : vector<1xf32> to vector<1x1x1xf32>
    %reduce_sum3A_1368 = vector.extract %reduce_sum3A_1367[0, 0, 0] : f32 from vector<1x1x1xf32>
    %add3A_1369 = arith.addf %add3A_1339, %reduce_sum3A_1368 : f32
    %reduce_min3A_1370 = arith.constant dense<0x7F800000> : vector<256xf32>
    %reduce_min3A_1371 = vector.multi_reduction <minimumf>, %select_n3A_1355, %reduce_min3A_1370 [1] : vector<256x1024xf32> to vector<256xf32>
    %broadcast_in_dim3A_1372 = vector.shape_cast %reduce_min3A_1371 : vector<256xf32> to vector<256x1xf32>
    %eq3A_1373 = vector.broadcast %broadcast_in_dim3A_1372 : vector<256x1xf32> to vector<256x1024xf32>
    %eq3A_1374 = arith.cmpf oeq, %select_n3A_1355, %eq3A_1373 : vector<256x1024xf32>
    %jit3A_1375 = arith.constant 1.024000e+03 : f32
    %broadcast_in_dim3A_1376 = vector.broadcast %jit3A_1375 : f32 to vector<256x1024xf32>
    %select_n3A_1377 = arith.select %eq3A_1374, %convert_element_type3A, %broadcast_in_dim3A_1376 : vector<256x1024xi1>, vector<256x1024xf32>
    %reduce_min3A_1378 = arith.constant dense<0x7F800000> : vector<256xf32>
    %reduce_min3A_1379 = vector.multi_reduction <minimumf>, %select_n3A_1377, %reduce_min3A_1378 [1] : vector<256x1024xf32> to vector<256xf32>
    %broadcast_in_dim3A_1380 = vector.shape_cast %reduce_min3A_1379 : vector<256xf32> to vector<256x1xf32>
    %eq3A_1381 = vector.broadcast %broadcast_in_dim3A_1380 : vector<256x1xf32> to vector<256x1024xf32>
    %eq3A_1382 = arith.cmpf oeq, %convert_element_type3A, %eq3A_1381 : vector<256x1024xf32>
    %jit3A_1383 = arith.constant 1.000000e+30 : f32
    %broadcast_in_dim3A_1384 = vector.broadcast %jit3A_1383 : f32 to vector<256x1024xf32>
    %select_n3A_1385 = arith.select %eq3A_1382, %broadcast_in_dim3A_1384, %select_n3A_1355 : vector<256x1024xi1>, vector<256x1024xf32>
    %sub3A_1386 = arith.subf %sub3A_1207, %broadcast_in_dim3A_1372 : vector<256x1xf32>
    %add3A_1387 = arith.constant 1.000000e+00 : f32
    %add3A_1388 = vector.broadcast %add3A_1387 : f32 to vector<256x1xf32>
    %add3A_1389 = arith.addf %sub3A_1386, %add3A_1388 : vector<256x1xf32>
    %max3A_1390 = arith.constant 0.000000e+00 : f32
    %max3A_1391 = vector.broadcast %max3A_1390 : f32 to vector<256x1xf32>
    %max3A_1392 = arith.maximumf %add3A_1389, %max3A_1391 : vector<256x1xf32>
    %mul3A_1393 = arith.mulf %max3A_1392, %max3A_1392 : vector<256x1xf32>
    %reduce_sum3A_1394 = vector.shape_cast %mul3A_1393 : vector<256x1xf32> to vector<1x256x1xf32>
    %reduce_sum3A_1395 = arith.constant dense<0.000000e+00> : vector<1xf32>
    %reduce_sum3A_1396 = vector.multi_reduction <add>, %reduce_sum3A_1394, %reduce_sum3A_1395 [1, 2] : vector<1x256x1xf32> to vector<1xf32>
    %reduce_sum3A_1397 = vector.shape_cast %reduce_sum3A_1396 : vector<1xf32> to vector<1x1x1xf32>
    %reduce_sum3A_1398 = vector.extract %reduce_sum3A_1397[0, 0, 0] : f32 from vector<1x1x1xf32>
    %add3A_1399 = arith.addf %add3A_1369, %reduce_sum3A_1398 : f32
    %reduce_min3A_1400 = arith.constant dense<0x7F800000> : vector<256xf32>
    %reduce_min3A_1401 = vector.multi_reduction <minimumf>, %select_n3A_1385, %reduce_min3A_1400 [1] : vector<256x1024xf32> to vector<256xf32>
    %broadcast_in_dim3A_1402 = vector.shape_cast %reduce_min3A_1401 : vector<256xf32> to vector<256x1xf32>
    %eq3A_1403 = vector.broadcast %broadcast_in_dim3A_1402 : vector<256x1xf32> to vector<256x1024xf32>
    %eq3A_1404 = arith.cmpf oeq, %select_n3A_1385, %eq3A_1403 : vector<256x1024xf32>
    %jit3A_1405 = arith.constant 1.024000e+03 : f32
    %broadcast_in_dim3A_1406 = vector.broadcast %jit3A_1405 : f32 to vector<256x1024xf32>
    %select_n3A_1407 = arith.select %eq3A_1404, %convert_element_type3A, %broadcast_in_dim3A_1406 : vector<256x1024xi1>, vector<256x1024xf32>
    %reduce_min3A_1408 = arith.constant dense<0x7F800000> : vector<256xf32>
    %reduce_min3A_1409 = vector.multi_reduction <minimumf>, %select_n3A_1407, %reduce_min3A_1408 [1] : vector<256x1024xf32> to vector<256xf32>
    %broadcast_in_dim3A_1410 = vector.shape_cast %reduce_min3A_1409 : vector<256xf32> to vector<256x1xf32>
    %eq3A_1411 = vector.broadcast %broadcast_in_dim3A_1410 : vector<256x1xf32> to vector<256x1024xf32>
    %eq3A_1412 = arith.cmpf oeq, %convert_element_type3A, %eq3A_1411 : vector<256x1024xf32>
    %jit3A_1413 = arith.constant 1.000000e+30 : f32
    %broadcast_in_dim3A_1414 = vector.broadcast %jit3A_1413 : f32 to vector<256x1024xf32>
    %select_n3A_1415 = arith.select %eq3A_1412, %broadcast_in_dim3A_1414, %select_n3A_1385 : vector<256x1024xi1>, vector<256x1024xf32>
    %sub3A_1416 = arith.subf %sub3A_1207, %broadcast_in_dim3A_1402 : vector<256x1xf32>
    %add3A_1417 = arith.constant 1.000000e+00 : f32
    %add3A_1418 = vector.broadcast %add3A_1417 : f32 to vector<256x1xf32>
    %add3A_1419 = arith.addf %sub3A_1416, %add3A_1418 : vector<256x1xf32>
    %max3A_1420 = arith.constant 0.000000e+00 : f32
    %max3A_1421 = vector.broadcast %max3A_1420 : f32 to vector<256x1xf32>
    %max3A_1422 = arith.maximumf %add3A_1419, %max3A_1421 : vector<256x1xf32>
    %mul3A_1423 = arith.mulf %max3A_1422, %max3A_1422 : vector<256x1xf32>
    %reduce_sum3A_1424 = vector.shape_cast %mul3A_1423 : vector<256x1xf32> to vector<1x256x1xf32>
    %reduce_sum3A_1425 = arith.constant dense<0.000000e+00> : vector<1xf32>
    %reduce_sum3A_1426 = vector.multi_reduction <add>, %reduce_sum3A_1424, %reduce_sum3A_1425 [1, 2] : vector<1x256x1xf32> to vector<1xf32>
    %reduce_sum3A_1427 = vector.shape_cast %reduce_sum3A_1426 : vector<1xf32> to vector<1x1x1xf32>
    %reduce_sum3A_1428 = vector.extract %reduce_sum3A_1427[0, 0, 0] : f32 from vector<1x1x1xf32>
    %add3A_1429 = arith.addf %add3A_1399, %reduce_sum3A_1428 : f32
    %reduce_min3A_1430 = arith.constant dense<0x7F800000> : vector<256xf32>
    %reduce_min3A_1431 = vector.multi_reduction <minimumf>, %select_n3A_1415, %reduce_min3A_1430 [1] : vector<256x1024xf32> to vector<256xf32>
    %broadcast_in_dim3A_1432 = vector.shape_cast %reduce_min3A_1431 : vector<256xf32> to vector<256x1xf32>
    %eq3A_1433 = vector.broadcast %broadcast_in_dim3A_1432 : vector<256x1xf32> to vector<256x1024xf32>
    %eq3A_1434 = arith.cmpf oeq, %select_n3A_1415, %eq3A_1433 : vector<256x1024xf32>
    %jit3A_1435 = arith.constant 1.024000e+03 : f32
    %broadcast_in_dim3A_1436 = vector.broadcast %jit3A_1435 : f32 to vector<256x1024xf32>
    %select_n3A_1437 = arith.select %eq3A_1434, %convert_element_type3A, %broadcast_in_dim3A_1436 : vector<256x1024xi1>, vector<256x1024xf32>
    %reduce_min3A_1438 = arith.constant dense<0x7F800000> : vector<256xf32>
    %reduce_min3A_1439 = vector.multi_reduction <minimumf>, %select_n3A_1437, %reduce_min3A_1438 [1] : vector<256x1024xf32> to vector<256xf32>
    %broadcast_in_dim3A_1440 = vector.shape_cast %reduce_min3A_1439 : vector<256xf32> to vector<256x1xf32>
    %eq3A_1441 = vector.broadcast %broadcast_in_dim3A_1440 : vector<256x1xf32> to vector<256x1024xf32>
    %eq3A_1442 = arith.cmpf oeq, %convert_element_type3A, %eq3A_1441 : vector<256x1024xf32>
    %jit3A_1443 = arith.constant 1.000000e+30 : f32
    %broadcast_in_dim3A_1444 = vector.broadcast %jit3A_1443 : f32 to vector<256x1024xf32>
    %select_n3A_1445 = arith.select %eq3A_1442, %broadcast_in_dim3A_1444, %select_n3A_1415 : vector<256x1024xi1>, vector<256x1024xf32>
    %sub3A_1446 = arith.subf %sub3A_1207, %broadcast_in_dim3A_1432 : vector<256x1xf32>
    %add3A_1447 = arith.constant 1.000000e+00 : f32
    %add3A_1448 = vector.broadcast %add3A_1447 : f32 to vector<256x1xf32>
    %add3A_1449 = arith.addf %sub3A_1446, %add3A_1448 : vector<256x1xf32>
    %max3A_1450 = arith.constant 0.000000e+00 : f32
    %max3A_1451 = vector.broadcast %max3A_1450 : f32 to vector<256x1xf32>
    %max3A_1452 = arith.maximumf %add3A_1449, %max3A_1451 : vector<256x1xf32>
    %mul3A_1453 = arith.mulf %max3A_1452, %max3A_1452 : vector<256x1xf32>
    %reduce_sum3A_1454 = vector.shape_cast %mul3A_1453 : vector<256x1xf32> to vector<1x256x1xf32>
    %reduce_sum3A_1455 = arith.constant dense<0.000000e+00> : vector<1xf32>
    %reduce_sum3A_1456 = vector.multi_reduction <add>, %reduce_sum3A_1454, %reduce_sum3A_1455 [1, 2] : vector<1x256x1xf32> to vector<1xf32>
    %reduce_sum3A_1457 = vector.shape_cast %reduce_sum3A_1456 : vector<1xf32> to vector<1x1x1xf32>
    %reduce_sum3A_1458 = vector.extract %reduce_sum3A_1457[0, 0, 0] : f32 from vector<1x1x1xf32>
    %add3A_1459 = arith.addf %add3A_1429, %reduce_sum3A_1458 : f32
    %reduce_min3A_1460 = arith.constant dense<0x7F800000> : vector<256xf32>
    %reduce_min3A_1461 = vector.multi_reduction <minimumf>, %select_n3A_1445, %reduce_min3A_1460 [1] : vector<256x1024xf32> to vector<256xf32>
    %broadcast_in_dim3A_1462 = vector.shape_cast %reduce_min3A_1461 : vector<256xf32> to vector<256x1xf32>
    %eq3A_1463 = vector.broadcast %broadcast_in_dim3A_1462 : vector<256x1xf32> to vector<256x1024xf32>
    %eq3A_1464 = arith.cmpf oeq, %select_n3A_1445, %eq3A_1463 : vector<256x1024xf32>
    %jit3A_1465 = arith.constant 1.024000e+03 : f32
    %broadcast_in_dim3A_1466 = vector.broadcast %jit3A_1465 : f32 to vector<256x1024xf32>
    %select_n3A_1467 = arith.select %eq3A_1464, %convert_element_type3A, %broadcast_in_dim3A_1466 : vector<256x1024xi1>, vector<256x1024xf32>
    %reduce_min3A_1468 = arith.constant dense<0x7F800000> : vector<256xf32>
    %reduce_min3A_1469 = vector.multi_reduction <minimumf>, %select_n3A_1467, %reduce_min3A_1468 [1] : vector<256x1024xf32> to vector<256xf32>
    %broadcast_in_dim3A_1470 = vector.shape_cast %reduce_min3A_1469 : vector<256xf32> to vector<256x1xf32>
    %eq3A_1471 = vector.broadcast %broadcast_in_dim3A_1470 : vector<256x1xf32> to vector<256x1024xf32>
    %eq3A_1472 = arith.cmpf oeq, %convert_element_type3A, %eq3A_1471 : vector<256x1024xf32>
    %jit3A_1473 = arith.constant 1.000000e+30 : f32
    %broadcast_in_dim3A_1474 = vector.broadcast %jit3A_1473 : f32 to vector<256x1024xf32>
    %select_n3A_1475 = arith.select %eq3A_1472, %broadcast_in_dim3A_1474, %select_n3A_1445 : vector<256x1024xi1>, vector<256x1024xf32>
    %sub3A_1476 = arith.subf %sub3A_1207, %broadcast_in_dim3A_1462 : vector<256x1xf32>
    %add3A_1477 = arith.constant 1.000000e+00 : f32
    %add3A_1478 = vector.broadcast %add3A_1477 : f32 to vector<256x1xf32>
    %add3A_1479 = arith.addf %sub3A_1476, %add3A_1478 : vector<256x1xf32>
    %max3A_1480 = arith.constant 0.000000e+00 : f32
    %max3A_1481 = vector.broadcast %max3A_1480 : f32 to vector<256x1xf32>
    %max3A_1482 = arith.maximumf %add3A_1479, %max3A_1481 : vector<256x1xf32>
    %mul3A_1483 = arith.mulf %max3A_1482, %max3A_1482 : vector<256x1xf32>
    %reduce_sum3A_1484 = vector.shape_cast %mul3A_1483 : vector<256x1xf32> to vector<1x256x1xf32>
    %reduce_sum3A_1485 = arith.constant dense<0.000000e+00> : vector<1xf32>
    %reduce_sum3A_1486 = vector.multi_reduction <add>, %reduce_sum3A_1484, %reduce_sum3A_1485 [1, 2] : vector<1x256x1xf32> to vector<1xf32>
    %reduce_sum3A_1487 = vector.shape_cast %reduce_sum3A_1486 : vector<1xf32> to vector<1x1x1xf32>
    %reduce_sum3A_1488 = vector.extract %reduce_sum3A_1487[0, 0, 0] : f32 from vector<1x1x1xf32>
    %add3A_1489 = arith.addf %add3A_1459, %reduce_sum3A_1488 : f32
    %reduce_min3A_1490 = arith.constant dense<0x7F800000> : vector<256xf32>
    %reduce_min3A_1491 = vector.multi_reduction <minimumf>, %select_n3A_1475, %reduce_min3A_1490 [1] : vector<256x1024xf32> to vector<256xf32>
    %broadcast_in_dim3A_1492 = vector.shape_cast %reduce_min3A_1491 : vector<256xf32> to vector<256x1xf32>
    %eq3A_1493 = vector.broadcast %broadcast_in_dim3A_1492 : vector<256x1xf32> to vector<256x1024xf32>
    %eq3A_1494 = arith.cmpf oeq, %select_n3A_1475, %eq3A_1493 : vector<256x1024xf32>
    %jit3A_1495 = arith.constant 1.024000e+03 : f32
    %broadcast_in_dim3A_1496 = vector.broadcast %jit3A_1495 : f32 to vector<256x1024xf32>
    %select_n3A_1497 = arith.select %eq3A_1494, %convert_element_type3A, %broadcast_in_dim3A_1496 : vector<256x1024xi1>, vector<256x1024xf32>
    %reduce_min3A_1498 = arith.constant dense<0x7F800000> : vector<256xf32>
    %reduce_min3A_1499 = vector.multi_reduction <minimumf>, %select_n3A_1497, %reduce_min3A_1498 [1] : vector<256x1024xf32> to vector<256xf32>
    %broadcast_in_dim3A_1500 = vector.shape_cast %reduce_min3A_1499 : vector<256xf32> to vector<256x1xf32>
    %eq3A_1501 = vector.broadcast %broadcast_in_dim3A_1500 : vector<256x1xf32> to vector<256x1024xf32>
    %eq3A_1502 = arith.cmpf oeq, %convert_element_type3A, %eq3A_1501 : vector<256x1024xf32>
    %jit3A_1503 = arith.constant 1.000000e+30 : f32
    %broadcast_in_dim3A_1504 = vector.broadcast %jit3A_1503 : f32 to vector<256x1024xf32>
    %select_n3A_1505 = arith.select %eq3A_1502, %broadcast_in_dim3A_1504, %select_n3A_1475 : vector<256x1024xi1>, vector<256x1024xf32>
    %sub3A_1506 = arith.subf %sub3A_1207, %broadcast_in_dim3A_1492 : vector<256x1xf32>
    %add3A_1507 = arith.constant 1.000000e+00 : f32
    %add3A_1508 = vector.broadcast %add3A_1507 : f32 to vector<256x1xf32>
    %add3A_1509 = arith.addf %sub3A_1506, %add3A_1508 : vector<256x1xf32>
    %max3A_1510 = arith.constant 0.000000e+00 : f32
    %max3A_1511 = vector.broadcast %max3A_1510 : f32 to vector<256x1xf32>
    %max3A_1512 = arith.maximumf %add3A_1509, %max3A_1511 : vector<256x1xf32>
    %mul3A_1513 = arith.mulf %max3A_1512, %max3A_1512 : vector<256x1xf32>
    %reduce_sum3A_1514 = vector.shape_cast %mul3A_1513 : vector<256x1xf32> to vector<1x256x1xf32>
    %reduce_sum3A_1515 = arith.constant dense<0.000000e+00> : vector<1xf32>
    %reduce_sum3A_1516 = vector.multi_reduction <add>, %reduce_sum3A_1514, %reduce_sum3A_1515 [1, 2] : vector<1x256x1xf32> to vector<1xf32>
    %reduce_sum3A_1517 = vector.shape_cast %reduce_sum3A_1516 : vector<1xf32> to vector<1x1x1xf32>
    %reduce_sum3A_1518 = vector.extract %reduce_sum3A_1517[0, 0, 0] : f32 from vector<1x1x1xf32>
    %add3A_1519 = arith.addf %add3A_1489, %reduce_sum3A_1518 : f32
    %reduce_min3A_1520 = arith.constant dense<0x7F800000> : vector<256xf32>
    %reduce_min3A_1521 = vector.multi_reduction <minimumf>, %select_n3A_1505, %reduce_min3A_1520 [1] : vector<256x1024xf32> to vector<256xf32>
    %broadcast_in_dim3A_1522 = vector.shape_cast %reduce_min3A_1521 : vector<256xf32> to vector<256x1xf32>
    %eq3A_1523 = vector.broadcast %broadcast_in_dim3A_1522 : vector<256x1xf32> to vector<256x1024xf32>
    %eq3A_1524 = arith.cmpf oeq, %select_n3A_1505, %eq3A_1523 : vector<256x1024xf32>
    %jit3A_1525 = arith.constant 1.024000e+03 : f32
    %broadcast_in_dim3A_1526 = vector.broadcast %jit3A_1525 : f32 to vector<256x1024xf32>
    %select_n3A_1527 = arith.select %eq3A_1524, %convert_element_type3A, %broadcast_in_dim3A_1526 : vector<256x1024xi1>, vector<256x1024xf32>
    %reduce_min3A_1528 = arith.constant dense<0x7F800000> : vector<256xf32>
    %reduce_min3A_1529 = vector.multi_reduction <minimumf>, %select_n3A_1527, %reduce_min3A_1528 [1] : vector<256x1024xf32> to vector<256xf32>
    %broadcast_in_dim3A_1530 = vector.shape_cast %reduce_min3A_1529 : vector<256xf32> to vector<256x1xf32>
    %eq3A_1531 = vector.broadcast %broadcast_in_dim3A_1530 : vector<256x1xf32> to vector<256x1024xf32>
    %eq3A_1532 = arith.cmpf oeq, %convert_element_type3A, %eq3A_1531 : vector<256x1024xf32>
    %jit3A_1533 = arith.constant 1.000000e+30 : f32
    %broadcast_in_dim3A_1534 = vector.broadcast %jit3A_1533 : f32 to vector<256x1024xf32>
    %select_n3A_1535 = arith.select %eq3A_1532, %broadcast_in_dim3A_1534, %select_n3A_1505 : vector<256x1024xi1>, vector<256x1024xf32>
    %sub3A_1536 = arith.subf %sub3A_1207, %broadcast_in_dim3A_1522 : vector<256x1xf32>
    %add3A_1537 = arith.constant 1.000000e+00 : f32
    %add3A_1538 = vector.broadcast %add3A_1537 : f32 to vector<256x1xf32>
    %add3A_1539 = arith.addf %sub3A_1536, %add3A_1538 : vector<256x1xf32>
    %max3A_1540 = arith.constant 0.000000e+00 : f32
    %max3A_1541 = vector.broadcast %max3A_1540 : f32 to vector<256x1xf32>
    %max3A_1542 = arith.maximumf %add3A_1539, %max3A_1541 : vector<256x1xf32>
    %mul3A_1543 = arith.mulf %max3A_1542, %max3A_1542 : vector<256x1xf32>
    %reduce_sum3A_1544 = vector.shape_cast %mul3A_1543 : vector<256x1xf32> to vector<1x256x1xf32>
    %reduce_sum3A_1545 = arith.constant dense<0.000000e+00> : vector<1xf32>
    %reduce_sum3A_1546 = vector.multi_reduction <add>, %reduce_sum3A_1544, %reduce_sum3A_1545 [1, 2] : vector<1x256x1xf32> to vector<1xf32>
    %reduce_sum3A_1547 = vector.shape_cast %reduce_sum3A_1546 : vector<1xf32> to vector<1x1x1xf32>
    %reduce_sum3A_1548 = vector.extract %reduce_sum3A_1547[0, 0, 0] : f32 from vector<1x1x1xf32>
    %add3A_1549 = arith.addf %add3A_1519, %reduce_sum3A_1548 : f32
    %reduce_min3A_1550 = arith.constant dense<0x7F800000> : vector<256xf32>
    %reduce_min3A_1551 = vector.multi_reduction <minimumf>, %select_n3A_1535, %reduce_min3A_1550 [1] : vector<256x1024xf32> to vector<256xf32>
    %broadcast_in_dim3A_1552 = vector.shape_cast %reduce_min3A_1551 : vector<256xf32> to vector<256x1xf32>
    %eq3A_1553 = vector.broadcast %broadcast_in_dim3A_1552 : vector<256x1xf32> to vector<256x1024xf32>
    %eq3A_1554 = arith.cmpf oeq, %select_n3A_1535, %eq3A_1553 : vector<256x1024xf32>
    %jit3A_1555 = arith.constant 1.024000e+03 : f32
    %broadcast_in_dim3A_1556 = vector.broadcast %jit3A_1555 : f32 to vector<256x1024xf32>
    %select_n3A_1557 = arith.select %eq3A_1554, %convert_element_type3A, %broadcast_in_dim3A_1556 : vector<256x1024xi1>, vector<256x1024xf32>
    %reduce_min3A_1558 = arith.constant dense<0x7F800000> : vector<256xf32>
    %reduce_min3A_1559 = vector.multi_reduction <minimumf>, %select_n3A_1557, %reduce_min3A_1558 [1] : vector<256x1024xf32> to vector<256xf32>
    %broadcast_in_dim3A_1560 = vector.shape_cast %reduce_min3A_1559 : vector<256xf32> to vector<256x1xf32>
    %eq3A_1561 = vector.broadcast %broadcast_in_dim3A_1560 : vector<256x1xf32> to vector<256x1024xf32>
    %eq3A_1562 = arith.cmpf oeq, %convert_element_type3A, %eq3A_1561 : vector<256x1024xf32>
    %jit3A_1563 = arith.constant 1.000000e+30 : f32
    %broadcast_in_dim3A_1564 = vector.broadcast %jit3A_1563 : f32 to vector<256x1024xf32>
    %select_n3A_1565 = arith.select %eq3A_1562, %broadcast_in_dim3A_1564, %select_n3A_1535 : vector<256x1024xi1>, vector<256x1024xf32>
    %sub3A_1566 = arith.subf %sub3A_1207, %broadcast_in_dim3A_1552 : vector<256x1xf32>
    %add3A_1567 = arith.constant 1.000000e+00 : f32
    %add3A_1568 = vector.broadcast %add3A_1567 : f32 to vector<256x1xf32>
    %add3A_1569 = arith.addf %sub3A_1566, %add3A_1568 : vector<256x1xf32>
    %max3A_1570 = arith.constant 0.000000e+00 : f32
    %max3A_1571 = vector.broadcast %max3A_1570 : f32 to vector<256x1xf32>
    %max3A_1572 = arith.maximumf %add3A_1569, %max3A_1571 : vector<256x1xf32>
    %mul3A_1573 = arith.mulf %max3A_1572, %max3A_1572 : vector<256x1xf32>
    %reduce_sum3A_1574 = vector.shape_cast %mul3A_1573 : vector<256x1xf32> to vector<1x256x1xf32>
    %reduce_sum3A_1575 = arith.constant dense<0.000000e+00> : vector<1xf32>
    %reduce_sum3A_1576 = vector.multi_reduction <add>, %reduce_sum3A_1574, %reduce_sum3A_1575 [1, 2] : vector<1x256x1xf32> to vector<1xf32>
    %reduce_sum3A_1577 = vector.shape_cast %reduce_sum3A_1576 : vector<1xf32> to vector<1x1x1xf32>
    %reduce_sum3A_1578 = vector.extract %reduce_sum3A_1577[0, 0, 0] : f32 from vector<1x1x1xf32>
    %add3A_1579 = arith.addf %add3A_1549, %reduce_sum3A_1578 : f32
    %reduce_min3A_1580 = arith.constant dense<0x7F800000> : vector<256xf32>
    %reduce_min3A_1581 = vector.multi_reduction <minimumf>, %select_n3A_1565, %reduce_min3A_1580 [1] : vector<256x1024xf32> to vector<256xf32>
    %broadcast_in_dim3A_1582 = vector.shape_cast %reduce_min3A_1581 : vector<256xf32> to vector<256x1xf32>
    %eq3A_1583 = vector.broadcast %broadcast_in_dim3A_1582 : vector<256x1xf32> to vector<256x1024xf32>
    %eq3A_1584 = arith.cmpf oeq, %select_n3A_1565, %eq3A_1583 : vector<256x1024xf32>
    %jit3A_1585 = arith.constant 1.024000e+03 : f32
    %broadcast_in_dim3A_1586 = vector.broadcast %jit3A_1585 : f32 to vector<256x1024xf32>
    %select_n3A_1587 = arith.select %eq3A_1584, %convert_element_type3A, %broadcast_in_dim3A_1586 : vector<256x1024xi1>, vector<256x1024xf32>
    %reduce_min3A_1588 = arith.constant dense<0x7F800000> : vector<256xf32>
    %reduce_min3A_1589 = vector.multi_reduction <minimumf>, %select_n3A_1587, %reduce_min3A_1588 [1] : vector<256x1024xf32> to vector<256xf32>
    %broadcast_in_dim3A_1590 = vector.shape_cast %reduce_min3A_1589 : vector<256xf32> to vector<256x1xf32>
    %eq3A_1591 = vector.broadcast %broadcast_in_dim3A_1590 : vector<256x1xf32> to vector<256x1024xf32>
    %eq3A_1592 = arith.cmpf oeq, %convert_element_type3A, %eq3A_1591 : vector<256x1024xf32>
    %jit3A_1593 = arith.constant 1.000000e+30 : f32
    %broadcast_in_dim3A_1594 = vector.broadcast %jit3A_1593 : f32 to vector<256x1024xf32>
    %select_n3A_1595 = arith.select %eq3A_1592, %broadcast_in_dim3A_1594, %select_n3A_1565 : vector<256x1024xi1>, vector<256x1024xf32>
    %sub3A_1596 = arith.subf %sub3A_1207, %broadcast_in_dim3A_1582 : vector<256x1xf32>
    %add3A_1597 = arith.constant 1.000000e+00 : f32
    %add3A_1598 = vector.broadcast %add3A_1597 : f32 to vector<256x1xf32>
    %add3A_1599 = arith.addf %sub3A_1596, %add3A_1598 : vector<256x1xf32>
    %max3A_1600 = arith.constant 0.000000e+00 : f32
    %max3A_1601 = vector.broadcast %max3A_1600 : f32 to vector<256x1xf32>
    %max3A_1602 = arith.maximumf %add3A_1599, %max3A_1601 : vector<256x1xf32>
    %mul3A_1603 = arith.mulf %max3A_1602, %max3A_1602 : vector<256x1xf32>
    %reduce_sum3A_1604 = vector.shape_cast %mul3A_1603 : vector<256x1xf32> to vector<1x256x1xf32>
    %reduce_sum3A_1605 = arith.constant dense<0.000000e+00> : vector<1xf32>
    %reduce_sum3A_1606 = vector.multi_reduction <add>, %reduce_sum3A_1604, %reduce_sum3A_1605 [1, 2] : vector<1x256x1xf32> to vector<1xf32>
    %reduce_sum3A_1607 = vector.shape_cast %reduce_sum3A_1606 : vector<1xf32> to vector<1x1x1xf32>
    %reduce_sum3A_1608 = vector.extract %reduce_sum3A_1607[0, 0, 0] : f32 from vector<1x1x1xf32>
    %add3A_1609 = arith.addf %add3A_1579, %reduce_sum3A_1608 : f32
    %reduce_min3A_1610 = arith.constant dense<0x7F800000> : vector<256xf32>
    %reduce_min3A_1611 = vector.multi_reduction <minimumf>, %select_n3A_1595, %reduce_min3A_1610 [1] : vector<256x1024xf32> to vector<256xf32>
    %broadcast_in_dim3A_1612 = vector.shape_cast %reduce_min3A_1611 : vector<256xf32> to vector<256x1xf32>
    %eq3A_1613 = vector.broadcast %broadcast_in_dim3A_1612 : vector<256x1xf32> to vector<256x1024xf32>
    %eq3A_1614 = arith.cmpf oeq, %select_n3A_1595, %eq3A_1613 : vector<256x1024xf32>
    %jit3A_1615 = arith.constant 1.024000e+03 : f32
    %broadcast_in_dim3A_1616 = vector.broadcast %jit3A_1615 : f32 to vector<256x1024xf32>
    %select_n3A_1617 = arith.select %eq3A_1614, %convert_element_type3A, %broadcast_in_dim3A_1616 : vector<256x1024xi1>, vector<256x1024xf32>
    %reduce_min3A_1618 = arith.constant dense<0x7F800000> : vector<256xf32>
    %reduce_min3A_1619 = vector.multi_reduction <minimumf>, %select_n3A_1617, %reduce_min3A_1618 [1] : vector<256x1024xf32> to vector<256xf32>
    %broadcast_in_dim3A_1620 = vector.shape_cast %reduce_min3A_1619 : vector<256xf32> to vector<256x1xf32>
    %eq3A_1621 = vector.broadcast %broadcast_in_dim3A_1620 : vector<256x1xf32> to vector<256x1024xf32>
    %eq3A_1622 = arith.cmpf oeq, %convert_element_type3A, %eq3A_1621 : vector<256x1024xf32>
    %jit3A_1623 = arith.constant 1.000000e+30 : f32
    %broadcast_in_dim3A_1624 = vector.broadcast %jit3A_1623 : f32 to vector<256x1024xf32>
    %select_n3A_1625 = arith.select %eq3A_1622, %broadcast_in_dim3A_1624, %select_n3A_1595 : vector<256x1024xi1>, vector<256x1024xf32>
    %sub3A_1626 = arith.subf %sub3A_1207, %broadcast_in_dim3A_1612 : vector<256x1xf32>
    %add3A_1627 = arith.constant 1.000000e+00 : f32
    %add3A_1628 = vector.broadcast %add3A_1627 : f32 to vector<256x1xf32>
    %add3A_1629 = arith.addf %sub3A_1626, %add3A_1628 : vector<256x1xf32>
    %max3A_1630 = arith.constant 0.000000e+00 : f32
    %max3A_1631 = vector.broadcast %max3A_1630 : f32 to vector<256x1xf32>
    %max3A_1632 = arith.maximumf %add3A_1629, %max3A_1631 : vector<256x1xf32>
    %mul3A_1633 = arith.mulf %max3A_1632, %max3A_1632 : vector<256x1xf32>
    %reduce_sum3A_1634 = vector.shape_cast %mul3A_1633 : vector<256x1xf32> to vector<1x256x1xf32>
    %reduce_sum3A_1635 = arith.constant dense<0.000000e+00> : vector<1xf32>
    %reduce_sum3A_1636 = vector.multi_reduction <add>, %reduce_sum3A_1634, %reduce_sum3A_1635 [1, 2] : vector<1x256x1xf32> to vector<1xf32>
    %reduce_sum3A_1637 = vector.shape_cast %reduce_sum3A_1636 : vector<1xf32> to vector<1x1x1xf32>
    %reduce_sum3A_1638 = vector.extract %reduce_sum3A_1637[0, 0, 0] : f32 from vector<1x1x1xf32>
    %add3A_1639 = arith.addf %add3A_1609, %reduce_sum3A_1638 : f32
    %reduce_min3A_1640 = arith.constant dense<0x7F800000> : vector<256xf32>
    %reduce_min3A_1641 = vector.multi_reduction <minimumf>, %select_n3A_1625, %reduce_min3A_1640 [1] : vector<256x1024xf32> to vector<256xf32>
    %broadcast_in_dim3A_1642 = vector.shape_cast %reduce_min3A_1641 : vector<256xf32> to vector<256x1xf32>
    %eq3A_1643 = vector.broadcast %broadcast_in_dim3A_1642 : vector<256x1xf32> to vector<256x1024xf32>
    %eq3A_1644 = arith.cmpf oeq, %select_n3A_1625, %eq3A_1643 : vector<256x1024xf32>
    %jit3A_1645 = arith.constant 1.024000e+03 : f32
    %broadcast_in_dim3A_1646 = vector.broadcast %jit3A_1645 : f32 to vector<256x1024xf32>
    %select_n3A_1647 = arith.select %eq3A_1644, %convert_element_type3A, %broadcast_in_dim3A_1646 : vector<256x1024xi1>, vector<256x1024xf32>
    %reduce_min3A_1648 = arith.constant dense<0x7F800000> : vector<256xf32>
    %reduce_min3A_1649 = vector.multi_reduction <minimumf>, %select_n3A_1647, %reduce_min3A_1648 [1] : vector<256x1024xf32> to vector<256xf32>
    %broadcast_in_dim3A_1650 = vector.shape_cast %reduce_min3A_1649 : vector<256xf32> to vector<256x1xf32>
    %eq3A_1651 = vector.broadcast %broadcast_in_dim3A_1650 : vector<256x1xf32> to vector<256x1024xf32>
    %eq3A_1652 = arith.cmpf oeq, %convert_element_type3A, %eq3A_1651 : vector<256x1024xf32>
    %jit3A_1653 = arith.constant 1.000000e+30 : f32
    %broadcast_in_dim3A_1654 = vector.broadcast %jit3A_1653 : f32 to vector<256x1024xf32>
    %select_n3A_1655 = arith.select %eq3A_1652, %broadcast_in_dim3A_1654, %select_n3A_1625 : vector<256x1024xi1>, vector<256x1024xf32>
    %sub3A_1656 = arith.subf %sub3A_1207, %broadcast_in_dim3A_1642 : vector<256x1xf32>
    %add3A_1657 = arith.constant 1.000000e+00 : f32
    %add3A_1658 = vector.broadcast %add3A_1657 : f32 to vector<256x1xf32>
    %add3A_1659 = arith.addf %sub3A_1656, %add3A_1658 : vector<256x1xf32>
    %max3A_1660 = arith.constant 0.000000e+00 : f32
    %max3A_1661 = vector.broadcast %max3A_1660 : f32 to vector<256x1xf32>
    %max3A_1662 = arith.maximumf %add3A_1659, %max3A_1661 : vector<256x1xf32>
    %mul3A_1663 = arith.mulf %max3A_1662, %max3A_1662 : vector<256x1xf32>
    %reduce_sum3A_1664 = vector.shape_cast %mul3A_1663 : vector<256x1xf32> to vector<1x256x1xf32>
    %reduce_sum3A_1665 = arith.constant dense<0.000000e+00> : vector<1xf32>
    %reduce_sum3A_1666 = vector.multi_reduction <add>, %reduce_sum3A_1664, %reduce_sum3A_1665 [1, 2] : vector<1x256x1xf32> to vector<1xf32>
    %reduce_sum3A_1667 = vector.shape_cast %reduce_sum3A_1666 : vector<1xf32> to vector<1x1x1xf32>
    %reduce_sum3A_1668 = vector.extract %reduce_sum3A_1667[0, 0, 0] : f32 from vector<1x1x1xf32>
    %add3A_1669 = arith.addf %add3A_1639, %reduce_sum3A_1668 : f32
    %reduce_min3A_1670 = arith.constant dense<0x7F800000> : vector<256xf32>
    %reduce_min3A_1671 = vector.multi_reduction <minimumf>, %select_n3A_1655, %reduce_min3A_1670 [1] : vector<256x1024xf32> to vector<256xf32>
    %broadcast_in_dim3A_1672 = vector.shape_cast %reduce_min3A_1671 : vector<256xf32> to vector<256x1xf32>
    %sub3A_1673 = arith.subf %sub3A_1207, %broadcast_in_dim3A_1672 : vector<256x1xf32>
    %add3A_1674 = arith.constant 1.000000e+00 : f32
    %add3A_1675 = vector.broadcast %add3A_1674 : f32 to vector<256x1xf32>
    %add3A_1676 = arith.addf %sub3A_1673, %add3A_1675 : vector<256x1xf32>
    %max3A_1677 = arith.constant 0.000000e+00 : f32
    %max3A_1678 = vector.broadcast %max3A_1677 : f32 to vector<256x1xf32>
    %max3A_1679 = arith.maximumf %add3A_1676, %max3A_1678 : vector<256x1xf32>
    %mul3A_1680 = arith.mulf %max3A_1679, %max3A_1679 : vector<256x1xf32>
    %reduce_sum3A_1681 = vector.shape_cast %mul3A_1680 : vector<256x1xf32> to vector<1x256x1xf32>
    %reduce_sum3A_1682 = arith.constant dense<0.000000e+00> : vector<1xf32>
    %reduce_sum3A_1683 = vector.multi_reduction <add>, %reduce_sum3A_1681, %reduce_sum3A_1682 [1, 2] : vector<1x256x1xf32> to vector<1xf32>
    %reduce_sum3A_1684 = vector.shape_cast %reduce_sum3A_1683 : vector<1xf32> to vector<1x1x1xf32>
    %reduce_sum3A_1685 = vector.extract %reduce_sum3A_1684[0, 0, 0] : f32 from vector<1x1x1xf32>
    %add3A_1686 = arith.addf %add3A_1669, %reduce_sum3A_1685 : f32
    %dot_general3A_1687 = arith.constant dense<0.000000e+00> : vector<256x256xf32>
    %dot_general3A_1688 = tpu.matmul %add3A_312, %add3A_312, %dot_general3A_1687 {dimension_numbers = #tpu.dot_dimension_numbers<[1], [1], [0], [0], [0, 0, 1, 0], [], []>, transpose_lhs_hint = false} : vector<256x1024xf32>, vector<256x1024xf32>, vector<256x256xf32> -> vector<256x256xf32>
    %dot_general3A_1689 = arith.constant dense<0.000000e+00> : vector<256x256xf32>
    %dot_general3A_1690 = tpu.matmul %add3A_1184, %add3A_331, %dot_general3A_1689 {dimension_numbers = #tpu.dot_dimension_numbers<[1], [1], [0], [0], [0, 0, 1, 0], [], []>, transpose_lhs_hint = false} : vector<256x1024xf32>, vector<256x1024xf32>, vector<256x256xf32> -> vector<256x256xf32>
    %dot_general3A_1691 = arith.constant dense<0.000000e+00> : vector<256x256xf32>
    %dot_general3A_1692 = tpu.matmul %get3A_3, %get3A_3, %dot_general3A_1691 {dimension_numbers = #tpu.dot_dimension_numbers<[1], [1], [0], [0], [0, 0, 1, 0], [], []>, transpose_lhs_hint = false} : vector<256x256xf32>, vector<256x256xf32>, vector<256x256xf32> -> vector<256x256xf32>
    %mul3A_1693 = arith.constant 2.000000e+00 : f32
    %mul3A_1694 = vector.broadcast %mul3A_1693 : f32 to vector<256x256xf32>
    %mul3A_1695 = arith.mulf %mul3A_1694, %dot_general3A_1692 : vector<256x256xf32>
    %sub3A_1696 = arith.constant 2.000000e+00 : f32
    %sub3A_1697 = vector.broadcast %sub3A_1696 : f32 to vector<256x256xf32>
    %sub3A_1698 = arith.subf %sub3A_1697, %mul3A_1695 : vector<256x256xf32>
    %dot_general3A_1699 = arith.constant dense<0.000000e+00> : vector<256x256xf32>
    %dot_general3A_1700 = tpu.matmul %mul3A_1197, %mul3A_1197, %dot_general3A_1699 {dimension_numbers = #tpu.dot_dimension_numbers<[1], [1], [0], [0], [0, 0, 1, 0], [], []>, transpose_lhs_hint = false} : vector<256x256xf32>, vector<256x256xf32>, vector<256x256xf32> -> vector<256x256xf32>
    %mul3A_1701 = arith.constant 2.000000e+00 : f32
    %mul3A_1702 = vector.broadcast %mul3A_1701 : f32 to vector<256x256xf32>
    %mul3A_1703 = arith.mulf %mul3A_1702, %dot_general3A_1700 : vector<256x256xf32>
    %sub3A_1704 = arith.constant 2.000000e+00 : f32
    %sub3A_1705 = vector.broadcast %sub3A_1704 : f32 to vector<256x256xf32>
    %sub3A_1706 = arith.subf %sub3A_1705, %mul3A_1703 : vector<256x256xf32>
    %mul3A_1707 = arith.constant 5.000000e+00 : f32
    %mul3A_1708 = vector.broadcast %mul3A_1707 : f32 to vector<256x256xf32>
    %mul3A_1709 = arith.mulf %mul3A_1708, %dot_general3A_1688 : vector<256x256xf32>
    %add3A_1710 = arith.addf %sub3A_1698, %mul3A_1709 : vector<256x256xf32>
    %mul3A_1711 = arith.constant 5.000000e+00 : f32
    %mul3A_1712 = vector.broadcast %mul3A_1711 : f32 to vector<256x256xf32>
    %mul3A_1713 = arith.mulf %mul3A_1712, %dot_general3A_1690 : vector<256x256xf32>
    %add3A_1714 = arith.addf %sub3A_1706, %mul3A_1713 : vector<256x256xf32>
    %iota3A_1715 = tpu.iota {dimensions = array<i32: 1>} : vector<256x256xi32>
    %convert_element_type3A_1716 = arith.sitofp %iota3A_1715 : vector<256x256xi32> to vector<256x256xf32>
    %broadcast_in_dim3A_1717 = arith.constant 0.000000e+00 : f32
    %broadcast_in_dim3A_1718 = vector.broadcast %broadcast_in_dim3A_1717 : f32 to vector<256x1xf32>
    %reduce_min3A_1719 = arith.constant dense<0x7F800000> : vector<256xf32>
    %reduce_min3A_1720 = vector.multi_reduction <minimumf>, %add3A_1710, %reduce_min3A_1719 [1] : vector<256x256xf32> to vector<256xf32>
    %broadcast_in_dim3A_1721 = vector.shape_cast %reduce_min3A_1720 : vector<256xf32> to vector<256x1xf32>
    %eq3A_1722 = vector.broadcast %broadcast_in_dim3A_1721 : vector<256x1xf32> to vector<256x256xf32>
    %eq3A_1723 = arith.cmpf oeq, %add3A_1710, %eq3A_1722 : vector<256x256xf32>
    %jit3A_1724 = arith.constant 2.560000e+02 : f32
    %broadcast_in_dim3A_1725 = vector.broadcast %jit3A_1724 : f32 to vector<256x256xf32>
    %select_n3A_1726 = arith.select %eq3A_1723, %convert_element_type3A_1716, %broadcast_in_dim3A_1725 : vector<256x256xi1>, vector<256x256xf32>
    %reduce_min3A_1727 = arith.constant dense<0x7F800000> : vector<256xf32>
    %reduce_min3A_1728 = vector.multi_reduction <minimumf>, %select_n3A_1726, %reduce_min3A_1727 [1] : vector<256x256xf32> to vector<256xf32>
    %broadcast_in_dim3A_1729 = vector.shape_cast %reduce_min3A_1728 : vector<256xf32> to vector<256x1xf32>
    %eq3A_1730 = vector.broadcast %broadcast_in_dim3A_1729 : vector<256x1xf32> to vector<256x256xf32>
    %eq3A_1731 = arith.cmpf oeq, %convert_element_type3A_1716, %eq3A_1730 : vector<256x256xf32>
    %jit3A_1732 = arith.constant 0.000000e+00 : f32
    %broadcast_in_dim3A_1733 = vector.broadcast %jit3A_1732 : f32 to vector<256x256xf32>
    %select_n3A_1734 = arith.select %eq3A_1731, %sub3A_1698, %broadcast_in_dim3A_1733 : vector<256x256xi1>, vector<256x256xf32>
    %reduce_sum3A_1735 = arith.constant dense<0.000000e+00> : vector<256xf32>
    %reduce_sum3A_1736 = vector.multi_reduction <add>, %select_n3A_1734, %reduce_sum3A_1735 [1] : vector<256x256xf32> to vector<256xf32>
    %broadcast_in_dim3A_1737 = vector.shape_cast %reduce_sum3A_1736 : vector<256xf32> to vector<256x1xf32>
    %jit3A_1738 = arith.constant 1.000000e+30 : f32
    %broadcast_in_dim3A_1739 = vector.broadcast %jit3A_1738 : f32 to vector<256x256xf32>
    %select_n3A_1740 = arith.select %eq3A_1731, %broadcast_in_dim3A_1739, %add3A_1710 : vector<256x256xi1>, vector<256x256xf32>
    %reduce_min3A_1741 = arith.constant dense<0x7F800000> : vector<256xf32>
    %reduce_min3A_1742 = vector.multi_reduction <minimumf>, %add3A_1714, %reduce_min3A_1741 [1] : vector<256x256xf32> to vector<256xf32>
    %broadcast_in_dim3A_1743 = vector.shape_cast %reduce_min3A_1742 : vector<256xf32> to vector<256x1xf32>
    %eq3A_1744 = vector.broadcast %broadcast_in_dim3A_1743 : vector<256x1xf32> to vector<256x256xf32>
    %eq3A_1745 = arith.cmpf oeq, %add3A_1714, %eq3A_1744 : vector<256x256xf32>
    %jit3A_1746 = arith.constant 2.560000e+02 : f32
    %broadcast_in_dim3A_1747 = vector.broadcast %jit3A_1746 : f32 to vector<256x256xf32>
    %select_n3A_1748 = arith.select %eq3A_1745, %convert_element_type3A_1716, %broadcast_in_dim3A_1747 : vector<256x256xi1>, vector<256x256xf32>
    %reduce_min3A_1749 = arith.constant dense<0x7F800000> : vector<256xf32>
    %reduce_min3A_1750 = vector.multi_reduction <minimumf>, %select_n3A_1748, %reduce_min3A_1749 [1] : vector<256x256xf32> to vector<256xf32>
    %broadcast_in_dim3A_1751 = vector.shape_cast %reduce_min3A_1750 : vector<256xf32> to vector<256x1xf32>
    %eq3A_1752 = vector.broadcast %broadcast_in_dim3A_1751 : vector<256x1xf32> to vector<256x256xf32>
    %eq3A_1753 = arith.cmpf oeq, %convert_element_type3A_1716, %eq3A_1752 : vector<256x256xf32>
    %jit3A_1754 = arith.constant 0.000000e+00 : f32
    %broadcast_in_dim3A_1755 = vector.broadcast %jit3A_1754 : f32 to vector<256x256xf32>
    %select_n3A_1756 = arith.select %eq3A_1753, %sub3A_1706, %broadcast_in_dim3A_1755 : vector<256x256xi1>, vector<256x256xf32>
    %reduce_sum3A_1757 = arith.constant dense<0.000000e+00> : vector<256xf32>
    %reduce_sum3A_1758 = vector.multi_reduction <add>, %select_n3A_1756, %reduce_sum3A_1757 [1] : vector<256x256xf32> to vector<256xf32>
    %broadcast_in_dim3A_1759 = vector.shape_cast %reduce_sum3A_1758 : vector<256xf32> to vector<256x1xf32>
    %jit3A_1760 = arith.constant 1.000000e+30 : f32
    %broadcast_in_dim3A_1761 = vector.broadcast %jit3A_1760 : f32 to vector<256x256xf32>
    %select_n3A_1762 = arith.select %eq3A_1753, %broadcast_in_dim3A_1761, %add3A_1714 : vector<256x256xi1>, vector<256x256xf32>
    %sub3A_1763 = arith.subf %broadcast_in_dim3A_1737, %broadcast_in_dim3A_1759 : vector<256x1xf32>
    %mul3A_1764 = arith.mulf %sub3A_1763, %sub3A_1763 : vector<256x1xf32>
    %add3A_1765 = arith.addf %broadcast_in_dim3A_1718, %mul3A_1764 : vector<256x1xf32>
    %reduce_min3A_1766 = arith.constant dense<0x7F800000> : vector<256xf32>
    %reduce_min3A_1767 = vector.multi_reduction <minimumf>, %select_n3A_1740, %reduce_min3A_1766 [1] : vector<256x256xf32> to vector<256xf32>
    %broadcast_in_dim3A_1768 = vector.shape_cast %reduce_min3A_1767 : vector<256xf32> to vector<256x1xf32>
    %eq3A_1769 = vector.broadcast %broadcast_in_dim3A_1768 : vector<256x1xf32> to vector<256x256xf32>
    %eq3A_1770 = arith.cmpf oeq, %select_n3A_1740, %eq3A_1769 : vector<256x256xf32>
    %jit3A_1771 = arith.constant 2.560000e+02 : f32
    %broadcast_in_dim3A_1772 = vector.broadcast %jit3A_1771 : f32 to vector<256x256xf32>
    %select_n3A_1773 = arith.select %eq3A_1770, %convert_element_type3A_1716, %broadcast_in_dim3A_1772 : vector<256x256xi1>, vector<256x256xf32>
    %reduce_min3A_1774 = arith.constant dense<0x7F800000> : vector<256xf32>
    %reduce_min3A_1775 = vector.multi_reduction <minimumf>, %select_n3A_1773, %reduce_min3A_1774 [1] : vector<256x256xf32> to vector<256xf32>
    %broadcast_in_dim3A_1776 = vector.shape_cast %reduce_min3A_1775 : vector<256xf32> to vector<256x1xf32>
    %eq3A_1777 = vector.broadcast %broadcast_in_dim3A_1776 : vector<256x1xf32> to vector<256x256xf32>
    %eq3A_1778 = arith.cmpf oeq, %convert_element_type3A_1716, %eq3A_1777 : vector<256x256xf32>
    %jit3A_1779 = arith.constant 0.000000e+00 : f32
    %broadcast_in_dim3A_1780 = vector.broadcast %jit3A_1779 : f32 to vector<256x256xf32>
    %select_n3A_1781 = arith.select %eq3A_1778, %sub3A_1698, %broadcast_in_dim3A_1780 : vector<256x256xi1>, vector<256x256xf32>
    %reduce_sum3A_1782 = arith.constant dense<0.000000e+00> : vector<256xf32>
    %reduce_sum3A_1783 = vector.multi_reduction <add>, %select_n3A_1781, %reduce_sum3A_1782 [1] : vector<256x256xf32> to vector<256xf32>
    %broadcast_in_dim3A_1784 = vector.shape_cast %reduce_sum3A_1783 : vector<256xf32> to vector<256x1xf32>
    %jit3A_1785 = arith.constant 1.000000e+30 : f32
    %broadcast_in_dim3A_1786 = vector.broadcast %jit3A_1785 : f32 to vector<256x256xf32>
    %select_n3A_1787 = arith.select %eq3A_1778, %broadcast_in_dim3A_1786, %select_n3A_1740 : vector<256x256xi1>, vector<256x256xf32>
    %reduce_min3A_1788 = arith.constant dense<0x7F800000> : vector<256xf32>
    %reduce_min3A_1789 = vector.multi_reduction <minimumf>, %select_n3A_1762, %reduce_min3A_1788 [1] : vector<256x256xf32> to vector<256xf32>
    %broadcast_in_dim3A_1790 = vector.shape_cast %reduce_min3A_1789 : vector<256xf32> to vector<256x1xf32>
    %eq3A_1791 = vector.broadcast %broadcast_in_dim3A_1790 : vector<256x1xf32> to vector<256x256xf32>
    %eq3A_1792 = arith.cmpf oeq, %select_n3A_1762, %eq3A_1791 : vector<256x256xf32>
    %jit3A_1793 = arith.constant 2.560000e+02 : f32
    %broadcast_in_dim3A_1794 = vector.broadcast %jit3A_1793 : f32 to vector<256x256xf32>
    %select_n3A_1795 = arith.select %eq3A_1792, %convert_element_type3A_1716, %broadcast_in_dim3A_1794 : vector<256x256xi1>, vector<256x256xf32>
    %reduce_min3A_1796 = arith.constant dense<0x7F800000> : vector<256xf32>
    %reduce_min3A_1797 = vector.multi_reduction <minimumf>, %select_n3A_1795, %reduce_min3A_1796 [1] : vector<256x256xf32> to vector<256xf32>
    %broadcast_in_dim3A_1798 = vector.shape_cast %reduce_min3A_1797 : vector<256xf32> to vector<256x1xf32>
    %eq3A_1799 = vector.broadcast %broadcast_in_dim3A_1798 : vector<256x1xf32> to vector<256x256xf32>
    %eq3A_1800 = arith.cmpf oeq, %convert_element_type3A_1716, %eq3A_1799 : vector<256x256xf32>
    %jit3A_1801 = arith.constant 0.000000e+00 : f32
    %broadcast_in_dim3A_1802 = vector.broadcast %jit3A_1801 : f32 to vector<256x256xf32>
    %select_n3A_1803 = arith.select %eq3A_1800, %sub3A_1706, %broadcast_in_dim3A_1802 : vector<256x256xi1>, vector<256x256xf32>
    %reduce_sum3A_1804 = arith.constant dense<0.000000e+00> : vector<256xf32>
    %reduce_sum3A_1805 = vector.multi_reduction <add>, %select_n3A_1803, %reduce_sum3A_1804 [1] : vector<256x256xf32> to vector<256xf32>
    %broadcast_in_dim3A_1806 = vector.shape_cast %reduce_sum3A_1805 : vector<256xf32> to vector<256x1xf32>
    %jit3A_1807 = arith.constant 1.000000e+30 : f32
    %broadcast_in_dim3A_1808 = vector.broadcast %jit3A_1807 : f32 to vector<256x256xf32>
    %select_n3A_1809 = arith.select %eq3A_1800, %broadcast_in_dim3A_1808, %select_n3A_1762 : vector<256x256xi1>, vector<256x256xf32>
    %sub3A_1810 = arith.subf %broadcast_in_dim3A_1784, %broadcast_in_dim3A_1806 : vector<256x1xf32>
    %mul3A_1811 = arith.mulf %sub3A_1810, %sub3A_1810 : vector<256x1xf32>
    %add3A_1812 = arith.addf %add3A_1765, %mul3A_1811 : vector<256x1xf32>
    %reduce_min3A_1813 = arith.constant dense<0x7F800000> : vector<256xf32>
    %reduce_min3A_1814 = vector.multi_reduction <minimumf>, %select_n3A_1787, %reduce_min3A_1813 [1] : vector<256x256xf32> to vector<256xf32>
    %broadcast_in_dim3A_1815 = vector.shape_cast %reduce_min3A_1814 : vector<256xf32> to vector<256x1xf32>
    %eq3A_1816 = vector.broadcast %broadcast_in_dim3A_1815 : vector<256x1xf32> to vector<256x256xf32>
    %eq3A_1817 = arith.cmpf oeq, %select_n3A_1787, %eq3A_1816 : vector<256x256xf32>
    %jit3A_1818 = arith.constant 2.560000e+02 : f32
    %broadcast_in_dim3A_1819 = vector.broadcast %jit3A_1818 : f32 to vector<256x256xf32>
    %select_n3A_1820 = arith.select %eq3A_1817, %convert_element_type3A_1716, %broadcast_in_dim3A_1819 : vector<256x256xi1>, vector<256x256xf32>
    %reduce_min3A_1821 = arith.constant dense<0x7F800000> : vector<256xf32>
    %reduce_min3A_1822 = vector.multi_reduction <minimumf>, %select_n3A_1820, %reduce_min3A_1821 [1] : vector<256x256xf32> to vector<256xf32>
    %broadcast_in_dim3A_1823 = vector.shape_cast %reduce_min3A_1822 : vector<256xf32> to vector<256x1xf32>
    %eq3A_1824 = vector.broadcast %broadcast_in_dim3A_1823 : vector<256x1xf32> to vector<256x256xf32>
    %eq3A_1825 = arith.cmpf oeq, %convert_element_type3A_1716, %eq3A_1824 : vector<256x256xf32>
    %jit3A_1826 = arith.constant 0.000000e+00 : f32
    %broadcast_in_dim3A_1827 = vector.broadcast %jit3A_1826 : f32 to vector<256x256xf32>
    %select_n3A_1828 = arith.select %eq3A_1825, %sub3A_1698, %broadcast_in_dim3A_1827 : vector<256x256xi1>, vector<256x256xf32>
    %reduce_sum3A_1829 = arith.constant dense<0.000000e+00> : vector<256xf32>
    %reduce_sum3A_1830 = vector.multi_reduction <add>, %select_n3A_1828, %reduce_sum3A_1829 [1] : vector<256x256xf32> to vector<256xf32>
    %broadcast_in_dim3A_1831 = vector.shape_cast %reduce_sum3A_1830 : vector<256xf32> to vector<256x1xf32>
    %jit3A_1832 = arith.constant 1.000000e+30 : f32
    %broadcast_in_dim3A_1833 = vector.broadcast %jit3A_1832 : f32 to vector<256x256xf32>
    %select_n3A_1834 = arith.select %eq3A_1825, %broadcast_in_dim3A_1833, %select_n3A_1787 : vector<256x256xi1>, vector<256x256xf32>
    %reduce_min3A_1835 = arith.constant dense<0x7F800000> : vector<256xf32>
    %reduce_min3A_1836 = vector.multi_reduction <minimumf>, %select_n3A_1809, %reduce_min3A_1835 [1] : vector<256x256xf32> to vector<256xf32>
    %broadcast_in_dim3A_1837 = vector.shape_cast %reduce_min3A_1836 : vector<256xf32> to vector<256x1xf32>
    %eq3A_1838 = vector.broadcast %broadcast_in_dim3A_1837 : vector<256x1xf32> to vector<256x256xf32>
    %eq3A_1839 = arith.cmpf oeq, %select_n3A_1809, %eq3A_1838 : vector<256x256xf32>
    %jit3A_1840 = arith.constant 2.560000e+02 : f32
    %broadcast_in_dim3A_1841 = vector.broadcast %jit3A_1840 : f32 to vector<256x256xf32>
    %select_n3A_1842 = arith.select %eq3A_1839, %convert_element_type3A_1716, %broadcast_in_dim3A_1841 : vector<256x256xi1>, vector<256x256xf32>
    %reduce_min3A_1843 = arith.constant dense<0x7F800000> : vector<256xf32>
    %reduce_min3A_1844 = vector.multi_reduction <minimumf>, %select_n3A_1842, %reduce_min3A_1843 [1] : vector<256x256xf32> to vector<256xf32>
    %broadcast_in_dim3A_1845 = vector.shape_cast %reduce_min3A_1844 : vector<256xf32> to vector<256x1xf32>
    %eq3A_1846 = vector.broadcast %broadcast_in_dim3A_1845 : vector<256x1xf32> to vector<256x256xf32>
    %eq3A_1847 = arith.cmpf oeq, %convert_element_type3A_1716, %eq3A_1846 : vector<256x256xf32>
    %jit3A_1848 = arith.constant 0.000000e+00 : f32
    %broadcast_in_dim3A_1849 = vector.broadcast %jit3A_1848 : f32 to vector<256x256xf32>
    %select_n3A_1850 = arith.select %eq3A_1847, %sub3A_1706, %broadcast_in_dim3A_1849 : vector<256x256xi1>, vector<256x256xf32>
    %reduce_sum3A_1851 = arith.constant dense<0.000000e+00> : vector<256xf32>
    %reduce_sum3A_1852 = vector.multi_reduction <add>, %select_n3A_1850, %reduce_sum3A_1851 [1] : vector<256x256xf32> to vector<256xf32>
    %broadcast_in_dim3A_1853 = vector.shape_cast %reduce_sum3A_1852 : vector<256xf32> to vector<256x1xf32>
    %jit3A_1854 = arith.constant 1.000000e+30 : f32
    %broadcast_in_dim3A_1855 = vector.broadcast %jit3A_1854 : f32 to vector<256x256xf32>
    %select_n3A_1856 = arith.select %eq3A_1847, %broadcast_in_dim3A_1855, %select_n3A_1809 : vector<256x256xi1>, vector<256x256xf32>
    %sub3A_1857 = arith.subf %broadcast_in_dim3A_1831, %broadcast_in_dim3A_1853 : vector<256x1xf32>
    %mul3A_1858 = arith.mulf %sub3A_1857, %sub3A_1857 : vector<256x1xf32>
    %add3A_1859 = arith.addf %add3A_1812, %mul3A_1858 : vector<256x1xf32>
    %reduce_min3A_1860 = arith.constant dense<0x7F800000> : vector<256xf32>
    %reduce_min3A_1861 = vector.multi_reduction <minimumf>, %select_n3A_1834, %reduce_min3A_1860 [1] : vector<256x256xf32> to vector<256xf32>
    %broadcast_in_dim3A_1862 = vector.shape_cast %reduce_min3A_1861 : vector<256xf32> to vector<256x1xf32>
    %eq3A_1863 = vector.broadcast %broadcast_in_dim3A_1862 : vector<256x1xf32> to vector<256x256xf32>
    %eq3A_1864 = arith.cmpf oeq, %select_n3A_1834, %eq3A_1863 : vector<256x256xf32>
    %jit3A_1865 = arith.constant 2.560000e+02 : f32
    %broadcast_in_dim3A_1866 = vector.broadcast %jit3A_1865 : f32 to vector<256x256xf32>
    %select_n3A_1867 = arith.select %eq3A_1864, %convert_element_type3A_1716, %broadcast_in_dim3A_1866 : vector<256x256xi1>, vector<256x256xf32>
    %reduce_min3A_1868 = arith.constant dense<0x7F800000> : vector<256xf32>
    %reduce_min3A_1869 = vector.multi_reduction <minimumf>, %select_n3A_1867, %reduce_min3A_1868 [1] : vector<256x256xf32> to vector<256xf32>
    %broadcast_in_dim3A_1870 = vector.shape_cast %reduce_min3A_1869 : vector<256xf32> to vector<256x1xf32>
    %eq3A_1871 = vector.broadcast %broadcast_in_dim3A_1870 : vector<256x1xf32> to vector<256x256xf32>
    %eq3A_1872 = arith.cmpf oeq, %convert_element_type3A_1716, %eq3A_1871 : vector<256x256xf32>
    %jit3A_1873 = arith.constant 0.000000e+00 : f32
    %broadcast_in_dim3A_1874 = vector.broadcast %jit3A_1873 : f32 to vector<256x256xf32>
    %select_n3A_1875 = arith.select %eq3A_1872, %sub3A_1698, %broadcast_in_dim3A_1874 : vector<256x256xi1>, vector<256x256xf32>
    %reduce_sum3A_1876 = arith.constant dense<0.000000e+00> : vector<256xf32>
    %reduce_sum3A_1877 = vector.multi_reduction <add>, %select_n3A_1875, %reduce_sum3A_1876 [1] : vector<256x256xf32> to vector<256xf32>
    %broadcast_in_dim3A_1878 = vector.shape_cast %reduce_sum3A_1877 : vector<256xf32> to vector<256x1xf32>
    %jit3A_1879 = arith.constant 1.000000e+30 : f32
    %broadcast_in_dim3A_1880 = vector.broadcast %jit3A_1879 : f32 to vector<256x256xf32>
    %select_n3A_1881 = arith.select %eq3A_1872, %broadcast_in_dim3A_1880, %select_n3A_1834 : vector<256x256xi1>, vector<256x256xf32>
    %reduce_min3A_1882 = arith.constant dense<0x7F800000> : vector<256xf32>
    %reduce_min3A_1883 = vector.multi_reduction <minimumf>, %select_n3A_1856, %reduce_min3A_1882 [1] : vector<256x256xf32> to vector<256xf32>
    %broadcast_in_dim3A_1884 = vector.shape_cast %reduce_min3A_1883 : vector<256xf32> to vector<256x1xf32>
    %eq3A_1885 = vector.broadcast %broadcast_in_dim3A_1884 : vector<256x1xf32> to vector<256x256xf32>
    %eq3A_1886 = arith.cmpf oeq, %select_n3A_1856, %eq3A_1885 : vector<256x256xf32>
    %jit3A_1887 = arith.constant 2.560000e+02 : f32
    %broadcast_in_dim3A_1888 = vector.broadcast %jit3A_1887 : f32 to vector<256x256xf32>
    %select_n3A_1889 = arith.select %eq3A_1886, %convert_element_type3A_1716, %broadcast_in_dim3A_1888 : vector<256x256xi1>, vector<256x256xf32>
    %reduce_min3A_1890 = arith.constant dense<0x7F800000> : vector<256xf32>
    %reduce_min3A_1891 = vector.multi_reduction <minimumf>, %select_n3A_1889, %reduce_min3A_1890 [1] : vector<256x256xf32> to vector<256xf32>
    %broadcast_in_dim3A_1892 = vector.shape_cast %reduce_min3A_1891 : vector<256xf32> to vector<256x1xf32>
    %eq3A_1893 = vector.broadcast %broadcast_in_dim3A_1892 : vector<256x1xf32> to vector<256x256xf32>
    %eq3A_1894 = arith.cmpf oeq, %convert_element_type3A_1716, %eq3A_1893 : vector<256x256xf32>
    %jit3A_1895 = arith.constant 0.000000e+00 : f32
    %broadcast_in_dim3A_1896 = vector.broadcast %jit3A_1895 : f32 to vector<256x256xf32>
    %select_n3A_1897 = arith.select %eq3A_1894, %sub3A_1706, %broadcast_in_dim3A_1896 : vector<256x256xi1>, vector<256x256xf32>
    %reduce_sum3A_1898 = arith.constant dense<0.000000e+00> : vector<256xf32>
    %reduce_sum3A_1899 = vector.multi_reduction <add>, %select_n3A_1897, %reduce_sum3A_1898 [1] : vector<256x256xf32> to vector<256xf32>
    %broadcast_in_dim3A_1900 = vector.shape_cast %reduce_sum3A_1899 : vector<256xf32> to vector<256x1xf32>
    %jit3A_1901 = arith.constant 1.000000e+30 : f32
    %broadcast_in_dim3A_1902 = vector.broadcast %jit3A_1901 : f32 to vector<256x256xf32>
    %select_n3A_1903 = arith.select %eq3A_1894, %broadcast_in_dim3A_1902, %select_n3A_1856 : vector<256x256xi1>, vector<256x256xf32>
    %sub3A_1904 = arith.subf %broadcast_in_dim3A_1878, %broadcast_in_dim3A_1900 : vector<256x1xf32>
    %mul3A_1905 = arith.mulf %sub3A_1904, %sub3A_1904 : vector<256x1xf32>
    %add3A_1906 = arith.addf %add3A_1859, %mul3A_1905 : vector<256x1xf32>
    %reduce_min3A_1907 = arith.constant dense<0x7F800000> : vector<256xf32>
    %reduce_min3A_1908 = vector.multi_reduction <minimumf>, %select_n3A_1881, %reduce_min3A_1907 [1] : vector<256x256xf32> to vector<256xf32>
    %broadcast_in_dim3A_1909 = vector.shape_cast %reduce_min3A_1908 : vector<256xf32> to vector<256x1xf32>
    %eq3A_1910 = vector.broadcast %broadcast_in_dim3A_1909 : vector<256x1xf32> to vector<256x256xf32>
    %eq3A_1911 = arith.cmpf oeq, %select_n3A_1881, %eq3A_1910 : vector<256x256xf32>
    %jit3A_1912 = arith.constant 2.560000e+02 : f32
    %broadcast_in_dim3A_1913 = vector.broadcast %jit3A_1912 : f32 to vector<256x256xf32>
    %select_n3A_1914 = arith.select %eq3A_1911, %convert_element_type3A_1716, %broadcast_in_dim3A_1913 : vector<256x256xi1>, vector<256x256xf32>
    %reduce_min3A_1915 = arith.constant dense<0x7F800000> : vector<256xf32>
    %reduce_min3A_1916 = vector.multi_reduction <minimumf>, %select_n3A_1914, %reduce_min3A_1915 [1] : vector<256x256xf32> to vector<256xf32>
    %broadcast_in_dim3A_1917 = vector.shape_cast %reduce_min3A_1916 : vector<256xf32> to vector<256x1xf32>
    %eq3A_1918 = vector.broadcast %broadcast_in_dim3A_1917 : vector<256x1xf32> to vector<256x256xf32>
    %eq3A_1919 = arith.cmpf oeq, %convert_element_type3A_1716, %eq3A_1918 : vector<256x256xf32>
    %jit3A_1920 = arith.constant 0.000000e+00 : f32
    %broadcast_in_dim3A_1921 = vector.broadcast %jit3A_1920 : f32 to vector<256x256xf32>
    %select_n3A_1922 = arith.select %eq3A_1919, %sub3A_1698, %broadcast_in_dim3A_1921 : vector<256x256xi1>, vector<256x256xf32>
    %reduce_sum3A_1923 = arith.constant dense<0.000000e+00> : vector<256xf32>
    %reduce_sum3A_1924 = vector.multi_reduction <add>, %select_n3A_1922, %reduce_sum3A_1923 [1] : vector<256x256xf32> to vector<256xf32>
    %broadcast_in_dim3A_1925 = vector.shape_cast %reduce_sum3A_1924 : vector<256xf32> to vector<256x1xf32>
    %jit3A_1926 = arith.constant 1.000000e+30 : f32
    %broadcast_in_dim3A_1927 = vector.broadcast %jit3A_1926 : f32 to vector<256x256xf32>
    %select_n3A_1928 = arith.select %eq3A_1919, %broadcast_in_dim3A_1927, %select_n3A_1881 : vector<256x256xi1>, vector<256x256xf32>
    %reduce_min3A_1929 = arith.constant dense<0x7F800000> : vector<256xf32>
    %reduce_min3A_1930 = vector.multi_reduction <minimumf>, %select_n3A_1903, %reduce_min3A_1929 [1] : vector<256x256xf32> to vector<256xf32>
    %broadcast_in_dim3A_1931 = vector.shape_cast %reduce_min3A_1930 : vector<256xf32> to vector<256x1xf32>
    %eq3A_1932 = vector.broadcast %broadcast_in_dim3A_1931 : vector<256x1xf32> to vector<256x256xf32>
    %eq3A_1933 = arith.cmpf oeq, %select_n3A_1903, %eq3A_1932 : vector<256x256xf32>
    %jit3A_1934 = arith.constant 2.560000e+02 : f32
    %broadcast_in_dim3A_1935 = vector.broadcast %jit3A_1934 : f32 to vector<256x256xf32>
    %select_n3A_1936 = arith.select %eq3A_1933, %convert_element_type3A_1716, %broadcast_in_dim3A_1935 : vector<256x256xi1>, vector<256x256xf32>
    %reduce_min3A_1937 = arith.constant dense<0x7F800000> : vector<256xf32>
    %reduce_min3A_1938 = vector.multi_reduction <minimumf>, %select_n3A_1936, %reduce_min3A_1937 [1] : vector<256x256xf32> to vector<256xf32>
    %broadcast_in_dim3A_1939 = vector.shape_cast %reduce_min3A_1938 : vector<256xf32> to vector<256x1xf32>
    %eq3A_1940 = vector.broadcast %broadcast_in_dim3A_1939 : vector<256x1xf32> to vector<256x256xf32>
    %eq3A_1941 = arith.cmpf oeq, %convert_element_type3A_1716, %eq3A_1940 : vector<256x256xf32>
    %jit3A_1942 = arith.constant 0.000000e+00 : f32
    %broadcast_in_dim3A_1943 = vector.broadcast %jit3A_1942 : f32 to vector<256x256xf32>
    %select_n3A_1944 = arith.select %eq3A_1941, %sub3A_1706, %broadcast_in_dim3A_1943 : vector<256x256xi1>, vector<256x256xf32>
    %reduce_sum3A_1945 = arith.constant dense<0.000000e+00> : vector<256xf32>
    %reduce_sum3A_1946 = vector.multi_reduction <add>, %select_n3A_1944, %reduce_sum3A_1945 [1] : vector<256x256xf32> to vector<256xf32>
    %broadcast_in_dim3A_1947 = vector.shape_cast %reduce_sum3A_1946 : vector<256xf32> to vector<256x1xf32>
    %jit3A_1948 = arith.constant 1.000000e+30 : f32
    %broadcast_in_dim3A_1949 = vector.broadcast %jit3A_1948 : f32 to vector<256x256xf32>
    %select_n3A_1950 = arith.select %eq3A_1941, %broadcast_in_dim3A_1949, %select_n3A_1903 : vector<256x256xi1>, vector<256x256xf32>
    %sub3A_1951 = arith.subf %broadcast_in_dim3A_1925, %broadcast_in_dim3A_1947 : vector<256x1xf32>
    %mul3A_1952 = arith.mulf %sub3A_1951, %sub3A_1951 : vector<256x1xf32>
    %add3A_1953 = arith.addf %add3A_1906, %mul3A_1952 : vector<256x1xf32>
    %reduce_min3A_1954 = arith.constant dense<0x7F800000> : vector<256xf32>
    %reduce_min3A_1955 = vector.multi_reduction <minimumf>, %select_n3A_1928, %reduce_min3A_1954 [1] : vector<256x256xf32> to vector<256xf32>
    %broadcast_in_dim3A_1956 = vector.shape_cast %reduce_min3A_1955 : vector<256xf32> to vector<256x1xf32>
    %eq3A_1957 = vector.broadcast %broadcast_in_dim3A_1956 : vector<256x1xf32> to vector<256x256xf32>
    %eq3A_1958 = arith.cmpf oeq, %select_n3A_1928, %eq3A_1957 : vector<256x256xf32>
    %jit3A_1959 = arith.constant 2.560000e+02 : f32
    %broadcast_in_dim3A_1960 = vector.broadcast %jit3A_1959 : f32 to vector<256x256xf32>
    %select_n3A_1961 = arith.select %eq3A_1958, %convert_element_type3A_1716, %broadcast_in_dim3A_1960 : vector<256x256xi1>, vector<256x256xf32>
    %reduce_min3A_1962 = arith.constant dense<0x7F800000> : vector<256xf32>
    %reduce_min3A_1963 = vector.multi_reduction <minimumf>, %select_n3A_1961, %reduce_min3A_1962 [1] : vector<256x256xf32> to vector<256xf32>
    %broadcast_in_dim3A_1964 = vector.shape_cast %reduce_min3A_1963 : vector<256xf32> to vector<256x1xf32>
    %eq3A_1965 = vector.broadcast %broadcast_in_dim3A_1964 : vector<256x1xf32> to vector<256x256xf32>
    %eq3A_1966 = arith.cmpf oeq, %convert_element_type3A_1716, %eq3A_1965 : vector<256x256xf32>
    %jit3A_1967 = arith.constant 0.000000e+00 : f32
    %broadcast_in_dim3A_1968 = vector.broadcast %jit3A_1967 : f32 to vector<256x256xf32>
    %select_n3A_1969 = arith.select %eq3A_1966, %sub3A_1698, %broadcast_in_dim3A_1968 : vector<256x256xi1>, vector<256x256xf32>
    %reduce_sum3A_1970 = arith.constant dense<0.000000e+00> : vector<256xf32>
    %reduce_sum3A_1971 = vector.multi_reduction <add>, %select_n3A_1969, %reduce_sum3A_1970 [1] : vector<256x256xf32> to vector<256xf32>
    %broadcast_in_dim3A_1972 = vector.shape_cast %reduce_sum3A_1971 : vector<256xf32> to vector<256x1xf32>
    %jit3A_1973 = arith.constant 1.000000e+30 : f32
    %broadcast_in_dim3A_1974 = vector.broadcast %jit3A_1973 : f32 to vector<256x256xf32>
    %select_n3A_1975 = arith.select %eq3A_1966, %broadcast_in_dim3A_1974, %select_n3A_1928 : vector<256x256xi1>, vector<256x256xf32>
    %reduce_min3A_1976 = arith.constant dense<0x7F800000> : vector<256xf32>
    %reduce_min3A_1977 = vector.multi_reduction <minimumf>, %select_n3A_1950, %reduce_min3A_1976 [1] : vector<256x256xf32> to vector<256xf32>
    %broadcast_in_dim3A_1978 = vector.shape_cast %reduce_min3A_1977 : vector<256xf32> to vector<256x1xf32>
    %eq3A_1979 = vector.broadcast %broadcast_in_dim3A_1978 : vector<256x1xf32> to vector<256x256xf32>
    %eq3A_1980 = arith.cmpf oeq, %select_n3A_1950, %eq3A_1979 : vector<256x256xf32>
    %jit3A_1981 = arith.constant 2.560000e+02 : f32
    %broadcast_in_dim3A_1982 = vector.broadcast %jit3A_1981 : f32 to vector<256x256xf32>
    %select_n3A_1983 = arith.select %eq3A_1980, %convert_element_type3A_1716, %broadcast_in_dim3A_1982 : vector<256x256xi1>, vector<256x256xf32>
    %reduce_min3A_1984 = arith.constant dense<0x7F800000> : vector<256xf32>
    %reduce_min3A_1985 = vector.multi_reduction <minimumf>, %select_n3A_1983, %reduce_min3A_1984 [1] : vector<256x256xf32> to vector<256xf32>
    %broadcast_in_dim3A_1986 = vector.shape_cast %reduce_min3A_1985 : vector<256xf32> to vector<256x1xf32>
    %eq3A_1987 = vector.broadcast %broadcast_in_dim3A_1986 : vector<256x1xf32> to vector<256x256xf32>
    %eq3A_1988 = arith.cmpf oeq, %convert_element_type3A_1716, %eq3A_1987 : vector<256x256xf32>
    %jit3A_1989 = arith.constant 0.000000e+00 : f32
    %broadcast_in_dim3A_1990 = vector.broadcast %jit3A_1989 : f32 to vector<256x256xf32>
    %select_n3A_1991 = arith.select %eq3A_1988, %sub3A_1706, %broadcast_in_dim3A_1990 : vector<256x256xi1>, vector<256x256xf32>
    %reduce_sum3A_1992 = arith.constant dense<0.000000e+00> : vector<256xf32>
    %reduce_sum3A_1993 = vector.multi_reduction <add>, %select_n3A_1991, %reduce_sum3A_1992 [1] : vector<256x256xf32> to vector<256xf32>
    %broadcast_in_dim3A_1994 = vector.shape_cast %reduce_sum3A_1993 : vector<256xf32> to vector<256x1xf32>
    %jit3A_1995 = arith.constant 1.000000e+30 : f32
    %broadcast_in_dim3A_1996 = vector.broadcast %jit3A_1995 : f32 to vector<256x256xf32>
    %select_n3A_1997 = arith.select %eq3A_1988, %broadcast_in_dim3A_1996, %select_n3A_1950 : vector<256x256xi1>, vector<256x256xf32>
    %sub3A_1998 = arith.subf %broadcast_in_dim3A_1972, %broadcast_in_dim3A_1994 : vector<256x1xf32>
    %mul3A_1999 = arith.mulf %sub3A_1998, %sub3A_1998 : vector<256x1xf32>
    %add3A_2000 = arith.addf %add3A_1953, %mul3A_1999 : vector<256x1xf32>
    %reduce_min3A_2001 = arith.constant dense<0x7F800000> : vector<256xf32>
    %reduce_min3A_2002 = vector.multi_reduction <minimumf>, %select_n3A_1975, %reduce_min3A_2001 [1] : vector<256x256xf32> to vector<256xf32>
    %broadcast_in_dim3A_2003 = vector.shape_cast %reduce_min3A_2002 : vector<256xf32> to vector<256x1xf32>
    %eq3A_2004 = vector.broadcast %broadcast_in_dim3A_2003 : vector<256x1xf32> to vector<256x256xf32>
    %eq3A_2005 = arith.cmpf oeq, %select_n3A_1975, %eq3A_2004 : vector<256x256xf32>
    %jit3A_2006 = arith.constant 2.560000e+02 : f32
    %broadcast_in_dim3A_2007 = vector.broadcast %jit3A_2006 : f32 to vector<256x256xf32>
    %select_n3A_2008 = arith.select %eq3A_2005, %convert_element_type3A_1716, %broadcast_in_dim3A_2007 : vector<256x256xi1>, vector<256x256xf32>
    %reduce_min3A_2009 = arith.constant dense<0x7F800000> : vector<256xf32>
    %reduce_min3A_2010 = vector.multi_reduction <minimumf>, %select_n3A_2008, %reduce_min3A_2009 [1] : vector<256x256xf32> to vector<256xf32>
    %broadcast_in_dim3A_2011 = vector.shape_cast %reduce_min3A_2010 : vector<256xf32> to vector<256x1xf32>
    %eq3A_2012 = vector.broadcast %broadcast_in_dim3A_2011 : vector<256x1xf32> to vector<256x256xf32>
    %eq3A_2013 = arith.cmpf oeq, %convert_element_type3A_1716, %eq3A_2012 : vector<256x256xf32>
    %jit3A_2014 = arith.constant 0.000000e+00 : f32
    %broadcast_in_dim3A_2015 = vector.broadcast %jit3A_2014 : f32 to vector<256x256xf32>
    %select_n3A_2016 = arith.select %eq3A_2013, %sub3A_1698, %broadcast_in_dim3A_2015 : vector<256x256xi1>, vector<256x256xf32>
    %reduce_sum3A_2017 = arith.constant dense<0.000000e+00> : vector<256xf32>
    %reduce_sum3A_2018 = vector.multi_reduction <add>, %select_n3A_2016, %reduce_sum3A_2017 [1] : vector<256x256xf32> to vector<256xf32>
    %broadcast_in_dim3A_2019 = vector.shape_cast %reduce_sum3A_2018 : vector<256xf32> to vector<256x1xf32>
    %jit3A_2020 = arith.constant 1.000000e+30 : f32
    %broadcast_in_dim3A_2021 = vector.broadcast %jit3A_2020 : f32 to vector<256x256xf32>
    %select_n3A_2022 = arith.select %eq3A_2013, %broadcast_in_dim3A_2021, %select_n3A_1975 : vector<256x256xi1>, vector<256x256xf32>
    %reduce_min3A_2023 = arith.constant dense<0x7F800000> : vector<256xf32>
    %reduce_min3A_2024 = vector.multi_reduction <minimumf>, %select_n3A_1997, %reduce_min3A_2023 [1] : vector<256x256xf32> to vector<256xf32>
    %broadcast_in_dim3A_2025 = vector.shape_cast %reduce_min3A_2024 : vector<256xf32> to vector<256x1xf32>
    %eq3A_2026 = vector.broadcast %broadcast_in_dim3A_2025 : vector<256x1xf32> to vector<256x256xf32>
    %eq3A_2027 = arith.cmpf oeq, %select_n3A_1997, %eq3A_2026 : vector<256x256xf32>
    %jit3A_2028 = arith.constant 2.560000e+02 : f32
    %broadcast_in_dim3A_2029 = vector.broadcast %jit3A_2028 : f32 to vector<256x256xf32>
    %select_n3A_2030 = arith.select %eq3A_2027, %convert_element_type3A_1716, %broadcast_in_dim3A_2029 : vector<256x256xi1>, vector<256x256xf32>
    %reduce_min3A_2031 = arith.constant dense<0x7F800000> : vector<256xf32>
    %reduce_min3A_2032 = vector.multi_reduction <minimumf>, %select_n3A_2030, %reduce_min3A_2031 [1] : vector<256x256xf32> to vector<256xf32>
    %broadcast_in_dim3A_2033 = vector.shape_cast %reduce_min3A_2032 : vector<256xf32> to vector<256x1xf32>
    %eq3A_2034 = vector.broadcast %broadcast_in_dim3A_2033 : vector<256x1xf32> to vector<256x256xf32>
    %eq3A_2035 = arith.cmpf oeq, %convert_element_type3A_1716, %eq3A_2034 : vector<256x256xf32>
    %jit3A_2036 = arith.constant 0.000000e+00 : f32
    %broadcast_in_dim3A_2037 = vector.broadcast %jit3A_2036 : f32 to vector<256x256xf32>
    %select_n3A_2038 = arith.select %eq3A_2035, %sub3A_1706, %broadcast_in_dim3A_2037 : vector<256x256xi1>, vector<256x256xf32>
    %reduce_sum3A_2039 = arith.constant dense<0.000000e+00> : vector<256xf32>
    %reduce_sum3A_2040 = vector.multi_reduction <add>, %select_n3A_2038, %reduce_sum3A_2039 [1] : vector<256x256xf32> to vector<256xf32>
    %broadcast_in_dim3A_2041 = vector.shape_cast %reduce_sum3A_2040 : vector<256xf32> to vector<256x1xf32>
    %jit3A_2042 = arith.constant 1.000000e+30 : f32
    %broadcast_in_dim3A_2043 = vector.broadcast %jit3A_2042 : f32 to vector<256x256xf32>
    %select_n3A_2044 = arith.select %eq3A_2035, %broadcast_in_dim3A_2043, %select_n3A_1997 : vector<256x256xi1>, vector<256x256xf32>
    %sub3A_2045 = arith.subf %broadcast_in_dim3A_2019, %broadcast_in_dim3A_2041 : vector<256x1xf32>
    %mul3A_2046 = arith.mulf %sub3A_2045, %sub3A_2045 : vector<256x1xf32>
    %add3A_2047 = arith.addf %add3A_2000, %mul3A_2046 : vector<256x1xf32>
    %reduce_min3A_2048 = arith.constant dense<0x7F800000> : vector<256xf32>
    %reduce_min3A_2049 = vector.multi_reduction <minimumf>, %select_n3A_2022, %reduce_min3A_2048 [1] : vector<256x256xf32> to vector<256xf32>
    %broadcast_in_dim3A_2050 = vector.shape_cast %reduce_min3A_2049 : vector<256xf32> to vector<256x1xf32>
    %eq3A_2051 = vector.broadcast %broadcast_in_dim3A_2050 : vector<256x1xf32> to vector<256x256xf32>
    %eq3A_2052 = arith.cmpf oeq, %select_n3A_2022, %eq3A_2051 : vector<256x256xf32>
    %jit3A_2053 = arith.constant 2.560000e+02 : f32
    %broadcast_in_dim3A_2054 = vector.broadcast %jit3A_2053 : f32 to vector<256x256xf32>
    %select_n3A_2055 = arith.select %eq3A_2052, %convert_element_type3A_1716, %broadcast_in_dim3A_2054 : vector<256x256xi1>, vector<256x256xf32>
    %reduce_min3A_2056 = arith.constant dense<0x7F800000> : vector<256xf32>
    %reduce_min3A_2057 = vector.multi_reduction <minimumf>, %select_n3A_2055, %reduce_min3A_2056 [1] : vector<256x256xf32> to vector<256xf32>
    %broadcast_in_dim3A_2058 = vector.shape_cast %reduce_min3A_2057 : vector<256xf32> to vector<256x1xf32>
    %eq3A_2059 = vector.broadcast %broadcast_in_dim3A_2058 : vector<256x1xf32> to vector<256x256xf32>
    %eq3A_2060 = arith.cmpf oeq, %convert_element_type3A_1716, %eq3A_2059 : vector<256x256xf32>
    %jit3A_2061 = arith.constant 0.000000e+00 : f32
    %broadcast_in_dim3A_2062 = vector.broadcast %jit3A_2061 : f32 to vector<256x256xf32>
    %select_n3A_2063 = arith.select %eq3A_2060, %sub3A_1698, %broadcast_in_dim3A_2062 : vector<256x256xi1>, vector<256x256xf32>
    %reduce_sum3A_2064 = arith.constant dense<0.000000e+00> : vector<256xf32>
    %reduce_sum3A_2065 = vector.multi_reduction <add>, %select_n3A_2063, %reduce_sum3A_2064 [1] : vector<256x256xf32> to vector<256xf32>
    %broadcast_in_dim3A_2066 = vector.shape_cast %reduce_sum3A_2065 : vector<256xf32> to vector<256x1xf32>
    %reduce_min3A_2067 = arith.constant dense<0x7F800000> : vector<256xf32>
    %reduce_min3A_2068 = vector.multi_reduction <minimumf>, %select_n3A_2044, %reduce_min3A_2067 [1] : vector<256x256xf32> to vector<256xf32>
    %broadcast_in_dim3A_2069 = vector.shape_cast %reduce_min3A_2068 : vector<256xf32> to vector<256x1xf32>
    %eq3A_2070 = vector.broadcast %broadcast_in_dim3A_2069 : vector<256x1xf32> to vector<256x256xf32>
    %eq3A_2071 = arith.cmpf oeq, %select_n3A_2044, %eq3A_2070 : vector<256x256xf32>
    %jit3A_2072 = arith.constant 2.560000e+02 : f32
    %broadcast_in_dim3A_2073 = vector.broadcast %jit3A_2072 : f32 to vector<256x256xf32>
    %select_n3A_2074 = arith.select %eq3A_2071, %convert_element_type3A_1716, %broadcast_in_dim3A_2073 : vector<256x256xi1>, vector<256x256xf32>
    %reduce_min3A_2075 = arith.constant dense<0x7F800000> : vector<256xf32>
    %reduce_min3A_2076 = vector.multi_reduction <minimumf>, %select_n3A_2074, %reduce_min3A_2075 [1] : vector<256x256xf32> to vector<256xf32>
    %broadcast_in_dim3A_2077 = vector.shape_cast %reduce_min3A_2076 : vector<256xf32> to vector<256x1xf32>
    %eq3A_2078 = vector.broadcast %broadcast_in_dim3A_2077 : vector<256x1xf32> to vector<256x256xf32>
    %eq3A_2079 = arith.cmpf oeq, %convert_element_type3A_1716, %eq3A_2078 : vector<256x256xf32>
    %jit3A_2080 = arith.constant 0.000000e+00 : f32
    %broadcast_in_dim3A_2081 = vector.broadcast %jit3A_2080 : f32 to vector<256x256xf32>
    %select_n3A_2082 = arith.select %eq3A_2079, %sub3A_1706, %broadcast_in_dim3A_2081 : vector<256x256xi1>, vector<256x256xf32>
    %reduce_sum3A_2083 = arith.constant dense<0.000000e+00> : vector<256xf32>
    %reduce_sum3A_2084 = vector.multi_reduction <add>, %select_n3A_2082, %reduce_sum3A_2083 [1] : vector<256x256xf32> to vector<256xf32>
    %broadcast_in_dim3A_2085 = vector.shape_cast %reduce_sum3A_2084 : vector<256xf32> to vector<256x1xf32>
    %sub3A_2086 = arith.subf %broadcast_in_dim3A_2066, %broadcast_in_dim3A_2085 : vector<256x1xf32>
    %mul3A_2087 = arith.mulf %sub3A_2086, %sub3A_2086 : vector<256x1xf32>
    %add3A_2088 = arith.addf %add3A_2047, %mul3A_2087 : vector<256x1xf32>
    %add3A_2089 = arith.constant 9.99999996E-13 : f32
    %add3A_2090 = vector.broadcast %add3A_2089 : f32 to vector<256x1xf32>
    %add3A_2091 = arith.addf %add3A_2088, %add3A_2090 : vector<256x1xf32>
    %sqrt3A = math.sqrt %add3A_2091 : vector<256x1xf32>
    %reduce_sum3A_2092 = vector.shape_cast %sqrt3A : vector<256x1xf32> to vector<1x256x1xf32>
    %reduce_sum3A_2093 = arith.constant dense<0.000000e+00> : vector<1xf32>
    %reduce_sum3A_2094 = vector.multi_reduction <add>, %reduce_sum3A_2092, %reduce_sum3A_2093 [1, 2] : vector<1x256x1xf32> to vector<1xf32>
    %reduce_sum3A_2095 = vector.shape_cast %reduce_sum3A_2094 : vector<1xf32> to vector<1x1x1xf32>
    %reduce_sum3A_2096 = vector.extract %reduce_sum3A_2095[0, 0, 0] : f32 from vector<1x1x1xf32>
    %iota3A_2097 = tpu.iota {dimensions = array<i32: 1>} : vector<1x128xi32>
    %eq3A_2098 = arith.constant 0 : i32
    %eq3A_2099 = vector.broadcast %eq3A_2098 : i32 to vector<1x128xi32>
    %eq3A_2100 = arith.cmpi eq, %iota3A_2097, %eq3A_2099 : vector<1x128xi32>
    %eq3A_2101 = arith.constant 1 : i32
    %eq3A_2102 = vector.broadcast %eq3A_2101 : i32 to vector<1x128xi32>
    %eq3A_2103 = arith.cmpi eq, %iota3A_2097, %eq3A_2102 : vector<1x128xi32>
    %jit3A_2104 = arith.constant 0.000000e+00 : f32
    %broadcast_in_dim3A_2105 = vector.broadcast %reduce_sum3A_2096 : f32 to vector<1x128xf32>
    %broadcast_in_dim3A_2106 = vector.broadcast %jit3A_2104 : f32 to vector<1x128xf32>
    %select_n3A_2107 = arith.select %eq3A_2103, %broadcast_in_dim3A_2105, %broadcast_in_dim3A_2106 : vector<1x128xi1>, vector<1x128xf32>
    %broadcast_in_dim3A_2108 = vector.broadcast %add3A_1686 : f32 to vector<1x128xf32>
    %select_n3A_2109 = arith.select %eq3A_2100, %broadcast_in_dim3A_2108, %select_n3A_2107 : vector<1x128xi1>, vector<1x128xf32>
    %swap3A = arith.constant 0 : index
    %swap3A_2110 = arith.constant 0 : index
    %swap3A_2111 = arith.constant 0 : index
    %swap3A_2112 = vector.load %arg7[%swap3A, %swap3A_2110, %swap3A_2111] : memref<1x1x128xf32, #tpu.memory_space<vmem>>, vector<1x1x128xf32>
    %swap3A_2113 = vector.shape_cast %swap3A_2112 : vector<1x1x128xf32> to vector<1x128xf32>
    %swap3A_2114 = vector.shape_cast %select_n3A_2109 : vector<1x128xf32> to vector<1x1x128xf32>
    tpu.vector_store %arg7[%swap3A, %swap3A_2110, %swap3A_2111], %swap3A_2114 {strides = array<i32>} : memref<1x1x128xf32, #tpu.memory_space<vmem>>, vector<1x1x128xf32>,
    return
  }
  func.func @transform_0(%arg0: i32, %arg1: memref<4x9xf32, #tpu.memory_space<smem>>) -> (i32, i32, i32) {
    %c0_i32 = arith.constant 0 : i32
    %c0_i32_0 = arith.constant 0 : i32
    %c0_i32_1 = arith.constant 0 : i32
    return %arg0, %c0_i32, %c0_i32_0 : i32, i32, i32
  }
  func.func @transform_1(%arg0: i32, %arg1: memref<4x9xf32, #tpu.memory_space<smem>>) -> (i32, i32, i32) {
    %c0_i32 = arith.constant 0 : i32
    %c0_i32_0 = arith.constant 0 : i32
    %c0_i32_1 = arith.constant 0 : i32
    return %arg0, %c0_i32, %c0_i32_0 : i32, i32, i32
  }
  func.func @transform_2(%arg0: i32, %arg1: memref<4x9xf32, #tpu.memory_space<smem>>) -> (i32, i32, i32) {
    %c0_i32 = arith.constant 0 : i32
    %c0_i32_0 = arith.constant 0 : i32
    %c0_i32_1 = arith.constant 0 : i32
    return %arg0, %c0_i32, %c0_i32_0 : i32, i32, i32
  }
  func.func @transform_3(%arg0: i32, %arg1: memref<4x9xf32, #tpu.memory_space<smem>>) -> (i32, i32, i32) {
    %c0_i32 = arith.constant 0 : i32
    %c0_i32_0 = arith.constant 0 : i32
    %c0_i32_1 = arith.constant 0 : i32
    return %arg0, %c0_i32, %c0_i32_0 : i32, i32, i32
  }
  func.func @transform_4(%arg0: i32, %arg1: memref<4x9xf32, #tpu.memory_space<smem>>) -> (i32, i32, i32) {
    %c0_i32 = arith.constant 0 : i32
    %c0_i32_0 = arith.constant 0 : i32
    %c0_i32_1 = arith.constant 0 : i32
    return %arg0, %c0_i32, %c0_i32_0 : i32, i32, i32
  }
  func.func @transform_5(%arg0: i32, %arg1: memref<4x9xf32, #tpu.memory_space<smem>>) -> (i32, i32, i32) {
    %c0_i32 = arith.constant 0 : i32
    %c0_i32_0 = arith.constant 0 : i32
    %c0_i32_1 = arith.constant 0 : i32
    return %arg0, %c0_i32, %c0_i32_0 : i32, i32, i32
  }
}

</mosaic_0001>

<sc_bundles>
// kernel: kernel.4.cloned.1.call-start
scs
__scs_entry_jumppad:
0x0: {  	(pc) =	sbr.rel $0x88, $3  }
0x1: {  	(tag) =	ssettag $0x0;
	lr =	simm.s32 $0x1  }
0x2: {  	[smem:$0x3F9C] =	sst lr;
	_ =	strace $0xD0000000  }
0x3: {  	_ = 	snop  }
0x4: {  	_ = 	snop  }
0x5: {  	_ = 	snop  }
0x6: {  	_ = 	snop  }
0x7: {  	_ = 	snop  }
__scs_overlays_trampoline_lowered:
0x8: {  	[smem:$0x3FAB] =	sst s0  }
0x9: {  	[smem:$0x3FAC] =	sst s1  }
0xa: {  	[smem:$0x3FAD] =	sst s2  }
0xb: {  	[smem:$0x3FAE] =	sst s3  }
0xc: {  	[smem:$0x3FAF] =	sst s4  }
0xd: {  	[smem:$0x3FB0] =	sst s5  }
0xe: {  	[smem:$0x3FB1] =	sst s6  }
0xf: {  	[smem:$0x3FB2] =	sst s7  }
0x10: {  	[smem:$0x3FB3] =	sst s8  }
0x11: {  	[smem:$0x3FB4] =	sst s9;
	s0 =	simm.s32 @!p0 $0x0  }
0x12: {  	s1 =	sld [smem:$0x3F9A];
	s0 =	simm.s32 @p0 $0x1  }
0x13: {  	[smem:$0x3FB5] =	sst s0;
	s0 =	simm.s32 @!p1 $0x0  }
0x14: {  	s2 =	sld [smem:$0x3F99];
	s0 =	simm.s32 @p1 $0x1  }
0x15: {  	[smem:$0x3FB6] =	sst s0;
	s0 =	simm.s32 @!p2 $0x0  }
0x16: {  	s3 =	sld [smem:$0x3FDB];
	s0 =	simm.s32 @p2 $0x1  }
0x17: {  	s4 =	simm.s32 $0x1BF5;
	[smem:$0x3FB8] =	sst s0  }
0x18: {  	s0 =	sld [smem:$0x3F9B];
	_ =	swait.ge [sflag:s4], $0x0  }
0x19: {  	s7 =	sld [smem:$0x3F9C]  }
0x1a: {  	s8 =	sadd.s32 $0xFFFFE003, lr  }
0x1b: {  	s9 =	sadd.s32 $0xFFFFFEF7, lr;
	s5 =	simm.s32 $0xFFFFFFFF;
	p2 =	slt.u32 s8, $0xFFFFF086  }
0x1c: {  	p1 =	slt.u32 s9, $0xF7A;
	s5 =	simm.s32 @!p2 $0x0  }
0x1d: {  	s5 =	simm.s32 @p1 $0x1;
	p0 =	seq.s32 s7, s2  }
0x1e: {  	s7 =	smul.u32 @!p0 $0xF7A, s2;
	p2 =	seq.s32 @!p0 s5, $0x0  }
0x1f: {  	s9 =	smul.u32 $0xF7A, s1;
	s8 =	simm.s32 @!p0 $0x1BF5;
	p2 =	por !p2, p0  }
0x20: {  	[sflag:s8] =	ssyncset.s32 @!p0 $0xFFFFF086;
	s6 =	sadd.s32 @!p0 s3, s7;
	s7 =	simm.s32 @!p0 $0x108  }
0x21: {  	s3 =	sadd.s32 s3, s9;
	s6 =	sadd.s32 @!p0 $0x88, s6;
	s7 =	simm.s32 @p2 $0x1082  }
0x22: {  	[simem:s7], [sflag:s8] =	dma.local @!p0 [hbm:s6], $0xF7A  }
0x23: {  	s9 =	sor.u32 $0xD0000000, s2;
	s6 =	simm.s32 $0x108;
	_ =	swait.ge @!p0 [sflag:s8], $0x0  }
0x24: {  	s3 =	sadd.s32 $0x88, s3;
	s6 =	simm.s32 @!p1 $0x1082;
	[sflag:s4] =	ssyncset.s32 $0xFFFFF086  }
0x25: {  	[simem:s6], [sflag:s4] =	dma.local [hbm:s3], $0xF7A  }
0x26: {  	[smem:$0x3F9C] =	sst s1;
	(tag) =	ssettag s2;
	_ =	strace s9  }
0x27: {  	s1 =	sld [smem:$0x3FAC]  }
0x28: {  	s2 =	sld [smem:$0x3FAD]  }
0x29: {  	s4 =	sld [smem:$0x3FAF]  }
0x2a: {  	p0 =	seq.s32 s5, $0x0;
	s5 =	sld [smem:$0x3FB0]  }
0x2b: {  	s6 =	sld [smem:$0x3FB1]  }
0x2c: {  	s7 =	sld [smem:$0x3FB2]  }
0x2d: {  	s3 =	simm.s32 $0x108;
	s8 =	sld [smem:$0x3FB3]  }
0x2e: {  	s3 =	simm.s32 @!p0 $0x1082;
	s9 =	sld [smem:$0x3FB4]  }
0x2f: {  	lr =	sadd.s32 s0, s3;
	s0 =	sld [smem:$0x3FAB]  }
0x30: {  	s3 =	sld [smem:$0x3FAE]  }
0x31: {  	[smem:$0x3FB7] =	sst s10  }
0x32: {  	s10 =	sld [smem:$0x3FB5];
	_ =	sdelay $0x3  }
0x33: {  	p0 =	seq.s32 s10, $0x1;
	s10 =	sld [smem:$0x3FB7];
	_ =	sdelay $0x3  }
0x34: {  	[smem:$0x3FB7] =	sst s10  }
0x35: {  	s10 =	sld [smem:$0x3FB6];
	_ =	sdelay $0x3  }
0x36: {  	p1 =	seq.s32 s10, $0x1;
	s10 =	sld [smem:$0x3FB7];
	_ =	sdelay $0x3  }
0x37: {  	[smem:$0x3FB7] =	sst s10  }
0x38: {  	s10 =	sld [smem:$0x3FB8]  }
0x39: {  	_ = 	snop;
	(pc) =	sbr.ind lr, $3  }
0x3a: {  	_ = 	snop  }
0x3b: {  	_ = 	snop  }
0x3c: {  	p2 =	seq.s32 s10, $0x1;
	s10 =	sld [smem:$0x3FB7]  }
0x3d: {  	_ =	shalt  }
0x3e: {  	_ =	shalt  }
0x3f: {  	_ =	shalt  }
0x40: {  	_ =	shalt  }
0x41: {  	_ =	shalt  }
0x42: {  	_ =	shalt  }
0x43: {  	_ =	shalt  }
0x44: {  	_ =	shalt  }
0x45: {  	_ =	shalt  }
0x46: {  	_ =	shalt  }
0x47: {  	_ =	shalt  }
0x48: {  	_ =	shalt  }
0x49: {  	_ =	shalt  }
0x4a: {  	_ =	shalt  }
0x4b: {  	_ =	shalt  }
0x4c: {  	_ =	shalt  }
0x4d: {  	_ =	shalt  }
0x4e: {  	_ =	shalt  }
0x4f: {  	_ =	shalt  }
0x50: {  	_ =	shalt  }
0x51: {  	_ =	shalt  }
0x52: {  	_ =	shalt  }
0x53: {  	_ =	shalt  }
0x54: {  	_ =	shalt  }
0x55: {  	_ =	shalt  }
0x56: {  	_ =	shalt  }
0x57: {  	_ =	shalt  }
0x58: {  	_ =	shalt  }
0x59: {  	_ =	shalt  }
0x5a: {  	_ =	shalt  }
0x5b: {  	_ =	shalt  }
0x5c: {  	_ =	shalt  }
0x5d: {  	_ =	shalt  }
0x5e: {  	_ =	shalt  }
0x5f: {  	_ =	shalt  }
0x60: {  	_ =	shalt  }
0x61: {  	_ =	shalt  }
0x62: {  	_ =	shalt  }
0x63: {  	_ =	shalt  }
0x64: {  	_ =	shalt  }
0x65: {  	_ =	shalt  }
0x66: {  	_ =	shalt  }
0x67: {  	_ =	shalt  }
0x68: {  	_ =	shalt  }
0x69: {  	_ =	shalt  }
0x6a: {  	_ =	shalt  }
0x6b: {  	_ =	shalt  }
0x6c: {  	_ =	shalt  }
0x6d: {  	_ =	shalt  }
0x6e: {  	_ =	shalt  }
0x6f: {  	_ =	shalt  }
0x70: {  	_ =	shalt  }
0x71: {  	_ =	shalt  }
0x72: {  	_ =	shalt  }
0x73: {  	_ =	shalt  }
0x74: {  	_ =	shalt  }
0x75: {  	_ =	shalt  }
0x76: {  	_ =	shalt  }
0x77: {  	_ =	shalt  }
0x78: {  	_ =	shalt  }
0x79: {  	_ =	shalt  }
0x7a: {  	_ =	shalt  }
0x7b: {  	_ =	shalt  }
0x7c: {  	_ =	shalt  }
0x7d: {  	_ =	shalt  }
0x7e: {  	_ =	shalt  }
0x7f: {  	_ =	shalt  }
0x80: {  	_ =	shalt  }
0x81: {  	_ =	shalt  }
0x82: {  	_ =	shalt  }
0x83: {  	_ =	shalt  }
0x84: {  	_ =	shalt  }
0x85: {  	_ =	shalt  }
0x86: {  	_ =	shalt  }
0x87: {  	_ =	shalt  }
.Lfunc_end0:
.L_simem_size_0:
called_computation_lowered:
.L_overlay_start_0:
0x88: {  	s2 =	sld [smem:$0x3FD9]  }
0x89: {  	s3 =	sld [smem:$0x3FFE];
	_ =	sdelay $0x1  }
0x8a: {  	s1 =	srdreg.scid  }
0x8b: {  	s0 =	sand.u32 $0x1, s1  }
0x8c: {  	s17 =	sshll.u32 s0, $0xA;
	s2 =	sadd.s32 s3, s2  }
0x8d: {  	s2 =	sadd.s32 s2, s17  }
0x8e: {  	[smem:$0x3FC3] =	sst s2  }
0x8f: {  	_ = 	snop  }
0x90: {  	s2 =	sld [smem:$0x3FC6];
	(tm) =	ssettm $0x1  }
0x91: {  	s18 =	sld [smem:$0x3FFB];
	_ =	sdelay $0x3  }
0x92: {  	_ =	strace s18  }
0x93: {  	s3 =	sld [smem:$0x3FFC];
	_ =	sdelay $0x3  }
0x94: {  	_ =	strace s3  }
0x95: {  	s3 =	sld [smem:$0x3FFD];
	_ =	sdelay $0x3  }
0x96: {  	_ =	strace s3  }
0x97: {  	_ =	strace $0x8FFFFFFF  }
0x98: {  	s19 =	sld [smem:$0x3FDB];
	_ =	sdelay $0x1  }
0x99: {  	s4 =	simm.s32 $_scs_section_size  }
0x9a: {  	s5 =	simm.s32 $_size__tile_overlayer_lowered;
	s6 =	simm.s32 $_tile_overlayer_lowered  }
0x9b: {  	s22 =	simm.s32 $0x1BFF;
	s21 =	sshll.u32 s6, $0x1;
	s3 =	sadd.s32 s4, s19  }
0x9c: {  	s7 =	simm.s32 $0x0;
	s20 =	sshll.u32 s5, $0x1;
	s5 =	sadd.s32 s21, s3  }
0x9d: {  	[timem:s7], [sflag:s22] =	dma.local [hbm:s5], s20  }
0x9e: {  	_ =	swait.ge [sflag:s22], s20  }
0x9f: {  	s4 =	ssub.s32 $0x0, s20;
	[sflag:s22] =	ssyncset.done $0x0  }
0xa0: {  	[sflag:s22] =	ssyncadd.s32 s4;
	_ =	sdelay $0x1  }
0xa1: {  	s23 =	simm.s32 $0x1B8B  }
0xa2: {  	_ =	swait.ge [sflag:s23], $0x1  }
0xa3: {  	[sflag:s23] =	ssyncset.done $0x0  }
0xa4: {  	s25 =	simm.s32 $0x1B8E;
	s24 =	sld [smem:$0x3FFE];
	[sflag:s23] =	ssyncadd.s32 $0xFFFFFFFF  }
0xa5: {  	s26 =	simm.s32 $execute0_lowered;
	[smem:$0x3FD2] =	sst s25  }
0xa6: {  	s5 =	sshll.u32 s26, $0x1;
	_ =	strace $0x80000046;
	[dreg:$0x1] =	wrdreg $0xFFFFFFFF  }
0xa7: {  	s28 =	simm.s32 $_size_execute0_lowered;
	s3 =	sadd.s32 s3, s5;
	[dreg:$0x0] =	wrdreg $0x0  }
0xa8: {  	s5 =	sshll.u32 s28, $0x1;
	[dreg:$0x2] =	wrdreg s3  }
0xa9: {  	[dreg:$0x3] =	wrdreg s5  }
0xaa: {  	[dreg:$0x4] =	wrdreg $0xC0  }
0xab: {  	_ =	task [dreg:s7], $0x5FFFF  }
0xac: {  	[dreg:$0x1] =	wrdreg $0xFFFFFFFF  }
0xad: {  	[dreg:$0x0] =	wrdreg $0x60  }
0xae: {  	[dreg:$0x2] =	wrdreg s2  }
0xaf: {  	[dreg:$0x3] =	wrdreg s24  }
0xb0: {  	[dreg:$0x4] =	wrdreg $0x9  }
0xb1: {  	_ =	task.clear_ibuf [dreg:s7], $0x5FFFF;
	_ =	strace $0x90000046  }
0xb2: {  	s29 =	simm.s32 $0x9;
	_ =	strace $0x80000048  }
0xb3: {  	_ =	swait.ge [sflag:s29], $0x1  }
0xb4: {  	[sflag:s29] =	ssyncadd.s32 $0xFFFFFFFF  }
0xb5: {  	_ =	strace $0x90000048  }
0xb6: {  	_ =	sfence  }
0xb7: {  	s30 =	sld [smem:$0x0];
	_ =	sdelay $0x2  }
0xb8: {  	s31 =	sshll.u32 s1, $0xD;
	s1 =	sshrl.u32 s1, $0x2  }
0xb9: {  	s3 =	sand.u32 $0x4000, s31;
	s1 =	sadd.s32 s1, s30  }
0xba: {  	s0 =	sor.u32 s3, s0;
	s1 =	sshll.u32 s1, $0x11  }
0xbb: {  	s0 =	sor.u32 s1, s0  }
0xbc: {  	s0 =	sadd.s32 $0x8F2B, s0  }
0xbd: {  	[sflag:s0] =	ssyncadd.remote.s32 $0x1  }
0xbe: {  	_ =	sfence.sel $0xFFFF  }
0xbf: {  	[dreg:$0x0] =	wrdreg $0xFFFFFFFF;
	(pc) =	sbr.abs _section_cstart, $3  }
0xc0: {  	[dreg:$0x1] =	wrdreg $0xFFFFFFFF  }
0xc1: {  	_ =	task.clear_ibuf [dreg:s7], $0x2FFFF;
	_ =	strace $0x9FFFFFFF  }
0xc2: {  	(tm) =	ssettm $0x7FFFFFFF  }
0xc3: {  	_ =	shalt  }
tec
execute0_lowered:
.L_overlay_start_1:
0x0: {  	(tag) =	ssettag $0x1  }
0x1: {  	s0 =	srdreg.scid  }
0x2: {  	s2 =	rddreg [dreg:$0x0];
	s3 =	stileid.u32  }
0x3: {  	s1 =	rddreg [dreg:$0x1];
	s11 =	simm.s32 $0x1;
	s15 =	simm.s32 $0x2980  }
0x4: {  	s16 =	simm.s32 $0x3180;
	s17 =	simm.s32 $0x3980;
	s18 =	simm.s32 $0x4180  }
0x5: {  	s19 =	simm.s32 $0x4980;
	s20 =	simm.s32 $0x5180;
	s0 =	sand.u32 $0x1, s0  }
0x6: {  	s21 =	simm.s32 $0x5980;
	s4 =	sshll.u32 s3, $0x6;
	s5 =	sshll.u32 s0, $0x5  }
0x7: {  	s22 =	simm.s32 $0x6180;
	s23 =	simm.s32 $0x6980;
	s9 =	sor.u32 s5, s4  }
0x8: {  	s24 =	simm.s32 $0x7180;
	s28 =	simm.s32 $0x8980;
	s3 =	simm.s32 $0x0;
	v0 =	vmov s9  }
0x9: {  	s29 =	simm.s32 $0x9180;
	s30 =	simm.s32 $0x2;
	[smem:$0x7FF] =	sst s3;
	v0 =	vshrl.u32 v0, $0x8  }
0xa: {  	v1 =	vlaneseq.u32;
	s31 =	simm.s32 $0x0;
	s0 =	ssub.s32 $0x2, s0;
	_ =	strace $0x80000047;
	v0 =	vshll.u32 v0, $0xA  }
0xb: {  	v61 =	vand.u32 $0x7, v1;
	s7 =	sshrl.u32 s0, $0x1;
	s4 =	sshrl.u32 s9, $0x3;
	s26 =	sshll.u32 s9, $0x4;
	v0 =	vbroadcast v0, $0x0  }
0xc: {  	v62 =	vshrl.u32 v1, $0x3;
	[tilespmem:$0x1FFD0] =	vst v61;
	s6 =	sshll.u32 s9, $0x5;
	s0 =	ssub.s32 s0, s7;
	s25 =	sadd.s32 s4, s1  }
0xd: {  	v63 =	vor.u32 $0x8, v1;
	s8 =	sadd.s32 s26, s1;
	s1 =	sadd.s32 s6, s1;
	s26 =	simm.s32 $0x8180;
	[tilespmem:$0x1FFC0] =	vst v0;
	v0 =	vmul.u32 $0x8, v62  }
0xe: {  	[tilespmem:$0x1FFF0] =	vst v63;
	s4 =	sadd.s32 $0x1000, s25;
	s5 =	sadd.s32 $0xE00, s25;
	s6 =	sadd.s32 $0x1200, s8  }
0xf: {  	vm0 =	vmmov $0xffff;
	s7 =	sadd.s32 $0x5200, s1;
	s8 =	smax.u32 s0, $0x1;
	s25 =	simm.s32 $0x7980;
	[tilespmem:$0x1FFE0] =	vst v0  }
.LBB2_1:
0x10: {  	[tilespmem:s3], [sflag:$0x1] =	stream.linear.gather [hbm4b:s4+s3], $0x20, $0x38;
	[tilespmem:$0xB180] =	vst v63  }
0x11: {  	s0 =	simm.s32 $0x80  }
0x12: {  	[tilespmem:s0], [sflag:$0x1] =	stream.linear.gather [hbm4b:s5+s3], $0x20, $0x38;
	[tilespmem:$0xB180] =	vst v63  }
0x13: {  	s1 =	simm.s32 $0x100  }
0x14: {  	[tilespmem:s1], [sflag:$0x1] =	stream.linear.gather [hbm4b:s6+s3], $0x1000, $0x38;
	[tilespmem:$0xB180] =	vst v63  }
0x15: {  	_ =	swait.ge [sflag:s11], $0x20  }
0x16: {  	[sflag:s11] =	ssyncset.done $0x0  }
0x17: {  	[sflag:s11] =	ssyncadd.s32 $0xFFFFFFE0  }
0x18: {  	_ =	swait.ge [sflag:s11], $0x20  }
0x19: {  	[sflag:s11] =	ssyncset.done $0x0  }
0x1a: {  	[sflag:s11] =	ssyncadd.s32 $0xFFFFFFE0  }
0x1b: {  	_ =	swait.ge [sflag:s11], $0x1000  }
0x1c: {  	[sflag:s11] =	ssyncset.done $0x0  }
0x1d: {  	[sflag:s11] =	ssyncadd.s32 $0xFFFFF000  }
0x1e: {  	v0 =	vld [tilespmem:$0x0]  }
0x1f: {  	v1 =	vld [tilespmem:$0x80];
	_ =	sdelay $0x3  }
0x20: {  	v0 =	vmul.f32 $6.250000000e-02, v0  }
0x21: {  	v1 =	vmul.f32 $6.250000000e-02, v1  }
0x22: {  	v0 =	vadd.f32 $-5.000000000e-01, v0  }
0x23: {  	v1 =	vadd.f32 $-5.000000000e-01, v1  }
0x24: {  	v2 =	vtrunc.f32 v0  }
0x25: {  	v3 =	vtrunc.f32 v1;
	v2 =	vcvt.f32.s32 v2  }
0x26: {  	v5 =	vld [tilespmem:$0x90];
	v3 =	vcvt.f32.s32 v3  }
0x27: {  	v2 =	vcvt.s32.f32 v2  }
0x28: {  	v3 =	vcvt.s32.f32 v3  }
0x29: {  	v4 =	vadd.f32 $-1.000000000e+00, v2  }
0x2a: {  	vm1 =	vlt.f32 v0, v2;
	v0 =	vadd.f32 $-1.000000000e+00, v3  }
0x2b: {  	v5 =	vmul.f32 $6.250000000e-02, v5;
	v2 =	vsel vm1, v4, v2;
	vm1 =	vlt.f32 v1, v3  }
0x2c: {  	v0 =	vsel vm1, v0, v3;
	v3 =	vld [tilespmem:$0x10]  }
0x2d: {  	v5 =	vadd.f32 $-5.000000000e-01, v5;
	_ =	sdelay $0x1  }
0x2e: {  	v7 =	vtrunc.f32 v5  }
0x2f: {  	v1 =	vadd.f32 $1.000000000e+00, v2;
	v2 =	vmax.f32 v2, $0.0e+00;
	v4 =	vmax.f32 v0, $0.0e+00  }
0x30: {  	v0 =	vadd.f32 $1.000000000e+00, v0;
	v4 =	vmin.f32 v4, $3.100000000e+01;
	v3 =	vmul.f32 $6.250000000e-02, v3  }
0x31: {  	v7 =	vcvt.f32.s32 v7;
	v2 =	vmin.f32 v2, $3.100000000e+01;
	v4 =	vmul.f32 $3.200000000e+01, v4  }
0x32: {  	v1 =	vmax.f32 v1, $0.0e+00;
	v0 =	vmax.f32 v0, $0.0e+00;
	v3 =	vadd.f32 $-5.000000000e-01, v3  }
0x33: {  	v1 =	vmin.f32 v1, $3.100000000e+01;
	v0 =	vmin.f32 v0, $3.100000000e+01;
	v6 =	vadd.f32 v4, v2  }
0x34: {  	v4 =	vadd.f32 v4, v1;
	v0 =	vmul.f32 $3.200000000e+01, v0;
	v8 =	vtrunc.f32 v3  }
0x35: {  	v8 =	vcvt.f32.s32 v8  }
0x36: {  	v7 =	vcvt.s32.f32 v7;
	v2 =	vadd.f32 v0, v2;
	v4 =	vtrunc.f32 v4  }
0x37: {  	v0 =	vadd.f32 v0, v1;
	v1 =	vcvt.f32.s32 v4;
	v4 =	vcvt.s32.f32 v8  }
0x38: {  	v8 =	vadd.f32 $-1.000000000e+00, v7  }
0x39: {  	vm1 =	vlt.f32 v5, v7;
	v5 =	vadd.f32 $-1.000000000e+00, v4  }
0x3a: {  	v11 =	vld [tilespmem:$0x1FFC0];
	v7 =	vsel vm1, v8, v7;
	vm1 =	vlt.f32 v3, v4  }
0x3b: {  	v6 =	vtrunc.f32 v6;
	v4 =	vsel vm1, v5, v4;
	v5 =	vmax.f32 v7, $0.0e+00  }
0x3c: {  	v6 =	vcvt.f32.s32 v6;
	v2 =	vtrunc.f32 v2;
	v5 =	vmin.f32 v5, $3.100000000e+01  }
0x3d: {  	v62 =	vadd.f32 $1.000000000e+00, v4;
	v4 =	vmax.f32 v4, $0.0e+00;
	v5 =	vmul.f32 $3.200000000e+01, v5  }
0x3e: {  	v0 =	vtrunc.f32 v0;
	v3 =	vadd.f32 $1.000000000e+00, v7;
	v4 =	vmin.f32 v4, $3.100000000e+01  }
0x3f: {  	v2 =	vcvt.f32.s32 v2;
	v9 =	vadd.s32 v6, v11;
	v8 =	vadd.f32 v5, v4  }
0x40: {  	v1 =	vadd.s32 v1, v11;
	v0 =	vcvt.f32.s32 v0;
	v3 =	vmax.f32 v3, $0.0e+00  }
0x41: {  	v6 =	vand.u32 $0x7, v6;
	v3 =	vmin.f32 v3, $3.100000000e+01;
	v8 =	vtrunc.f32 v8  }
0x42: {  	v63 =	vld [tilespmem:$0x1FFD0];
	v7 =	vmax.f32 v62, $0.0e+00;
	v3 =	vmul.f32 $3.200000000e+01, v3;
	v8 =	vcvt.f32.s32 v8  }
0x43: {  	v10 =	vshll.u32 v9, $0x1;
	[tilespmem:$0x1100] =	vst v9;
	v9 =	vld [tilespmem:$0x1FFF0];
	v2 =	vadd.s32 v2, v11;
	v7 =	vmin.f32 v7, $3.100000000e+01  }
0x44: {  	[tilespmem:$0x1140] =	vst v2;
	v5 =	vadd.f32 v5, v7;
	v4 =	vadd.f32 v3, v4;
	v2 =	vadd.s32 v8, v11;
	v8 =	vld [tilespmem:$0x1FFE0]  }
0x45: {  	[tilespmem:$0x1120] =	vst v1;
	v0 =	vadd.s32 v0, v11;
	v10 =	vand.u32 $0xFFFFFFF0, v10;
	v1 =	vadd.f32 v3, v7  }
0x46: {  	v6 =	vor.u32 v6, v10;
	v5 =	vtrunc.f32 v5;
	v3 =	vtrunc.f32 v4  }
0x47: {  	[tilespmem:$0x1160] =	vst v0;
	v4 =	vperm.xlane v6, v63;
	v0 =	vtrunc.f32 v1  }
0x48: {  	v5 =	vcvt.f32.s32 v5;
	v3 =	vcvt.f32.s32 v3  }
0x49: {  	v0 =	vcvt.f32.s32 v0;
	v1 =	vadd.s32 v8, v4;
	v4 =	vperm.xlane v6, v9  }
0x4a: {  	[tilespmem:$0x1110] =	vst v2;
	v2 =	vadd.s32 v5, v11  }
0x4b: {  	v0 =	vadd.s32 v0, v11;
	[tilespmem:$0x1130] =	vst v2;
	v2 =	vadd.s32 v3, v11;
	v3 =	vadd.s32 v8, v4  }
0x4c: {  	[tilespmem:$0x1170] =	vst v0  }
0x4d: {  	s9 =	simm.s32 $0x1180;
	[tilespmem:$0x1150] =	vst v2  }
0x4e: {  	[tilespmem:s9], [sflag:$0x1] =	stream.indirect_vreg.gather [hbm4b:s2+s3], $0x80, v1, vm0, $0xb8;
	[tilespmem:$0xB180] =	vst v63  }
0x4f: {  	s10 =	simm.s32 $0x1980  }
0x50: {  	[tilespmem:s10], [sflag:$0x1] =	stream.indirect_vreg.gather [hbm4b:s2+s3], $0x80, v3, vm0, $0xb8;
	[tilespmem:$0xB180] =	vst v63  }
0x51: {  	v0 =	vld [tilespmem:$0x1110];
	_ =	sdelay $0x4  }
0x52: {  	v1 =	vshll.u32 v0, $0x1  }
0x53: {  	v0 =	vand.u32 $0x7, v0;
	v1 =	vand.u32 $0xFFFFFFF0, v1  }
0x54: {  	v0 =	vor.u32 v0, v1  }
0x55: {  	v1 =	vperm.xlane v0, v63;
	_ =	sdelay $0x1  }
0x56: {  	v0 =	vperm.xlane v0, v9;
	v1 =	vadd.s32 v8, v1;
	_ =	sdelay $0x1  }
0x57: {  	v0 =	vadd.s32 v8, v0;
	_ =	sdelay $0x1  }
0x58: {  	s12 =	simm.s32 $0x2180  }
0x59: {  	[tilespmem:s12], [sflag:$0x1] =	stream.indirect_vreg.gather [hbm4b:s2+s3], $0x80, v1, vm0, $0xb8;
	[tilespmem:$0xB180] =	vst v63  }
0x5a: {  	_ = 	snop  }
0x5b: {  	[tilespmem:s15], [sflag:$0x1] =	stream.indirect_vreg.gather [hbm4b:s2+s3], $0x80, v0, vm0, $0xb8;
	[tilespmem:$0xB180] =	vst v63  }
0x5c: {  	v0 =	vld [tilespmem:$0x1120];
	_ =	sdelay $0x4  }
0x5d: {  	v1 =	vshll.u32 v0, $0x1  }
0x5e: {  	v0 =	vand.u32 $0x7, v0;
	v1 =	vand.u32 $0xFFFFFFF0, v1  }
0x5f: {  	v0 =	vor.u32 v0, v1  }
0x60: {  	v1 =	vperm.xlane v0, v63;
	_ =	sdelay $0x1  }
0x61: {  	v0 =	vperm.xlane v0, v9;
	v1 =	vadd.s32 v8, v1;
	_ =	sdelay $0x1  }
0x62: {  	v0 =	vadd.s32 v8, v0;
	_ =	sdelay $0x2  }
0x63: {  	[tilespmem:s16], [sflag:$0x1] =	stream.indirect_vreg.gather [hbm4b:s2+s3], $0x80, v1, vm0, $0xb8;
	[tilespmem:$0xB180] =	vst v63  }
0x64: {  	_ = 	snop  }
0x65: {  	[tilespmem:s17], [sflag:$0x1] =	stream.indirect_vreg.gather [hbm4b:s2+s3], $0x80, v0, vm0, $0xb8;
	[tilespmem:$0xB180] =	vst v63  }
0x66: {  	v0 =	vld [tilespmem:$0x1130];
	_ =	sdelay $0x4  }
0x67: {  	v1 =	vshll.u32 v0, $0x1  }
0x68: {  	v0 =	vand.u32 $0x7, v0;
	v1 =	vand.u32 $0xFFFFFFF0, v1  }
0x69: {  	v0 =	vor.u32 v0, v1  }
0x6a: {  	v1 =	vperm.xlane v0, v63;
	_ =	sdelay $0x1  }
0x6b: {  	v0 =	vperm.xlane v0, v9;
	v1 =	vadd.s32 v8, v1;
	_ =	sdelay $0x1  }
0x6c: {  	v0 =	vadd.s32 v8, v0;
	_ =	sdelay $0x2  }
0x6d: {  	[tilespmem:s18], [sflag:$0x1] =	stream.indirect_vreg.gather [hbm4b:s2+s3], $0x80, v1, vm0, $0xb8;
	[tilespmem:$0xB180] =	vst v63  }
0x6e: {  	_ = 	snop  }
0x6f: {  	[tilespmem:s19], [sflag:$0x1] =	stream.indirect_vreg.gather [hbm4b:s2+s3], $0x80, v0, vm0, $0xb8;
	[tilespmem:$0xB180] =	vst v63  }
0x70: {  	v0 =	vld [tilespmem:$0x1140];
	_ =	sdelay $0x4  }
0x71: {  	v1 =	vshll.u32 v0, $0x1  }
0x72: {  	v0 =	vand.u32 $0x7, v0;
	v1 =	vand.u32 $0xFFFFFFF0, v1  }
0x73: {  	v0 =	vor.u32 v0, v1  }
0x74: {  	v1 =	vperm.xlane v0, v63;
	_ =	sdelay $0x1  }
0x75: {  	v0 =	vperm.xlane v0, v9;
	v1 =	vadd.s32 v8, v1;
	_ =	sdelay $0x1  }
0x76: {  	v0 =	vadd.s32 v8, v0;
	_ =	sdelay $0x2  }
0x77: {  	[tilespmem:s20], [sflag:$0x1] =	stream.indirect_vreg.gather [hbm4b:s2+s3], $0x80, v1, vm0, $0xb8;
	[tilespmem:$0xB180] =	vst v63  }
0x78: {  	_ = 	snop  }
0x79: {  	[tilespmem:s21], [sflag:$0x1] =	stream.indirect_vreg.gather [hbm4b:s2+s3], $0x80, v0, vm0, $0xb8;
	[tilespmem:$0xB180] =	vst v63  }
0x7a: {  	v0 =	vld [tilespmem:$0x1150];
	_ =	sdelay $0x4  }
0x7b: {  	v1 =	vshll.u32 v0, $0x1  }
0x7c: {  	v0 =	vand.u32 $0x7, v0;
	v1 =	vand.u32 $0xFFFFFFF0, v1  }
0x7d: {  	v0 =	vor.u32 v0, v1  }
0x7e: {  	v1 =	vperm.xlane v0, v63;
	_ =	sdelay $0x1  }
0x7f: {  	v0 =	vperm.xlane v0, v9;
	v1 =	vadd.s32 v8, v1;
	_ =	sdelay $0x1  }
0x80: {  	v0 =	vadd.s32 v8, v0;
	_ =	sdelay $0x2  }
0x81: {  	[tilespmem:s22], [sflag:$0x1] =	stream.indirect_vreg.gather [hbm4b:s2+s3], $0x80, v1, vm0, $0xb8;
	[tilespmem:$0xB180] =	vst v63  }
0x82: {  	_ = 	snop  }
0x83: {  	[tilespmem:s23], [sflag:$0x1] =	stream.indirect_vreg.gather [hbm4b:s2+s3], $0x80, v0, vm0, $0xb8;
	[tilespmem:$0xB180] =	vst v63  }
0x84: {  	v0 =	vld [tilespmem:$0x1160];
	_ =	sdelay $0x4  }
0x85: {  	v1 =	vshll.u32 v0, $0x1  }
0x86: {  	v0 =	vand.u32 $0x7, v0;
	v1 =	vand.u32 $0xFFFFFFF0, v1  }
0x87: {  	v0 =	vor.u32 v0, v1  }
0x88: {  	v1 =	vperm.xlane v0, v63;
	_ =	sdelay $0x1  }
0x89: {  	v0 =	vperm.xlane v0, v9;
	v1 =	vadd.s32 v8, v1;
	_ =	sdelay $0x1  }
0x8a: {  	v0 =	vadd.s32 v8, v0;
	_ =	sdelay $0x2  }
0x8b: {  	[tilespmem:s24], [sflag:$0x1] =	stream.indirect_vreg.gather [hbm4b:s2+s3], $0x80, v1, vm0, $0xb8;
	[tilespmem:$0xB180] =	vst v63  }
0x8c: {  	_ = 	snop  }
0x8d: {  	[tilespmem:s25], [sflag:$0x1] =	stream.indirect_vreg.gather [hbm4b:s2+s3], $0x80, v0, vm0, $0xb8;
	[tilespmem:$0xB180] =	vst v63  }
0x8e: {  	v0 =	vld [tilespmem:$0x1170];
	_ =	sdelay $0x4  }
0x8f: {  	v1 =	vshll.u32 v0, $0x1  }
0x90: {  	v0 =	vand.u32 $0x7, v0;
	v1 =	vand.u32 $0xFFFFFFF0, v1  }
0x91: {  	v0 =	vor.u32 v0, v1  }
0x92: {  	v1 =	vperm.xlane v0, v63;
	_ =	sdelay $0x1  }
0x93: {  	v0 =	vperm.xlane v0, v9;
	v1 =	vadd.s32 v8, v1;
	_ =	sdelay $0x1  }
0x94: {  	v0 =	vadd.s32 v8, v0;
	_ =	sdelay $0x2  }
0x95: {  	[tilespmem:s26], [sflag:$0x1] =	stream.indirect_vreg.gather [hbm4b:s2+s3], $0x80, v1, vm0, $0xb8;
	[tilespmem:$0xB180] =	vst v63  }
0x96: {  	_ = 	snop  }
0x97: {  	[tilespmem:s28], [sflag:$0x1] =	stream.indirect_vreg.gather [hbm4b:s2+s3], $0x80, v0, vm0, $0xb8;
	[tilespmem:$0xB180] =	vst v63  }
0x98: {  	_ =	swait.ge [sflag:s11], $0x8000  }
0x99: {  	s13 =	sand.u32 $0x1800, s3;
	s1 =	sand.u32 $0x380, s3;
	[sflag:s11] =	ssyncset.done $0x0  }
0x9a: {  	s1 =	sor.u32 s1, s13;
	[sflag:s11] =	ssyncadd.s32 $0xFFFF8000  }
0x9b: {  	v0 =	vld [tilespmem:s1+$0x1180]  }
0x9c: {  	v1 =	vld [tilespmem:s1+$0x3180]  }
0x9d: {  	v2 =	vld [tilespmem:s1+$0x1190]  }
0x9e: {  	v12 =	vld [tilespmem:s1+$0x3190]  }
0x9f: {  	v43 =	vld [tilespmem:s1+$0x11A0]  }
0xa0: {  	v4 =	vld [tilespmem:s1+$0x11B0]  }
0xa1: {  	v16 =	vld [tilespmem:s1+$0x31B0]  }
0xa2: {  	v11 =	vld [tilespmem:s1+$0x31C0]  }
0xa3: {  	v14 =	vld [tilespmem:s1+$0x11D0]  }
0xa4: {  	v15 =	vld [tilespmem:s1+$0x31D0]  }
0xa5: {  	v23 =	vld [tilespmem:s1+$0x31E0]  }
0xa6: {  	v46 =	vld [tilespmem:s1+$0x11F0]  }
0xa7: {  	v20 =	vld [tilespmem:s1+$0x31F0]  }
0xa8: {  	v33 =	vld [tilespmem:s1+$0x1580]  }
0xa9: {  	v3 =	vld [tilespmem:s1+$0x3580]  }
0xaa: {  	v25 =	vld [tilespmem:s1+$0x1590]  }
0xab: {  	v28 =	vld [tilespmem:s1+$0x35C0]  }
0xac: {  	v30 =	vld [tilespmem:s1+$0x15E0]  }
0xad: {  	v13 =	vld [tilespmem:s1+$0x35F0]  }
0xae: {  	v17 =	vld [tilespmem:s1+$0x35D0]  }
0xaf: {  	v22 =	vld [tilespmem:s1+$0x75B0]  }
0xb0: {  	v19 =	vld [tilespmem:s1+$0x3590]  }
0xb1: {  	s14 =	simm.s32 $0x110;
	v26 =	vld [tilespmem:s1+$0x55B0]  }
0xb2: {  	v18 =	vld [tilespmem:s14+$0xFFFFFFF0]  }
0xb3: {  	v21 =	vld [tilespmem:s14+$0x0]  }
0xb4: {  	v29 =	vld [tilespmem:s1+$0x7190]  }
0xb5: {  	v35 =	vld [tilespmem:s1+$0x15B0]  }
0xb6: {  	v36 =	vld [tilespmem:s1+$0x51E0]  }
0xb7: {  	v39 =	vld [tilespmem:s1+$0x5190]  }
0xb8: {  	v45 =	vld [tilespmem:s1+$0x55A0]  }
0xb9: {  	v38 =	vld [tilespmem:s1+$0x71F0]  }
0xba: {  	v40 =	vld [tilespmem:s1+$0x71C0]  }
0xbb: {  	v44 =	vld [tilespmem:s1+$0x51F0]  }
0xbc: {  	v58 =	vld [tilespmem:s1+$0x35A0]  }
0xbd: {  	v32 =	vld [tilespmem:s1+$0x75F0];
	v18 =	vmul.f32 $6.250000000e-02, v18  }
0xbe: {  	v31 =	vld [tilespmem:s1+$0x5580];
	v21 =	vmul.f32 $6.250000000e-02, v21  }
0xbf: {  	v41 =	vld [tilespmem:s1+$0x15F0];
	v18 =	vadd.f32 $-5.000000000e-01, v18  }
0xc0: {  	v37 =	vld [tilespmem:s1+$0x71E0];
	v21 =	vadd.f32 $-5.000000000e-01, v21  }
0xc1: {  	[tilespmem:$0x1FF50] =	vst v1;
	v1 =	vld [tilespmem:s1+$0x31A0];
	v24 =	vtrunc.f32 v18  }
0xc2: {  	[tilespmem:$0x1FF80] =	vst v3;
	v3 =	vld [tilespmem:s1+$0x5180];
	v27 =	vtrunc.f32 v21;
	v24 =	vcvt.f32.s32 v24  }
0xc3: {  	v48 =	vld [tilespmem:s1+$0x75A0];
	v27 =	vcvt.f32.s32 v27  }
0xc4: {  	v7 =	vld [tilespmem:s1+$0x55F0];
	v24 =	vcvt.s32.f32 v24  }
0xc5: {  	v51 =	vld [tilespmem:s1+$0x55E0];
	v27 =	vcvt.s32.f32 v27  }
0xc6: {  	[tilespmem:$0x1FF60] =	vst v1;
	v1 =	vld [tilespmem:s1+$0x11C0];
	v34 =	vadd.f32 $-1.000000000e+00, v24  }
0xc7: {  	[tilespmem:$0x1FF90] =	vst v3;
	v3 =	vld [tilespmem:s1+$0x55D0];
	vm1 =	vlt.f32 v18, v24;
	v42 =	vadd.f32 $-1.000000000e+00, v27  }
0xc8: {  	v56 =	vld [tilespmem:s1+$0x51C0];
	vm2 =	vlt.f32 v21, v27;
	v34 =	vsel vm1, v34, v24  }
0xc9: {  	v57 =	vld [tilespmem:s1+$0x51A0];
	v27 =	vsel vm2, v42, v27;
	v49 =	vsub.f32 v18, v34  }
0xca: {  	v61 =	vld [tilespmem:s1+$0x35B0];
	v21 =	vsub.f32 v21, v27  }
0xcb: {  	[tilespmem:$0x1FF70] =	vst v1;
	v1 =	vld [tilespmem:s1+$0x11E0];
	v47 =	vsub.f32 $1.000000000e+00, v49  }
0xcc: {  	[tilespmem:$0x1FFA0] =	vst v3;
	v3 =	vld [tilespmem:s1+$0x75D0];
	v52 =	vsub.f32 $1.000000000e+00, v21;
	v18 =	vmul.f32 v21, v49  }
0xcd: {  	v62 =	vld [tilespmem:s1+$0x15A0];
	v27 =	vmul.f32 v47, v21  }
0xce: {  	v24 =	vld [tilespmem:s1+$0x5590];
	v55 =	vmul.f32 v52, v47;
	v50 =	vmul.f32 v37, v18  }
0xcf: {  	v42 =	vld [tilespmem:s1+$0x51B0];
	v53 =	vmul.f32 v48, v18;
	v32 =	vmul.f32 v32, v18  }
0xd0: {  	v34 =	vld [tilespmem:s1+$0x71D0];
	v21 =	vmul.f32 v31, v27;
	v31 =	vmul.f32 v7, v27  }
0xd1: {  	[tilespmem:$0x1FFB0] =	vst v3;
	v3 =	vld [tilespmem:s1+$0x15D0];
	v59 =	vmul.f32 v1, v55;
	v37 =	vmul.f32 v55, v0  }
0xd2: {  	v47 =	vld [tilespmem:s1+$0x51D0];
	v54 =	vmul.f32 v51, v27;
	v63 =	vmul.f32 v55, v2  }
0xd3: {  	v48 =	vld [tilespmem:s1+$0x55C0];
	v60 =	vmul.f32 v56, v27;
	v41 =	vmul.f32 v41, v55  }
0xd4: {  	v1 =	vld [tilespmem:s1+$0x35E0];
	v57 =	vmul.f32 v57, v27;
	v33 =	vmul.f32 v33, v55  }
0xd5: {  	v2 =	vld [tilespmem:s1+$0x15C0];
	v51 =	vmul.f32 v52, v49;
	v56 =	vmul.f32 v43, v55  }
0xd6: {  	v0 =	vmul.f32 v46, v55;
	v52 =	vmul.f32 v4, v55;
	v43 =	vld [tilespmem:s1+$0x75C0]  }
0xd7: {  	s0 =	simm.s32 $0x100;
	s9 =	simm.s32 $0x190;
	s10 =	simm.s32 $0x80;
	v49 =	vmul.f32 v3, v55;
	v3 =	vld [tilespmem:s1+$0x75E0];
	v61 =	vmul.f32 v61, v51  }
.LBB2_2:
0xd8: {  	s12 =	sand.u32 $0x1800, s0;
	s14 =	sand.u32 $0x380, s10;
	v46 =	vld [tilespmem:s1+$0x71A0]  }
0xd9: {  	v6 =	vld [tilespmem:s1+$0x71B0];
	v23 =	vmul.f32 v23, v51;
	v8 =	vmul.f32 v51, v12;
	s12 =	sor.u32 s14, s12  }
0xda: {  	v28 =	vmul.f32 v28, v51;
	v30 =	vmul.f32 v30, v55;
	v7 =	vld [tilespmem:s12+$0x1180]  }
0xdb: {  	v12 =	vld [tilespmem:s12+$0x3190];
	v8 =	vadd.f32 v8, v63;
	v63 =	vmul.f32 v14, v55;
	v14 =	vmul.f32 v20, v51  }
0xdc: {  	v20 =	vld [tilespmem:s12+$0x31B0];
	v2 =	vmul.f32 v2, v55;
	v1 =	vmul.f32 v1, v51  }
0xdd: {  	v4 =	vmul.f32 v58, v51;
	v5 =	vmul.f32 v42, v27;
	v42 =	vld [tilespmem:s12+$0x1190]  }
0xde: {  	v1 =	vadd.f32 v1, v30;
	v2 =	vadd.f32 v28, v2;
	v28 =	vmul.f32 v11, v51;
	v11 =	vld [tilespmem:$0x1FF70]  }
0xdf: {  	v58 =	vmul.f32 v48, v27;
	v48 =	vadd.f32 v23, v59;
	v59 =	vmul.f32 v43, v18;
	v43 =	vld [tilespmem:s12+$0x11A0]  }
0xe0: {  	v23 =	vmul.f32 v3, v18;
	v3 =	vld [tilespmem:s12+$0x31A0];
	v1 =	vadd.f32 v54, v1  }
0xe1: {  	[tilespmem:$0x1FF40] =	vst v7;
	v7 =	vmul.f32 v25, v55;
	v25 =	vld [tilespmem:s12+$0x3180]  }
0xe2: {  	v10 =	vmul.f32 v15, v51;
	v15 =	vmul.f32 v62, v55;
	v1 =	vadd.f32 v23, v1;
	v23 =	vld [tilespmem:$0x1FF50]  }
0xe3: {  	v30 =	vmul.f32 v11, v55;
	v11 =	vld [tilespmem:s12+$0x11C0]  }
0xe4: {  	v0 =	vadd.f32 v14, v0;
	v14 =	vld [tilespmem:s12+$0x11D0]  }
0xe5: {  	v9 =	vmul.f32 v46, v18;
	v46 =	vld [tilespmem:s12+$0x11B0]  }
0xe6: {  	v16 =	vmul.f32 v16, v51;
	v4 =	vadd.f32 v4, v15;
	v15 =	vmov v25;
	v25 =	vld [tilespmem:$0x1FF60]  }
0xe7: {  	v26 =	vmul.f32 v26, v27;
	[tilespmem:$0x1FF50] =	vst v15;
	v15 =	vld [tilespmem:s12+$0x31D0];
	v62 =	vmul.f32 v51, v23  }
0xe8: {  	v23 =	vmul.f32 v45, v27;
	v45 =	vadd.f32 v16, v52;
	v52 =	vadd.f32 v28, v30;
	v28 =	vld [tilespmem:$0x1FF80];
	[tilespmem:$0x1FF70] =	vst v11  }
0xe9: {  	v44 =	vmul.f32 v44, v27;
	v11 =	vld [tilespmem:s12+$0x31C0];
	[tilespmem:s1+$0x95E0] =	vst v1;
	v1 =	vmul.f32 v39, v27  }
0xea: {  	v22 =	vmul.f32 v22, v18;
	v10 =	vadd.f32 v10, v63;
	v30 =	vmul.f32 v35, v55;
	v54 =	vld [tilespmem:s12+$0x11E0]  }
0xeb: {  	v0 =	vadd.f32 v44, v0;
	v1 =	vadd.f32 v8, v1;
	v8 =	vmul.f32 v19, v51;
	v19 =	vld [tilespmem:s12+$0x3580]  }
0xec: {  	v16 =	vmovc v20;
	v25 =	vmul.f32 v25, v51;
	v4 =	vadd.f32 v23, v4;
	v20 =	vld [tilespmem:s12+$0x31F0];
	v30 =	vadd.f32 v61, v30  }
0xed: {  	v23 =	vmovc v3;
	v3 =	vadd.f32 v60, v52;
	v52 =	vld [tilespmem:s12+$0x11F0];
	v39 =	vmul.f32 v28, v51;
	v28 =	vmul.f32 v36, v27  }
0xee: {  	v29 =	vmul.f32 v29, v18;
	v5 =	vadd.f32 v5, v45;
	v25 =	vadd.f32 v25, v56;
	v56 =	vld [tilespmem:s12+$0x1580]  }
0xef: {  	v38 =	vmul.f32 v38, v18;
	v4 =	vadd.f32 v53, v4;
	[tilespmem:$0x1FF60] =	vst v23;
	v23 =	vld [tilespmem:s12+$0x31E0];
	v28 =	vadd.f32 v28, v48  }
0xf0: {  	v6 =	vmul.f32 v6, v18;
	v1 =	vadd.f32 v1, v29;
	[tilespmem:$0x1FF80] =	vst v19;
	v19 =	vadd.f32 v57, v25;
	v25 =	vld [tilespmem:s12+$0x1590]  }
0xf1: {  	v13 =	vmul.f32 v13, v51;
	v0 =	vadd.f32 v38, v0;
	v29 =	vadd.f32 v50, v28;
	v28 =	vld [tilespmem:s12+$0x35C0];
	[tilespmem:s1+$0x95A0] =	vst v4  }
0xf2: {  	v40 =	vmul.f32 v40, v18;
	v26 =	vadd.f32 v26, v30;
	v5 =	vadd.f32 v6, v5;
	v30 =	vld [tilespmem:s12+$0x15E0];
	[tilespmem:s1+$0x9190] =	vst v1  }
0xf3: {  	v7 =	vadd.f32 v8, v7;
	v9 =	vadd.f32 v9, v19;
	v19 =	vmul.f32 v47, v27;
	[tilespmem:s1+$0x91F0] =	vst v0  }
0xf4: {  	v3 =	vadd.f32 v40, v3;
	v4 =	vadd.f32 v22, v26;
	[tilespmem:s1+$0x91B0] =	vst v5  }
0xf5: {  	v8 =	vld [tilespmem:s1+$0x7590];
	v22 =	vmul.f32 v34, v18;
	v1 =	vadd.f32 v19, v10;
	[tilespmem:s1+$0x91A0] =	vst v9;
	v9 =	vadd.f32 v13, v41  }
0xf6: {  	v57 =	vld [tilespmem:$0x1FFB0];
	[tilespmem:s1+$0x91C0] =	vst v3  }
0xf7: {  	[tilespmem:s1+$0x95B0] =	vst v4;
	v4 =	vld [tilespmem:s1+$0x7180];
	v1 =	vadd.f32 v22, v1;
	v5 =	vadd.f32 v31, v9  }
0xf8: {  	[tilespmem:s1+$0x91E0] =	vst v29;
	v19 =	vld [tilespmem:$0x1FF90]  }
0xf9: {  	v13 =	vld [tilespmem:$0x1FFA0];
	[tilespmem:s1+$0x91D0] =	vst v1;
	v3 =	vadd.f32 v32, v5  }
0xfa: {  	v5 =	vld [tilespmem:s12+$0x5180]  }
0xfb: {  	v17 =	vmul.f32 v17, v51;
	v60 =	vld [tilespmem:s12+$0x55D0];
	[tilespmem:s1+$0x95F0] =	vst v3  }
0xfc: {  	v10 =	vmul.f32 v24, v27;
	v3 =	vld [tilespmem:s12+$0x75D0]  }
0xfd: {  	v0 =	vadd.f32 v17, v49;
	v17 =	vadd.f32 v62, v37;
	v19 =	vmul.f32 v27, v19  }
0xfe: {  	v8 =	vmul.f32 v8, v18;
	v7 =	vadd.f32 v10, v7;
	v1 =	vld [tilespmem:s1+$0x7580];
	v13 =	vmul.f32 v13, v27  }
0xff: {  	v4 =	vmul.f32 v18, v4;
	v9 =	vadd.f32 v17, v19  }
0x100: {  	v6 =	vmul.f32 v57, v18;
	v0 =	vadd.f32 v13, v0;
	[tilespmem:$0x1FF90] =	vst v5;
	v5 =	vadd.f32 v8, v7  }
0x101: {  	v61 =	vadd.f32 v39, v33;
	v4 =	vadd.f32 v9, v4;
	[tilespmem:$0x1FFB0] =	vst v3  }
0x102: {  	v2 =	vadd.f32 v58, v2;
	v0 =	vadd.f32 v6, v0;
	[tilespmem:s1+$0x9590] =	vst v5  }
0x103: {  	v1 =	vmul.f32 v1, v18;
	v3 =	vadd.f32 v21, v61;
	v13 =	vld [tilespmem:s12+$0x35F0];
	[tilespmem:s1+$0x9180] =	vst v4  }
0x104: {  	v2 =	vadd.f32 v59, v2;
	v17 =	vld [tilespmem:s12+$0x35D0];
	[tilespmem:s1+$0x95D0] =	vst v0  }
0x105: {  	v0 =	vadd.f32 v1, v3;
	v22 =	vld [tilespmem:s12+$0x75B0]  }
0x106: {  	v19 =	vld [tilespmem:s12+$0x3590];
	[tilespmem:s1+$0x95C0] =	vst v2  }
0x107: {  	v26 =	vld [tilespmem:s12+$0x55B0];
	[tilespmem:s1+$0x9580] =	vst v0  }
0x108: {  	v0 =	vld [tilespmem:s9+$0xFFFFFFF0]  }
0x109: {  	s1 =	smov.u32 s12;
	v1 =	vld [tilespmem:s9+$0x0]  }
0x10a: {  	v29 =	vld [tilespmem:s1+$0x7190]  }
0x10b: {  	v35 =	vld [tilespmem:s1+$0x15B0]  }
0x10c: {  	v36 =	vld [tilespmem:s1+$0x51E0]  }
0x10d: {  	v39 =	vld [tilespmem:s1+$0x5190]  }
0x10e: {  	v45 =	vld [tilespmem:s1+$0x55A0];
	v0 =	vmul.f32 $6.250000000e-02, v0  }
0x10f: {  	v38 =	vld [tilespmem:s1+$0x71F0];
	v1 =	vmul.f32 $6.250000000e-02, v1  }
0x110: {  	v40 =	vld [tilespmem:s1+$0x71C0];
	v0 =	vadd.f32 $-5.000000000e-01, v0  }
0x111: {  	v44 =	vld [tilespmem:s1+$0x51F0];
	v1 =	vadd.f32 $-5.000000000e-01, v1  }
0x112: {  	v58 =	vld [tilespmem:s1+$0x35A0];
	v2 =	vtrunc.f32 v0  }
0x113: {  	v4 =	vld [tilespmem:s1+$0x75F0];
	v3 =	vtrunc.f32 v1;
	v2 =	vcvt.f32.s32 v2  }
0x114: {  	v5 =	vld [tilespmem:s1+$0x5580];
	v3 =	vcvt.f32.s32 v3  }
0x115: {  	v6 =	vld [tilespmem:s1+$0x15F0];
	v2 =	vcvt.s32.f32 v2  }
0x116: {  	v8 =	vld [tilespmem:s1+$0x71E0];
	v3 =	vcvt.s32.f32 v3  }
0x117: {  	v10 =	vld [tilespmem:s1+$0x75A0];
	v62 =	vadd.f32 $-1.000000000e+00, v2  }
0x118: {  	v24 =	vld [tilespmem:s1+$0x5590];
	vm1 =	vlt.f32 v0, v2;
	v9 =	vadd.f32 $-1.000000000e+00, v3  }
0x119: {  	v34 =	vld [tilespmem:s1+$0x71D0];
	vm2 =	vlt.f32 v1, v3;
	v2 =	vsel vm1, v62, v2  }
0x11a: {  	v63 =	vld [tilespmem:s1+$0x55E0];
	v3 =	vsel vm2, v9, v3;
	v0 =	vsub.f32 v0, v2  }
0x11b: {  	v41 =	vld [tilespmem:s1+$0x51C0];
	v1 =	vsub.f32 v1, v3  }
0x11c: {  	v48 =	vld [tilespmem:s1+$0x51A0];
	v3 =	vsub.f32 $1.000000000e+00, v0  }
0x11d: {  	v2 =	vld [tilespmem:s1+$0x55F0];
	v9 =	vsub.f32 $1.000000000e+00, v1;
	v18 =	vmul.f32 v1, v0  }
0x11e: {  	v47 =	vld [tilespmem:s1+$0x51D0];
	v27 =	vmul.f32 v3, v1  }
0x11f: {  	v62 =	vld [tilespmem:s1+$0x15A0];
	v55 =	vmul.f32 v9, v3;
	v50 =	vmul.f32 v8, v18  }
0x120: {  	v53 =	vmul.f32 v10, v18;
	v1 =	vld [tilespmem:s1+$0x35E0];
	v32 =	vmul.f32 v4, v18  }
0x121: {  	v3 =	vld [tilespmem:s1+$0x15D0];
	v51 =	vmul.f32 v9, v0;
	v21 =	vmul.f32 v5, v27  }
0x122: {  	v5 =	vld [tilespmem:s1+$0x35B0];
	v31 =	vmul.f32 v2, v27;
	v59 =	vmul.f32 v54, v55  }
0x123: {  	p0 =	sne.s32 s10, $0xF80;
	v2 =	vld [tilespmem:$0x1FF40];
	v54 =	vmul.f32 v63, v27;
	v63 =	vmul.f32 v55, v42  }
.Ltmp0:
0x124: {  	[tilespmem:$0x1FFA0] =	vst v60;
	v60 =	vmul.f32 v41, v27;
	v41 =	vmul.f32 v6, v55;
	v42 =	vld [tilespmem:s1+$0x51B0];
	(pc) =	sbr.rel @p0 .LBB2_2-.Ltmp0, $4  }
0x125: {  	v57 =	vmul.f32 v48, v27;
	v33 =	vmul.f32 v56, v55;
	v48 =	vld [tilespmem:s1+$0x55C0]  }
0x126: {  	s13 =	smov.u32 s10;
	v56 =	vmul.f32 v43, v55;
	v0 =	vmul.f32 v52, v55;
	v43 =	vld [tilespmem:s1+$0x75C0]  }
0x127: {  	s13 =	sadd.s32 $0x80, s10;
	v52 =	vmul.f32 v46, v55;
	v49 =	vmul.f32 v3, v55;
	v3 =	vld [tilespmem:s1+$0x75E0]  }
0x128: {  	s0 =	sadd.s32 $0x100, s0;
	s10 =	smov.u32 s13;
	s9 =	sadd.s32 $0x80, s9;
	v37 =	vmul.f32 v55, v2;
	v2 =	vld [tilespmem:s1+$0x15C0];
	v61 =	vmul.f32 v5, v51  }
0x129: {  	v4 =	vmul.f32 v23, v51;
	v1 =	vmul.f32 v1, v51  }
0x12a: {  	v5 =	vmul.f32 v30, v55;
	v6 =	vmul.f32 v51, v12  }
0x12b: {  	v7 =	vmul.f32 v28, v51;
	v20 =	vmul.f32 v20, v51  }
0x12c: {  	v23 =	vmul.f32 v58, v51;
	v28 =	vmul.f32 v62, v55  }
0x12d: {  	v8 =	vmul.f32 v16, v51;
	v30 =	vmul.f32 v11, v51  }
0x12e: {  	v45 =	vmul.f32 v45, v27;
	v46 =	vmul.f32 v25, v55  }
0x12f: {  	v10 =	vmul.f32 v14, v55;
	v22 =	vmul.f32 v22, v18  }
0x130: {  	v9 =	vld [tilespmem:$0x1FF70];
	v25 =	vmul.f32 v44, v27;
	v4 =	vadd.f32 v4, v59;
	v1 =	vadd.f32 v1, v5  }
0x131: {  	v63 =	vadd.f32 v6, v63;
	v6 =	vadd.f32 v23, v28;
	v59 =	vmul.f32 v36, v27  }
0x132: {  	v0 =	vadd.f32 v20, v0;
	v28 =	vmul.f32 v42, v27;
	v3 =	vmul.f32 v3, v18  }
0x133: {  	v62 =	vld [tilespmem:s1+$0x71B0];
	v2 =	vmul.f32 v2, v55;
	v1 =	vadd.f32 v54, v1;
	v6 =	vadd.f32 v45, v6  }
0x134: {  	v4 =	vadd.f32 v59, v4;
	v0 =	vadd.f32 v25, v0;
	v45 =	vmul.f32 v13, v51  }
0x135: {  	v9 =	vmul.f32 v9, v55;
	v55 =	vmul.f32 v35, v55;
	v2 =	vadd.f32 v7, v2  }
0x136: {  	v54 =	vld [tilespmem:$0x1FF60];
	v35 =	vmul.f32 v38, v18;
	v1 =	vadd.f32 v3, v1;
	v7 =	vadd.f32 v8, v52  }
0x137: {  	v52 =	vmul.f32 v15, v51;
	v6 =	vadd.f32 v53, v6;
	v4 =	vadd.f32 v50, v4  }
0x138: {  	v38 =	vmul.f32 v62, v18;
	v3 =	vadd.f32 v30, v9;
	v12 =	vadd.f32 v61, v55  }
0x139: {  	v61 =	vmul.f32 v26, v27;
	v0 =	vadd.f32 v35, v0;
	v8 =	vadd.f32 v52, v10  }
0x13a: {  	v58 =	vld [tilespmem:s1+$0x71A0];
	v26 =	vmul.f32 v40, v18;
	v36 =	vadd.f32 v28, v7;
	v7 =	vadd.f32 v45, v41  }
0x13b: {  	v11 =	vmul.f32 v54, v51;
	v3 =	vadd.f32 v60, v3;
	v20 =	vadd.f32 v61, v12  }
0x13c: {  	v50 =	vld [tilespmem:$0x1FFA0];
	[tilespmem:s1+$0x91E0] =	vst v4;
	v60 =	vmul.f32 v39, v27;
	v4 =	vadd.f32 v38, v36;
	v7 =	vadd.f32 v31, v7  }
0x13d: {  	v30 =	vld [tilespmem:s1+$0x7590];
	v40 =	vmul.f32 v19, v51;
	[tilespmem:s1+$0x95E0] =	vst v1;
	v11 =	vadd.f32 v11, v56;
	v1 =	vadd.f32 v22, v20  }
0x13e: {  	v5 =	vadd.f32 v63, v60;
	v63 =	vmul.f32 v29, v18;
	v29 =	vmul.f32 v47, v27;
	v47 =	vld [tilespmem:$0x1FF80]  }
0x13f: {  	v23 =	vmul.f32 v58, v18;
	v11 =	vadd.f32 v57, v11;
	[tilespmem:s1+$0x95B0] =	vst v1;
	v1 =	vadd.f32 v40, v46;
	v46 =	vld [tilespmem:$0x1FF50]  }
0x140: {  	v42 =	vmul.f32 v34, v18;
	[tilespmem:s1+$0x95A0] =	vst v6;
	v5 =	vadd.f32 v5, v63;
	v8 =	vadd.f32 v29, v8  }
0x141: {  	v44 =	vmul.f32 v17, v51;
	v59 =	vld [tilespmem:$0x1FFB0];
	[tilespmem:s1+$0x91F0] =	vst v0;
	v3 =	vadd.f32 v26, v3;
	v6 =	vadd.f32 v23, v11  }
0x142: {  	v52 =	vld [tilespmem:$0x1FF90];
	v60 =	vmul.f32 v43, v18;
	v55 =	vmul.f32 v30, v18;
	[tilespmem:s1+$0x9190] =	vst v5;
	v5 =	vadd.f32 v42, v8  }
0x143: {  	v53 =	vld [tilespmem:s1+$0x7580];
	v8 =	vmul.f32 v47, v51;
	[tilespmem:s1+$0x91A0] =	vst v6;
	v6 =	vadd.f32 v44, v49;
	v49 =	vmul.f32 v24, v27  }
0x144: {  	v39 =	vld [tilespmem:s1+$0x7180];
	v56 =	vadd.f32 v32, v7;
	[tilespmem:s1+$0x91D0] =	vst v5;
	v5 =	vmul.f32 v50, v27;
	v0 =	vmul.f32 v51, v46  }
0x145: {  	v51 =	vmul.f32 v48, v27;
	v58 =	vadd.f32 v8, v33;
	v1 =	vadd.f32 v49, v1  }
0x146: {  	[tilespmem:s1+$0x91B0] =	vst v4;
	v54 =	vadd.f32 v5, v6;
	v5 =	vmul.f32 v59, v18;
	v0 =	vadd.f32 v0, v37  }
0x147: {  	[tilespmem:s1+$0x91C0] =	vst v3;
	v11 =	vmul.f32 v27, v52;
	v2 =	vadd.f32 v51, v2;
	v1 =	vadd.f32 v55, v1  }
0x148: {  	v62 =	vmul.f32 v53, v18;
	[tilespmem:s1+$0x95F0] =	vst v56;
	v61 =	vadd.f32 v21, v58;
	v4 =	vadd.f32 v5, v54  }
0x149: {  	v57 =	vmul.f32 v18, v39;
	v0 =	vadd.f32 v0, v11;
	v63 =	vadd.f32 v60, v2;
	[tilespmem:s1+$0x9590] =	vst v1  }
0x14a: {  	[tilespmem:s1+$0x95D0] =	vst v4;
	v1 =	vadd.f32 v62, v61  }
0x14b: {  	s31 =	sadd.s32 $0x1, s31;
	v0 =	vadd.f32 v0, v57;
	[tilespmem:s1+$0x95C0] =	vst v63  }
0x14c: {  	p0 =	sne.s32 s31, s8;
	[tilespmem:s1+$0x9580] =	vst v1  }
.Ltmp1:
0x14d: {  	[tilespmem:s1+$0x9180] =	vst v0;
	(pc) =	sbr.rel @p0 .LBB2_1-.Ltmp1, $4  }
0x14e: {  	[hbm4b:s7+s3] =	stream.linear.scatter [tilespmem:s29], [sflag:$0x2], $0x2000, $0x38;
	[tilespmem:$0xB180] =	vst v63  }
0x14f: {  	_ =	swait.ge [sflag:s30], $0x2000  }
0x150: {  	[sflag:s30] =	ssyncset.done $0x0  }
0x151: {  	[sflag:s30] =	ssyncadd.s32 $0xFFFFE000  }
0x152: {  	_ =	sfence.sel $0x180000  }
0x153: {  	[bflag:$0x0] =	sbarrier.arrive $0xFFFF  }
0x154: {  	_ =	strace $0x90000047  }
0x155: {  	s0 =	stileid.u32;
	[bflag:$0x2] =	sbarrier.arrive $0xFFFF  }
0x156: {  	p0 =	sne.s32 s0, $0x0;
	s0 =	rddreg [dreg:$0x2]  }
0x157: {  	s0 =	sadd.s32 @!p0 $0x100000, s0  }
0x158: {  	[sflag:s0] =	ssyncadd.tile.s32 @!p0 $0x1;
	_ =	shalt  }
.Lfunc_end2:
_tile_overlayer_lowered:
.L_overlay_start_2:
0x159: {  	(tag) =	ssettag $0x2  }
0x15a: {  	s0 =	rddreg [dreg:$0x0];
	s2 =	stileid.u32  }
0x15b: {  	s1 =	rddreg [dreg:$0x1];
	p0 =	sne.s32 s2, $0x0  }
0x15c: {  	s3 =	rddreg [dreg:$0x2];
	[bflag:$0x3] =	sbarrier.arrive $0xFFFF;
	s2 =	simm.s32 @!p0 $0x1C02  }
0x15d: {  	[timem:s3], [sflag:s2] =	dma.local @!p0 [hbm:s0], s1  }
0x15e: {  	s0 =	simm.s32 @!p0 $0x2  }
0x15f: {  	_ =	swait.ge @!p0 [sflag:s0], s1  }
0x160: {  	s1 =	ssub.s32 @!p0 $0x0, s1;
	[sflag:s0] =	ssyncset.done @!p0 $0x0  }
0x161: {  	[sflag:s0] =	ssyncadd.s32 @!p0 s1  }
0x162: {  	[bflag:$0x3] =	sbarrier.arrive $0xFFFF  }
0x163: {  	_ =	shalt  }

</sc_bundles>
